<compile_context>
chip_gen: v7x
topology: tpu7x:2x2x1
jax: 0.10.2.dev20260603
libtpu: 0.0.44.dev20260713+nightly
codegen_flags: <defaults>
</compile_context>

<pallas_src>
import functools

import jax
import jax.numpy as jnp
from jax import lax
from jax.experimental import pallas as pl
from jax.experimental.pallas import tpu as pltpu
from jax.experimental.pallas import tpu_sc as plsc

D_MODEL = 2048
N_ROWS = 4 * 8192
_L = 16

_info = plsc.get_sparse_core_info()
_NC = _info.num_cores
_NS = _info.num_subcores
_NW = _NC * _NS
_BPW = N_ROWS // _NW
_C = 16
_NPAIR = _BPW // (2 * _C)

_mesh = plsc.VectorSubcoreMesh(core_axis_name="c", subcore_axis_name="s")


@functools.partial(
    pl.kernel,
    out_type=jax.ShapeDtypeStruct((N_ROWS, D_MODEL), jnp.float32),
    mesh=_mesh,
    scratch_types=[
        pltpu.VMEM((D_MODEL,), jnp.float32),
        pltpu.VMEM((D_MODEL,), jnp.float32),
        pltpu.VMEM((_BPW,), jnp.int32),
        pltpu.VMEM((2, 128), jnp.int32),
        pltpu.VMEM((_C, D_MODEL), jnp.float32),
        pltpu.VMEM((_C, D_MODEL), jnp.float32),
        pltpu.SemaphoreType.DMA,
        pltpu.SemaphoreType.DMA,
    ],
)
def _embed_sc(x_hbm, tab_hbm, out_hbm, row0_v, row1_v, idx_v, xb_v, buf0,
              buf1, sem0, sem1):
    wid = lax.axis_index("s") * _NC + lax.axis_index("c")
    base = wid * _BPW
    pltpu.sync_copy(tab_hbm.at[0], row0_v)
    pltpu.sync_copy(tab_hbm.at[1], row1_v)
    pltpu.sync_copy(x_hbm.at[pl.ds(base, _BPW)], idx_v)

    def build(cb, buf):
        idxv = idx_v[pl.ds(cb, _L)]
        zerov = idxv * 0
        for i in range(_C):
            xb_v[i // 8, pl.ds((i % 8) * _L, _L)] = zerov + idxv[i]
        preds = [
            xb_v[i // 8, pl.ds((i % 8) * _L, _L)] != 0
            for i in range(_C)
        ]

        @plsc.parallel_loop(0, D_MODEL // _L, unroll=4)
        def dbody(d):
            off = pl.multiple_of(d * _L, _L)
            r0 = row0_v[pl.ds(off, _L)]
            r1 = row1_v[pl.ds(off, _L)]
            for i in range(_C):
                buf[i, pl.ds(off, _L)] = jnp.where(preds[i], r1, r0)

    def fire(cb, buf, sem):
        gbase = pl.multiple_of(base + cb, 8)
        pltpu.async_copy(buf, out_hbm.at[pl.ds(gbase, _C)], sem)

    def drain(buf, sem):
        pltpu.make_async_copy(buf, out_hbm.at[pl.ds(base, _C)], sem).wait()

    build(0, buf0)
    fire(0, buf0, sem0)
    build(_C, buf1)
    fire(_C, buf1, sem1)

    def pair(j, carry):
        cb = pl.multiple_of(j * (2 * _C), _C)
        drain(buf0, sem0)
        build(cb, buf0)
        fire(cb, buf0, sem0)
        drain(buf1, sem1)
        build(cb + _C, buf1)
        fire(cb + _C, buf1, sem1)
        return carry

    lax.fori_loop(1, _NPAIR, pair, 0)
    drain(buf0, sem0)
    drain(buf1, sem1)


def kernel(x, table):
    xf = x.reshape(-1).astype(jnp.int32)
    out = _embed_sc(xf, table)
    return out.reshape(x.shape[0], x.shape[1], D_MODEL)

# --- scband reference (transcript-rebuilt; emitter-appended) ---
"""Pipeline reference for scband-context-embedding-73117523247680 (READ-ONLY COPY).

The authoritative reference and input builder live on the scoring server;
editing this copy changes nothing except your own understanding.
"""

import jax, jax.numpy as jnp
import numpy as np

D_MODEL = 2048
VOCAB_SIZE = 2
BATCH = 4
SEQ_LEN = 8192

def setup_inputs(seed: int = 0) -> dict:
    key = jax.random.key(seed)
    k_idx, k_tab = jax.random.split(key)
    x = jax.random.randint(k_idx, (BATCH, SEQ_LEN), 0, VOCAB_SIZE, dtype=jnp.int64 if jax.config.jax_enable_x64 else jnp.int32)
    # nn.Embedding default init: N(0, 1)
    table = jax.random.normal(k_tab, (VOCAB_SIZE, D_MODEL), dtype=jnp.float32)
    return {"x": x, "table": table}

def reference(x, table):
    # ContextEmbedding.forward: embedding lookup
    return jnp.take(table, x, axis=0)

if __name__ == "__main__":
    import jax
    _d = setup_inputs()
    print(jax.jit(kernel)(*tuple(_d.values())))

</pallas_src>

<mosaic_0001>
#map = affine_map<(d0, d1) -> (0)>
#map1 = affine_map<(d0, d1) -> (0, 0)>
module attributes {stable_mosaic.version = 14 : i64} {
  func.func @_embed_sc(%arg0: i32, %arg1: i32, %arg2: memref<32768xi32, #tpu.memory_space<hbm>>, %arg3: memref<2x2048xf32, #tpu.memory_space<hbm>>, %arg4: memref<32768x2048xf32, #tpu.memory_space<hbm>>, %arg5: memref<2048xf32, #tpu.memory_space<vmem>>, %arg6: memref<2048xf32, #tpu.memory_space<vmem>>, %arg7: memref<1024xi32, #tpu.memory_space<vmem>>, %arg8: memref<2x128xi32, #tpu.memory_space<vmem>>, %arg9: memref<16x2048xf32, #tpu.memory_space<vmem>>, %arg10: memref<16x2048xf32, #tpu.memory_space<vmem>>, %arg11: memref<!tpu.dma_semaphore, #tpu.memory_space<semaphore_mem>>, %arg12: memref<!tpu.dma_semaphore, #tpu.memory_space<semaphore_mem>>) attributes {dimension_semantics = [#tpu.dimension_semantics<core_parallel>, #tpu.dimension_semantics<subcore_parallel>], iteration_bounds = array<i64: 2, 16>, scalar_prefetch = 0 : i64, scratch_operands = 8 : i64, tpu.core_type = #tpu.core_type<sc_vector_subcore>, window_params = [{transform_indices = #map}, {transform_indices = #map1}, {transform_indices = #map1}]} {
    %mul3A = arith.constant 2 : i32
    %mul3A_0 = arith.muli %arg1, %mul3A : i32
    %add3A = arith.addi %mul3A_0, %arg0 : i32
    %mul3A_1 = arith.constant 1024 : i32
    %mul3A_2 = arith.muli %add3A, %mul3A_1 : i32
    %run_scoped3A = arith.constant 0 : i32
    "tpu.region"() ({
      %run_scoped3A_616 = tpu.sem_alloc : memref<!tpu.dma_semaphore, #tpu.memory_space<semaphore_mem>>
      %dma_start3A_617 = arith.constant 0 : i32
      %dma_start3A_618 = tpu.memref_slice %arg3[%run_scoped3A, %dma_start3A_617] : memref<2x2048xf32, #tpu.memory_space<hbm>> -> memref<1x2048xf32, #tpu.memory_space<hbm>>
      %dma_start3A_619 = tpu.memref_squeeze %dma_start3A_618 : memref<1x2048xf32, #tpu.memory_space<hbm>> -> memref<2048xf32, #tpu.memory_space<hbm>>
      %dma_start3A_620 = arith.constant 0 : i32
      %dma_start3A_621 = tpu.memref_slice %arg3[%run_scoped3A, %dma_start3A_620] : memref<2x2048xf32, #tpu.memory_space<hbm>> -> memref<1x2048xf32, #tpu.memory_space<hbm>>
      %dma_start3A_622 = tpu.memref_squeeze %dma_start3A_621 : memref<1x2048xf32, #tpu.memory_space<hbm>> -> memref<2048xf32, #tpu.memory_space<hbm>>
      tpu.enqueue_dma source(%dma_start3A_622 : memref<2048xf32, #tpu.memory_space<hbm>>) target(%arg5 : memref<2048xf32, #tpu.memory_space<vmem>>) target_semaphore(%run_scoped3A_616 : memref<!tpu.dma_semaphore, #tpu.memory_space<semaphore_mem>>)
      %dma_wait3A_623 = arith.constant 0 : i32
      %dma_wait3A_624 = tpu.memref_slice %arg3[%run_scoped3A, %dma_wait3A_623] : memref<2x2048xf32, #tpu.memory_space<hbm>> -> memref<1x2048xf32, #tpu.memory_space<hbm>>
      %dma_wait3A_625 = tpu.memref_squeeze %dma_wait3A_624 : memref<1x2048xf32, #tpu.memory_space<hbm>> -> memref<2048xf32, #tpu.memory_space<hbm>>
      %dma_wait3A_626 = arith.constant 0 : i32
      %dma_wait3A_627 = tpu.memref_slice %arg3[%run_scoped3A, %dma_wait3A_626] : memref<2x2048xf32, #tpu.memory_space<hbm>> -> memref<1x2048xf32, #tpu.memory_space<hbm>>
      %dma_wait3A_628 = tpu.memref_squeeze %dma_wait3A_627 : memref<1x2048xf32, #tpu.memory_space<hbm>> -> memref<2048xf32, #tpu.memory_space<hbm>>
      tpu.wait_dma2 semaphore(%run_scoped3A_616 : memref<!tpu.dma_semaphore, #tpu.memory_space<semaphore_mem>>) src(%dma_wait3A_628 : memref<2048xf32, #tpu.memory_space<hbm>>) dst(%arg5 : memref<2048xf32, #tpu.memory_space<vmem>>)
      tpu.yield
    }) : () -> ()
    %run_scoped3A_3 = arith.constant 1 : i32
    "tpu.region"() ({
      %run_scoped3A_616 = tpu.sem_alloc : memref<!tpu.dma_semaphore, #tpu.memory_space<semaphore_mem>>
      %dma_start3A_617 = arith.constant 0 : i32
      %dma_start3A_618 = tpu.memref_slice %arg3[%run_scoped3A_3, %dma_start3A_617] : memref<2x2048xf32, #tpu.memory_space<hbm>> -> memref<1x2048xf32, #tpu.memory_space<hbm>>
      %dma_start3A_619 = tpu.memref_squeeze %dma_start3A_618 : memref<1x2048xf32, #tpu.memory_space<hbm>> -> memref<2048xf32, #tpu.memory_space<hbm>>
      %dma_start3A_620 = arith.constant 0 : i32
      %dma_start3A_621 = tpu.memref_slice %arg3[%run_scoped3A_3, %dma_start3A_620] : memref<2x2048xf32, #tpu.memory_space<hbm>> -> memref<1x2048xf32, #tpu.memory_space<hbm>>
      %dma_start3A_622 = tpu.memref_squeeze %dma_start3A_621 : memref<1x2048xf32, #tpu.memory_space<hbm>> -> memref<2048xf32, #tpu.memory_space<hbm>>
      tpu.enqueue_dma source(%dma_start3A_622 : memref<2048xf32, #tpu.memory_space<hbm>>) target(%arg6 : memref<2048xf32, #tpu.memory_space<vmem>>) target_semaphore(%run_scoped3A_616 : memref<!tpu.dma_semaphore, #tpu.memory_space<semaphore_mem>>)
      %dma_wait3A_623 = arith.constant 0 : i32
      %dma_wait3A_624 = tpu.memref_slice %arg3[%run_scoped3A_3, %dma_wait3A_623] : memref<2x2048xf32, #tpu.memory_space<hbm>> -> memref<1x2048xf32, #tpu.memory_space<hbm>>
      %dma_wait3A_625 = tpu.memref_squeeze %dma_wait3A_624 : memref<1x2048xf32, #tpu.memory_space<hbm>> -> memref<2048xf32, #tpu.memory_space<hbm>>
      %dma_wait3A_626 = arith.constant 0 : i32
      %dma_wait3A_627 = tpu.memref_slice %arg3[%run_scoped3A_3, %dma_wait3A_626] : memref<2x2048xf32, #tpu.memory_space<hbm>> -> memref<1x2048xf32, #tpu.memory_space<hbm>>
      %dma_wait3A_628 = tpu.memref_squeeze %dma_wait3A_627 : memref<1x2048xf32, #tpu.memory_space<hbm>> -> memref<2048xf32, #tpu.memory_space<hbm>>
      tpu.wait_dma2 semaphore(%run_scoped3A_616 : memref<!tpu.dma_semaphore, #tpu.memory_space<semaphore_mem>>) src(%dma_wait3A_628 : memref<2048xf32, #tpu.memory_space<hbm>>) dst(%arg6 : memref<2048xf32, #tpu.memory_space<vmem>>)
      tpu.yield
    }) : () -> ()
    "tpu.region"() ({
      %run_scoped3A_616 = tpu.sem_alloc : memref<!tpu.dma_semaphore, #tpu.memory_space<semaphore_mem>>
      %dma_start3A_617 = tpu.memref_slice %arg2[%mul3A_2] : memref<32768xi32, #tpu.memory_space<hbm>> -> memref<1024xi32, #tpu.memory_space<hbm>>
      %dma_start3A_618 = tpu.memref_slice %arg2[%mul3A_2] : memref<32768xi32, #tpu.memory_space<hbm>> -> memref<1024xi32, #tpu.memory_space<hbm>>
      tpu.enqueue_dma source(%dma_start3A_618 : memref<1024xi32, #tpu.memory_space<hbm>>) target(%arg7 : memref<1024xi32, #tpu.memory_space<vmem>>) target_semaphore(%run_scoped3A_616 : memref<!tpu.dma_semaphore, #tpu.memory_space<semaphore_mem>>)
      %dma_wait3A_619 = tpu.memref_slice %arg2[%mul3A_2] : memref<32768xi32, #tpu.memory_space<hbm>> -> memref<1024xi32, #tpu.memory_space<hbm>>
      %dma_wait3A_620 = tpu.memref_slice %arg2[%mul3A_2] : memref<32768xi32, #tpu.memory_space<hbm>> -> memref<1024xi32, #tpu.memory_space<hbm>>
      tpu.wait_dma2 semaphore(%run_scoped3A_616 : memref<!tpu.dma_semaphore, #tpu.memory_space<semaphore_mem>>) src(%dma_wait3A_620 : memref<1024xi32, #tpu.memory_space<hbm>>) dst(%arg7 : memref<1024xi32, #tpu.memory_space<vmem>>)
      tpu.yield
    }) : () -> ()
    %get3A = arith.constant 0 : index
    %get3A_4 = tpu.vector_load %arg7[%get3A] {strides = array<i32>} : memref<1024xi32, #tpu.memory_space<vmem>>, vector<16xi32>,
    %get3A_5 = vector.shape_cast %get3A_4 : vector<16xi32> to vector<16xi32>
    %mul3A_6 = arith.constant 0 : i32
    %mul3A_7 = vector.broadcast %mul3A_6 : i32 to vector<16xi32>
    %mul3A_8 = arith.muli %get3A_5, %mul3A_7 : vector<16xi32>
    %slice3A = vector.extract_strided_slice %get3A_5 {offsets = [0], sizes = [1], strides = [1]} : vector<16xi32> to vector<1xi32>
    %squeeze3A = vector.extract %slice3A[0] : i32 from vector<1xi32>
    %add3A_9 = vector.broadcast %squeeze3A : i32 to vector<16xi32>
    %add3A_10 = arith.addi %mul3A_8, %add3A_9 : vector<16xi32>
    %swap3A = arith.constant 0 : i32
    %swap3A_11 = arith.index_cast %swap3A : i32 to index
    %swap3A_12 = arith.constant 0 : index
    %swap3A_13 = tpu.vector_load %arg8[%swap3A_11, %swap3A_12] {strides = array<i32>} : memref<2x128xi32, #tpu.memory_space<vmem>>, vector<1x16xi32>,
    %swap3A_14 = vector.shape_cast %swap3A_13 : vector<1x16xi32> to vector<16xi32>
    %swap3A_15 = vector.shape_cast %add3A_10 : vector<16xi32> to vector<1x16xi32>
    tpu.vector_store %arg8[%swap3A_11, %swap3A_12], %swap3A_15 {strides = array<i32>} : memref<2x128xi32, #tpu.memory_space<vmem>>, vector<1x16xi32>,
    %slice3A_16 = vector.extract_strided_slice %get3A_5 {offsets = [1], sizes = [1], strides = [1]} : vector<16xi32> to vector<1xi32>
    %squeeze3A_17 = vector.extract %slice3A_16[0] : i32 from vector<1xi32>
    %add3A_18 = vector.broadcast %squeeze3A_17 : i32 to vector<16xi32>
    %add3A_19 = arith.addi %mul3A_8, %add3A_18 : vector<16xi32>
    %swap3A_20 = arith.constant 0 : i32
    %swap3A_21 = arith.index_cast %swap3A_20 : i32 to index
    %swap3A_22 = arith.constant 16 : index
    %swap3A_23 = tpu.vector_load %arg8[%swap3A_21, %swap3A_22] {strides = array<i32>} : memref<2x128xi32, #tpu.memory_space<vmem>>, vector<1x16xi32>,
    %swap3A_24 = vector.shape_cast %swap3A_23 : vector<1x16xi32> to vector<16xi32>
    %swap3A_25 = vector.shape_cast %add3A_19 : vector<16xi32> to vector<1x16xi32>
    tpu.vector_store %arg8[%swap3A_21, %swap3A_22], %swap3A_25 {strides = array<i32>} : memref<2x128xi32, #tpu.memory_space<vmem>>, vector<1x16xi32>,
    %slice3A_26 = vector.extract_strided_slice %get3A_5 {offsets = [2], sizes = [1], strides = [1]} : vector<16xi32> to vector<1xi32>
    %squeeze3A_27 = vector.extract %slice3A_26[0] : i32 from vector<1xi32>
    %add3A_28 = vector.broadcast %squeeze3A_27 : i32 to vector<16xi32>
    %add3A_29 = arith.addi %mul3A_8, %add3A_28 : vector<16xi32>
    %swap3A_30 = arith.constant 0 : i32
    %swap3A_31 = arith.index_cast %swap3A_30 : i32 to index
    %swap3A_32 = arith.constant 32 : index
    %swap3A_33 = tpu.vector_load %arg8[%swap3A_31, %swap3A_32] {strides = array<i32>} : memref<2x128xi32, #tpu.memory_space<vmem>>, vector<1x16xi32>,
    %swap3A_34 = vector.shape_cast %swap3A_33 : vector<1x16xi32> to vector<16xi32>
    %swap3A_35 = vector.shape_cast %add3A_29 : vector<16xi32> to vector<1x16xi32>
    tpu.vector_store %arg8[%swap3A_31, %swap3A_32], %swap3A_35 {strides = array<i32>} : memref<2x128xi32, #tpu.memory_space<vmem>>, vector<1x16xi32>,
    %slice3A_36 = vector.extract_strided_slice %get3A_5 {offsets = [3], sizes = [1], strides = [1]} : vector<16xi32> to vector<1xi32>
    %squeeze3A_37 = vector.extract %slice3A_36[0] : i32 from vector<1xi32>
    %add3A_38 = vector.broadcast %squeeze3A_37 : i32 to vector<16xi32>
    %add3A_39 = arith.addi %mul3A_8, %add3A_38 : vector<16xi32>
    %swap3A_40 = arith.constant 0 : i32
    %swap3A_41 = arith.index_cast %swap3A_40 : i32 to index
    %swap3A_42 = arith.constant 48 : index
    %swap3A_43 = tpu.vector_load %arg8[%swap3A_41, %swap3A_42] {strides = array<i32>} : memref<2x128xi32, #tpu.memory_space<vmem>>, vector<1x16xi32>,
    %swap3A_44 = vector.shape_cast %swap3A_43 : vector<1x16xi32> to vector<16xi32>
    %swap3A_45 = vector.shape_cast %add3A_39 : vector<16xi32> to vector<1x16xi32>
    tpu.vector_store %arg8[%swap3A_41, %swap3A_42], %swap3A_45 {strides = array<i32>} : memref<2x128xi32, #tpu.memory_space<vmem>>, vector<1x16xi32>,
    %slice3A_46 = vector.extract_strided_slice %get3A_5 {offsets = [4], sizes = [1], strides = [1]} : vector<16xi32> to vector<1xi32>
    %squeeze3A_47 = vector.extract %slice3A_46[0] : i32 from vector<1xi32>
    %add3A_48 = vector.broadcast %squeeze3A_47 : i32 to vector<16xi32>
    %add3A_49 = arith.addi %mul3A_8, %add3A_48 : vector<16xi32>
    %swap3A_50 = arith.constant 0 : i32
    %swap3A_51 = arith.index_cast %swap3A_50 : i32 to index
    %swap3A_52 = arith.constant 64 : index
    %swap3A_53 = tpu.vector_load %arg8[%swap3A_51, %swap3A_52] {strides = array<i32>} : memref<2x128xi32, #tpu.memory_space<vmem>>, vector<1x16xi32>,
    %swap3A_54 = vector.shape_cast %swap3A_53 : vector<1x16xi32> to vector<16xi32>
    %swap3A_55 = vector.shape_cast %add3A_49 : vector<16xi32> to vector<1x16xi32>
    tpu.vector_store %arg8[%swap3A_51, %swap3A_52], %swap3A_55 {strides = array<i32>} : memref<2x128xi32, #tpu.memory_space<vmem>>, vector<1x16xi32>,
    %slice3A_56 = vector.extract_strided_slice %get3A_5 {offsets = [5], sizes = [1], strides = [1]} : vector<16xi32> to vector<1xi32>
    %squeeze3A_57 = vector.extract %slice3A_56[0] : i32 from vector<1xi32>
    %add3A_58 = vector.broadcast %squeeze3A_57 : i32 to vector<16xi32>
    %add3A_59 = arith.addi %mul3A_8, %add3A_58 : vector<16xi32>
    %swap3A_60 = arith.constant 0 : i32
    %swap3A_61 = arith.index_cast %swap3A_60 : i32 to index
    %swap3A_62 = arith.constant 80 : index
    %swap3A_63 = tpu.vector_load %arg8[%swap3A_61, %swap3A_62] {strides = array<i32>} : memref<2x128xi32, #tpu.memory_space<vmem>>, vector<1x16xi32>,
    %swap3A_64 = vector.shape_cast %swap3A_63 : vector<1x16xi32> to vector<16xi32>
    %swap3A_65 = vector.shape_cast %add3A_59 : vector<16xi32> to vector<1x16xi32>
    tpu.vector_store %arg8[%swap3A_61, %swap3A_62], %swap3A_65 {strides = array<i32>} : memref<2x128xi32, #tpu.memory_space<vmem>>, vector<1x16xi32>,
    %slice3A_66 = vector.extract_strided_slice %get3A_5 {offsets = [6], sizes = [1], strides = [1]} : vector<16xi32> to vector<1xi32>
    %squeeze3A_67 = vector.extract %slice3A_66[0] : i32 from vector<1xi32>
    %add3A_68 = vector.broadcast %squeeze3A_67 : i32 to vector<16xi32>
    %add3A_69 = arith.addi %mul3A_8, %add3A_68 : vector<16xi32>
    %swap3A_70 = arith.constant 0 : i32
    %swap3A_71 = arith.index_cast %swap3A_70 : i32 to index
    %swap3A_72 = arith.constant 96 : index
    %swap3A_73 = tpu.vector_load %arg8[%swap3A_71, %swap3A_72] {strides = array<i32>} : memref<2x128xi32, #tpu.memory_space<vmem>>, vector<1x16xi32>,
    %swap3A_74 = vector.shape_cast %swap3A_73 : vector<1x16xi32> to vector<16xi32>
    %swap3A_75 = vector.shape_cast %add3A_69 : vector<16xi32> to vector<1x16xi32>
    tpu.vector_store %arg8[%swap3A_71, %swap3A_72], %swap3A_75 {strides = array<i32>} : memref<2x128xi32, #tpu.memory_space<vmem>>, vector<1x16xi32>,
    %slice3A_76 = vector.extract_strided_slice %get3A_5 {offsets = [7], sizes = [1], strides = [1]} : vector<16xi32> to vector<1xi32>
    %squeeze3A_77 = vector.extract %slice3A_76[0] : i32 from vector<1xi32>
    %add3A_78 = vector.broadcast %squeeze3A_77 : i32 to vector<16xi32>
    %add3A_79 = arith.addi %mul3A_8, %add3A_78 : vector<16xi32>
    %swap3A_80 = arith.constant 0 : i32
    %swap3A_81 = arith.index_cast %swap3A_80 : i32 to index
    %swap3A_82 = arith.constant 112 : index
    %swap3A_83 = tpu.vector_load %arg8[%swap3A_81, %swap3A_82] {strides = array<i32>} : memref<2x128xi32, #tpu.memory_space<vmem>>, vector<1x16xi32>,
    %swap3A_84 = vector.shape_cast %swap3A_83 : vector<1x16xi32> to vector<16xi32>
    %swap3A_85 = vector.shape_cast %add3A_79 : vector<16xi32> to vector<1x16xi32>
    tpu.vector_store %arg8[%swap3A_81, %swap3A_82], %swap3A_85 {strides = array<i32>} : memref<2x128xi32, #tpu.memory_space<vmem>>, vector<1x16xi32>,
    %slice3A_86 = vector.extract_strided_slice %get3A_5 {offsets = [8], sizes = [1], strides = [1]} : vector<16xi32> to vector<1xi32>
    %squeeze3A_87 = vector.extract %slice3A_86[0] : i32 from vector<1xi32>
    %add3A_88 = vector.broadcast %squeeze3A_87 : i32 to vector<16xi32>
    %add3A_89 = arith.addi %mul3A_8, %add3A_88 : vector<16xi32>
    %swap3A_90 = arith.constant 1 : i32
    %swap3A_91 = arith.index_cast %swap3A_90 : i32 to index
    %swap3A_92 = arith.constant 0 : index
    %swap3A_93 = tpu.vector_load %arg8[%swap3A_91, %swap3A_92] {strides = array<i32>} : memref<2x128xi32, #tpu.memory_space<vmem>>, vector<1x16xi32>,
    %swap3A_94 = vector.shape_cast %swap3A_93 : vector<1x16xi32> to vector<16xi32>
    %swap3A_95 = vector.shape_cast %add3A_89 : vector<16xi32> to vector<1x16xi32>
    tpu.vector_store %arg8[%swap3A_91, %swap3A_92], %swap3A_95 {strides = array<i32>} : memref<2x128xi32, #tpu.memory_space<vmem>>, vector<1x16xi32>,
    %slice3A_96 = vector.extract_strided_slice %get3A_5 {offsets = [9], sizes = [1], strides = [1]} : vector<16xi32> to vector<1xi32>
    %squeeze3A_97 = vector.extract %slice3A_96[0] : i32 from vector<1xi32>
    %add3A_98 = vector.broadcast %squeeze3A_97 : i32 to vector<16xi32>
    %add3A_99 = arith.addi %mul3A_8, %add3A_98 : vector<16xi32>
    %swap3A_100 = arith.constant 1 : i32
    %swap3A_101 = arith.index_cast %swap3A_100 : i32 to index
    %swap3A_102 = arith.constant 16 : index
    %swap3A_103 = tpu.vector_load %arg8[%swap3A_101, %swap3A_102] {strides = array<i32>} : memref<2x128xi32, #tpu.memory_space<vmem>>, vector<1x16xi32>,
    %swap3A_104 = vector.shape_cast %swap3A_103 : vector<1x16xi32> to vector<16xi32>
    %swap3A_105 = vector.shape_cast %add3A_99 : vector<16xi32> to vector<1x16xi32>
    tpu.vector_store %arg8[%swap3A_101, %swap3A_102], %swap3A_105 {strides = array<i32>} : memref<2x128xi32, #tpu.memory_space<vmem>>, vector<1x16xi32>,
    %slice3A_106 = vector.extract_strided_slice %get3A_5 {offsets = [10], sizes = [1], strides = [1]} : vector<16xi32> to vector<1xi32>
    %squeeze3A_107 = vector.extract %slice3A_106[0] : i32 from vector<1xi32>
    %add3A_108 = vector.broadcast %squeeze3A_107 : i32 to vector<16xi32>
    %add3A_109 = arith.addi %mul3A_8, %add3A_108 : vector<16xi32>
    %swap3A_110 = arith.constant 1 : i32
    %swap3A_111 = arith.index_cast %swap3A_110 : i32 to index
    %swap3A_112 = arith.constant 32 : index
    %swap3A_113 = tpu.vector_load %arg8[%swap3A_111, %swap3A_112] {strides = array<i32>} : memref<2x128xi32, #tpu.memory_space<vmem>>, vector<1x16xi32>,
    %swap3A_114 = vector.shape_cast %swap3A_113 : vector<1x16xi32> to vector<16xi32>
    %swap3A_115 = vector.shape_cast %add3A_109 : vector<16xi32> to vector<1x16xi32>
    tpu.vector_store %arg8[%swap3A_111, %swap3A_112], %swap3A_115 {strides = array<i32>} : memref<2x128xi32, #tpu.memory_space<vmem>>, vector<1x16xi32>,
    %slice3A_116 = vector.extract_strided_slice %get3A_5 {offsets = [11], sizes = [1], strides = [1]} : vector<16xi32> to vector<1xi32>
    %squeeze3A_117 = vector.extract %slice3A_116[0] : i32 from vector<1xi32>
    %add3A_118 = vector.broadcast %squeeze3A_117 : i32 to vector<16xi32>
    %add3A_119 = arith.addi %mul3A_8, %add3A_118 : vector<16xi32>
    %swap3A_120 = arith.constant 1 : i32
    %swap3A_121 = arith.index_cast %swap3A_120 : i32 to index
    %swap3A_122 = arith.constant 48 : index
    %swap3A_123 = tpu.vector_load %arg8[%swap3A_121, %swap3A_122] {strides = array<i32>} : memref<2x128xi32, #tpu.memory_space<vmem>>, vector<1x16xi32>,
    %swap3A_124 = vector.shape_cast %swap3A_123 : vector<1x16xi32> to vector<16xi32>
    %swap3A_125 = vector.shape_cast %add3A_119 : vector<16xi32> to vector<1x16xi32>
    tpu.vector_store %arg8[%swap3A_121, %swap3A_122], %swap3A_125 {strides = array<i32>} : memref<2x128xi32, #tpu.memory_space<vmem>>, vector<1x16xi32>,
    %slice3A_126 = vector.extract_strided_slice %get3A_5 {offsets = [12], sizes = [1], strides = [1]} : vector<16xi32> to vector<1xi32>
    %squeeze3A_127 = vector.extract %slice3A_126[0] : i32 from vector<1xi32>
    %add3A_128 = vector.broadcast %squeeze3A_127 : i32 to vector<16xi32>
    %add3A_129 = arith.addi %mul3A_8, %add3A_128 : vector<16xi32>
    %swap3A_130 = arith.constant 1 : i32
    %swap3A_131 = arith.index_cast %swap3A_130 : i32 to index
    %swap3A_132 = arith.constant 64 : index
    %swap3A_133 = tpu.vector_load %arg8[%swap3A_131, %swap3A_132] {strides = array<i32>} : memref<2x128xi32, #tpu.memory_space<vmem>>, vector<1x16xi32>,
    %swap3A_134 = vector.shape_cast %swap3A_133 : vector<1x16xi32> to vector<16xi32>
    %swap3A_135 = vector.shape_cast %add3A_129 : vector<16xi32> to vector<1x16xi32>
    tpu.vector_store %arg8[%swap3A_131, %swap3A_132], %swap3A_135 {strides = array<i32>} : memref<2x128xi32, #tpu.memory_space<vmem>>, vector<1x16xi32>,
    %slice3A_136 = vector.extract_strided_slice %get3A_5 {offsets = [13], sizes = [1], strides = [1]} : vector<16xi32> to vector<1xi32>
    %squeeze3A_137 = vector.extract %slice3A_136[0] : i32 from vector<1xi32>
    %add3A_138 = vector.broadcast %squeeze3A_137 : i32 to vector<16xi32>
    %add3A_139 = arith.addi %mul3A_8, %add3A_138 : vector<16xi32>
    %swap3A_140 = arith.constant 1 : i32
    %swap3A_141 = arith.index_cast %swap3A_140 : i32 to index
    %swap3A_142 = arith.constant 80 : index
    %swap3A_143 = tpu.vector_load %arg8[%swap3A_141, %swap3A_142] {strides = array<i32>} : memref<2x128xi32, #tpu.memory_space<vmem>>, vector<1x16xi32>,
    %swap3A_144 = vector.shape_cast %swap3A_143 : vector<1x16xi32> to vector<16xi32>
    %swap3A_145 = vector.shape_cast %add3A_139 : vector<16xi32> to vector<1x16xi32>
    tpu.vector_store %arg8[%swap3A_141, %swap3A_142], %swap3A_145 {strides = array<i32>} : memref<2x128xi32, #tpu.memory_space<vmem>>, vector<1x16xi32>,
    %slice3A_146 = vector.extract_strided_slice %get3A_5 {offsets = [14], sizes = [1], strides = [1]} : vector<16xi32> to vector<1xi32>
    %squeeze3A_147 = vector.extract %slice3A_146[0] : i32 from vector<1xi32>
    %add3A_148 = vector.broadcast %squeeze3A_147 : i32 to vector<16xi32>
    %add3A_149 = arith.addi %mul3A_8, %add3A_148 : vector<16xi32>
    %swap3A_150 = arith.constant 1 : i32
    %swap3A_151 = arith.index_cast %swap3A_150 : i32 to index
    %swap3A_152 = arith.constant 96 : index
    %swap3A_153 = tpu.vector_load %arg8[%swap3A_151, %swap3A_152] {strides = array<i32>} : memref<2x128xi32, #tpu.memory_space<vmem>>, vector<1x16xi32>,
    %swap3A_154 = vector.shape_cast %swap3A_153 : vector<1x16xi32> to vector<16xi32>
    %swap3A_155 = vector.shape_cast %add3A_149 : vector<16xi32> to vector<1x16xi32>
    tpu.vector_store %arg8[%swap3A_151, %swap3A_152], %swap3A_155 {strides = array<i32>} : memref<2x128xi32, #tpu.memory_space<vmem>>, vector<1x16xi32>,
    %slice3A_156 = vector.extract_strided_slice %get3A_5 {offsets = [15], sizes = [1], strides = [1]} : vector<16xi32> to vector<1xi32>
    %squeeze3A_157 = vector.extract %slice3A_156[0] : i32 from vector<1xi32>
    %add3A_158 = vector.broadcast %squeeze3A_157 : i32 to vector<16xi32>
    %add3A_159 = arith.addi %mul3A_8, %add3A_158 : vector<16xi32>
    %swap3A_160 = arith.constant 1 : i32
    %swap3A_161 = arith.index_cast %swap3A_160 : i32 to index
    %swap3A_162 = arith.constant 112 : index
    %swap3A_163 = tpu.vector_load %arg8[%swap3A_161, %swap3A_162] {strides = array<i32>} : memref<2x128xi32, #tpu.memory_space<vmem>>, vector<1x16xi32>,
    %swap3A_164 = vector.shape_cast %swap3A_163 : vector<1x16xi32> to vector<16xi32>
    %swap3A_165 = vector.shape_cast %add3A_159 : vector<16xi32> to vector<1x16xi32>
    tpu.vector_store %arg8[%swap3A_161, %swap3A_162], %swap3A_165 {strides = array<i32>} : memref<2x128xi32, #tpu.memory_space<vmem>>, vector<1x16xi32>,
    %get3A_166 = arith.constant 0 : i32
    %get3A_167 = arith.index_cast %get3A_166 : i32 to index
    %get3A_168 = arith.constant 0 : index
    %get3A_169 = tpu.vector_load %arg8[%get3A_167, %get3A_168] {strides = array<i32>} : memref<2x128xi32, #tpu.memory_space<vmem>>, vector<1x16xi32>,
    %get3A_170 = vector.shape_cast %get3A_169 : vector<1x16xi32> to vector<16xi32>
    %ne3A = arith.constant 0 : i32
    %ne3A_171 = vector.broadcast %ne3A : i32 to vector<16xi32>
    %ne3A_172 = arith.cmpi ne, %get3A_170, %ne3A_171 : vector<16xi32>
    %get3A_173 = arith.constant 0 : i32
    %get3A_174 = arith.index_cast %get3A_173 : i32 to index
    %get3A_175 = arith.constant 16 : index
    %get3A_176 = tpu.vector_load %arg8[%get3A_174, %get3A_175] {strides = array<i32>} : memref<2x128xi32, #tpu.memory_space<vmem>>, vector<1x16xi32>,
    %get3A_177 = vector.shape_cast %get3A_176 : vector<1x16xi32> to vector<16xi32>
    %ne3A_178 = arith.constant 0 : i32
    %ne3A_179 = vector.broadcast %ne3A_178 : i32 to vector<16xi32>
    %ne3A_180 = arith.cmpi ne, %get3A_177, %ne3A_179 : vector<16xi32>
    %get3A_181 = arith.constant 0 : i32
    %get3A_182 = arith.index_cast %get3A_181 : i32 to index
    %get3A_183 = arith.constant 32 : index
    %get3A_184 = tpu.vector_load %arg8[%get3A_182, %get3A_183] {strides = array<i32>} : memref<2x128xi32, #tpu.memory_space<vmem>>, vector<1x16xi32>,
    %get3A_185 = vector.shape_cast %get3A_184 : vector<1x16xi32> to vector<16xi32>
    %ne3A_186 = arith.constant 0 : i32
    %ne3A_187 = vector.broadcast %ne3A_186 : i32 to vector<16xi32>
    %ne3A_188 = arith.cmpi ne, %get3A_185, %ne3A_187 : vector<16xi32>
    %get3A_189 = arith.constant 0 : i32
    %get3A_190 = arith.index_cast %get3A_189 : i32 to index
    %get3A_191 = arith.constant 48 : index
    %get3A_192 = tpu.vector_load %arg8[%get3A_190, %get3A_191] {strides = array<i32>} : memref<2x128xi32, #tpu.memory_space<vmem>>, vector<1x16xi32>,
    %get3A_193 = vector.shape_cast %get3A_192 : vector<1x16xi32> to vector<16xi32>
    %ne3A_194 = arith.constant 0 : i32
    %ne3A_195 = vector.broadcast %ne3A_194 : i32 to vector<16xi32>
    %ne3A_196 = arith.cmpi ne, %get3A_193, %ne3A_195 : vector<16xi32>
    %get3A_197 = arith.constant 0 : i32
    %get3A_198 = arith.index_cast %get3A_197 : i32 to index
    %get3A_199 = arith.constant 64 : index
    %get3A_200 = tpu.vector_load %arg8[%get3A_198, %get3A_199] {strides = array<i32>} : memref<2x128xi32, #tpu.memory_space<vmem>>, vector<1x16xi32>,
    %get3A_201 = vector.shape_cast %get3A_200 : vector<1x16xi32> to vector<16xi32>
    %ne3A_202 = arith.constant 0 : i32
    %ne3A_203 = vector.broadcast %ne3A_202 : i32 to vector<16xi32>
    %ne3A_204 = arith.cmpi ne, %get3A_201, %ne3A_203 : vector<16xi32>
    %get3A_205 = arith.constant 0 : i32
    %get3A_206 = arith.index_cast %get3A_205 : i32 to index
    %get3A_207 = arith.constant 80 : index
    %get3A_208 = tpu.vector_load %arg8[%get3A_206, %get3A_207] {strides = array<i32>} : memref<2x128xi32, #tpu.memory_space<vmem>>, vector<1x16xi32>,
    %get3A_209 = vector.shape_cast %get3A_208 : vector<1x16xi32> to vector<16xi32>
    %ne3A_210 = arith.constant 0 : i32
    %ne3A_211 = vector.broadcast %ne3A_210 : i32 to vector<16xi32>
    %ne3A_212 = arith.cmpi ne, %get3A_209, %ne3A_211 : vector<16xi32>
    %get3A_213 = arith.constant 0 : i32
    %get3A_214 = arith.index_cast %get3A_213 : i32 to index
    %get3A_215 = arith.constant 96 : index
    %get3A_216 = tpu.vector_load %arg8[%get3A_214, %get3A_215] {strides = array<i32>} : memref<2x128xi32, #tpu.memory_space<vmem>>, vector<1x16xi32>,
    %get3A_217 = vector.shape_cast %get3A_216 : vector<1x16xi32> to vector<16xi32>
    %ne3A_218 = arith.constant 0 : i32
    %ne3A_219 = vector.broadcast %ne3A_218 : i32 to vector<16xi32>
    %ne3A_220 = arith.cmpi ne, %get3A_217, %ne3A_219 : vector<16xi32>
    %get3A_221 = arith.constant 0 : i32
    %get3A_222 = arith.index_cast %get3A_221 : i32 to index
    %get3A_223 = arith.constant 112 : index
    %get3A_224 = tpu.vector_load %arg8[%get3A_222, %get3A_223] {strides = array<i32>} : memref<2x128xi32, #tpu.memory_space<vmem>>, vector<1x16xi32>,
    %get3A_225 = vector.shape_cast %get3A_224 : vector<1x16xi32> to vector<16xi32>
    %ne3A_226 = arith.constant 0 : i32
    %ne3A_227 = vector.broadcast %ne3A_226 : i32 to vector<16xi32>
    %ne3A_228 = arith.cmpi ne, %get3A_225, %ne3A_227 : vector<16xi32>
    %get3A_229 = arith.constant 1 : i32
    %get3A_230 = arith.index_cast %get3A_229 : i32 to index
    %get3A_231 = arith.constant 0 : index
    %get3A_232 = tpu.vector_load %arg8[%get3A_230, %get3A_231] {strides = array<i32>} : memref<2x128xi32, #tpu.memory_space<vmem>>, vector<1x16xi32>,
    %get3A_233 = vector.shape_cast %get3A_232 : vector<1x16xi32> to vector<16xi32>
    %ne3A_234 = arith.constant 0 : i32
    %ne3A_235 = vector.broadcast %ne3A_234 : i32 to vector<16xi32>
    %ne3A_236 = arith.cmpi ne, %get3A_233, %ne3A_235 : vector<16xi32>
    %get3A_237 = arith.constant 1 : i32
    %get3A_238 = arith.index_cast %get3A_237 : i32 to index
    %get3A_239 = arith.constant 16 : index
    %get3A_240 = tpu.vector_load %arg8[%get3A_238, %get3A_239] {strides = array<i32>} : memref<2x128xi32, #tpu.memory_space<vmem>>, vector<1x16xi32>,
    %get3A_241 = vector.shape_cast %get3A_240 : vector<1x16xi32> to vector<16xi32>
    %ne3A_242 = arith.constant 0 : i32
    %ne3A_243 = vector.broadcast %ne3A_242 : i32 to vector<16xi32>
    %ne3A_244 = arith.cmpi ne, %get3A_241, %ne3A_243 : vector<16xi32>
    %get3A_245 = arith.constant 1 : i32
    %get3A_246 = arith.index_cast %get3A_245 : i32 to index
    %get3A_247 = arith.constant 32 : index
    %get3A_248 = tpu.vector_load %arg8[%get3A_246, %get3A_247] {strides = array<i32>} : memref<2x128xi32, #tpu.memory_space<vmem>>, vector<1x16xi32>,
    %get3A_249 = vector.shape_cast %get3A_248 : vector<1x16xi32> to vector<16xi32>
    %ne3A_250 = arith.constant 0 : i32
    %ne3A_251 = vector.broadcast %ne3A_250 : i32 to vector<16xi32>
    %ne3A_252 = arith.cmpi ne, %get3A_249, %ne3A_251 : vector<16xi32>
    %get3A_253 = arith.constant 1 : i32
    %get3A_254 = arith.index_cast %get3A_253 : i32 to index
    %get3A_255 = arith.constant 48 : index
    %get3A_256 = tpu.vector_load %arg8[%get3A_254, %get3A_255] {strides = array<i32>} : memref<2x128xi32, #tpu.memory_space<vmem>>, vector<1x16xi32>,
    %get3A_257 = vector.shape_cast %get3A_256 : vector<1x16xi32> to vector<16xi32>
    %ne3A_258 = arith.constant 0 : i32
    %ne3A_259 = vector.broadcast %ne3A_258 : i32 to vector<16xi32>
    %ne3A_260 = arith.cmpi ne, %get3A_257, %ne3A_259 : vector<16xi32>
    %get3A_261 = arith.constant 1 : i32
    %get3A_262 = arith.index_cast %get3A_261 : i32 to index
    %get3A_263 = arith.constant 64 : index
    %get3A_264 = tpu.vector_load %arg8[%get3A_262, %get3A_263] {strides = array<i32>} : memref<2x128xi32, #tpu.memory_space<vmem>>, vector<1x16xi32>,
    %get3A_265 = vector.shape_cast %get3A_264 : vector<1x16xi32> to vector<16xi32>
    %ne3A_266 = arith.constant 0 : i32
    %ne3A_267 = vector.broadcast %ne3A_266 : i32 to vector<16xi32>
    %ne3A_268 = arith.cmpi ne, %get3A_265, %ne3A_267 : vector<16xi32>
    %get3A_269 = arith.constant 1 : i32
    %get3A_270 = arith.index_cast %get3A_269 : i32 to index
    %get3A_271 = arith.constant 80 : index
    %get3A_272 = tpu.vector_load %arg8[%get3A_270, %get3A_271] {strides = array<i32>} : memref<2x128xi32, #tpu.memory_space<vmem>>, vector<1x16xi32>,
    %get3A_273 = vector.shape_cast %get3A_272 : vector<1x16xi32> to vector<16xi32>
    %ne3A_274 = arith.constant 0 : i32
    %ne3A_275 = vector.broadcast %ne3A_274 : i32 to vector<16xi32>
    %ne3A_276 = arith.cmpi ne, %get3A_273, %ne3A_275 : vector<16xi32>
    %get3A_277 = arith.constant 1 : i32
    %get3A_278 = arith.index_cast %get3A_277 : i32 to index
    %get3A_279 = arith.constant 96 : index
    %get3A_280 = tpu.vector_load %arg8[%get3A_278, %get3A_279] {strides = array<i32>} : memref<2x128xi32, #tpu.memory_space<vmem>>, vector<1x16xi32>,
    %get3A_281 = vector.shape_cast %get3A_280 : vector<1x16xi32> to vector<16xi32>
    %ne3A_282 = arith.constant 0 : i32
    %ne3A_283 = vector.broadcast %ne3A_282 : i32 to vector<16xi32>
    %ne3A_284 = arith.cmpi ne, %get3A_281, %ne3A_283 : vector<16xi32>
    %get3A_285 = arith.constant 1 : i32
    %get3A_286 = arith.index_cast %get3A_285 : i32 to index
    %get3A_287 = arith.constant 112 : index
    %get3A_288 = tpu.vector_load %arg8[%get3A_286, %get3A_287] {strides = array<i32>} : memref<2x128xi32, #tpu.memory_space<vmem>>, vector<1x16xi32>,
    %get3A_289 = vector.shape_cast %get3A_288 : vector<1x16xi32> to vector<16xi32>
    %ne3A_290 = arith.constant 0 : i32
    %ne3A_291 = vector.broadcast %ne3A_290 : i32 to vector<16xi32>
    %ne3A_292 = arith.cmpi ne, %get3A_289, %ne3A_291 : vector<16xi32>
    %parallel_loop3A = arith.constant 0 : i32
    %parallel_loop3A_293 = arith.constant 128 : i32
    %parallel_loop3A_294 = arith.constant 1 : i32
    scf.for %parallel_loop3A_616 = %parallel_loop3A to %parallel_loop3A_293 step %parallel_loop3A_294  : i32 {
      %parallel_loop3A_617 = arith.constant 16 : i32
      %parallel_loop3A_618 = arith.muli %parallel_loop3A_616, %parallel_loop3A_617 : i32
      %parallel_loop3A_619 = tpu.assume_multiple %parallel_loop3A_618, 16 : i32
      %parallel_loop3A_620 = arith.index_cast %parallel_loop3A_619 : i32 to index
      %parallel_loop3A_621 = tpu.vector_load %arg5[%parallel_loop3A_620] {strides = array<i32>} : memref<2048xf32, #tpu.memory_space<vmem>>, vector<16xf32>,
      %parallel_loop3A_622 = vector.shape_cast %parallel_loop3A_621 : vector<16xf32> to vector<16xf32>
      %parallel_loop3A_623 = arith.index_cast %parallel_loop3A_619 : i32 to index
      %parallel_loop3A_624 = tpu.vector_load %arg6[%parallel_loop3A_623] {strides = array<i32>} : memref<2048xf32, #tpu.memory_space<vmem>>, vector<16xf32>,
      %parallel_loop3A_625 = vector.shape_cast %parallel_loop3A_624 : vector<16xf32> to vector<16xf32>
      %parallel_loop3A_626 = arith.select %ne3A_172, %parallel_loop3A_625, %parallel_loop3A_622 : vector<16xi1>, vector<16xf32>
      %parallel_loop3A_627 = arith.constant 0 : i32
      %parallel_loop3A_628 = arith.index_cast %parallel_loop3A_627 : i32 to index
      %parallel_loop3A_629 = arith.index_cast %parallel_loop3A_619 : i32 to index
      %parallel_loop3A_630 = tpu.vector_load %arg9[%parallel_loop3A_628, %parallel_loop3A_629] {strides = array<i32>} : memref<16x2048xf32, #tpu.memory_space<vmem>>, vector<1x16xf32>,
      %parallel_loop3A_631 = vector.shape_cast %parallel_loop3A_630 : vector<1x16xf32> to vector<16xf32>
      %parallel_loop3A_632 = vector.shape_cast %parallel_loop3A_626 : vector<16xf32> to vector<1x16xf32>
      tpu.vector_store %arg9[%parallel_loop3A_628, %parallel_loop3A_629], %parallel_loop3A_632 {strides = array<i32>} : memref<16x2048xf32, #tpu.memory_space<vmem>>, vector<1x16xf32>,
      %parallel_loop3A_633 = arith.select %ne3A_180, %parallel_loop3A_625, %parallel_loop3A_622 : vector<16xi1>, vector<16xf32>
      %parallel_loop3A_634 = arith.constant 1 : i32
      %parallel_loop3A_635 = arith.index_cast %parallel_loop3A_634 : i32 to index
      %parallel_loop3A_636 = arith.index_cast %parallel_loop3A_619 : i32 to index
      %parallel_loop3A_637 = tpu.vector_load %arg9[%parallel_loop3A_635, %parallel_loop3A_636] {strides = array<i32>} : memref<16x2048xf32, #tpu.memory_space<vmem>>, vector<1x16xf32>,
      %parallel_loop3A_638 = vector.shape_cast %parallel_loop3A_637 : vector<1x16xf32> to vector<16xf32>
      %parallel_loop3A_639 = vector.shape_cast %parallel_loop3A_633 : vector<16xf32> to vector<1x16xf32>
      tpu.vector_store %arg9[%parallel_loop3A_635, %parallel_loop3A_636], %parallel_loop3A_639 {strides = array<i32>} : memref<16x2048xf32, #tpu.memory_space<vmem>>, vector<1x16xf32>,
      %parallel_loop3A_640 = arith.select %ne3A_188, %parallel_loop3A_625, %parallel_loop3A_622 : vector<16xi1>, vector<16xf32>
      %parallel_loop3A_641 = arith.constant 2 : i32
      %parallel_loop3A_642 = arith.index_cast %parallel_loop3A_641 : i32 to index
      %parallel_loop3A_643 = arith.index_cast %parallel_loop3A_619 : i32 to index
      %parallel_loop3A_644 = tpu.vector_load %arg9[%parallel_loop3A_642, %parallel_loop3A_643] {strides = array<i32>} : memref<16x2048xf32, #tpu.memory_space<vmem>>, vector<1x16xf32>,
      %parallel_loop3A_645 = vector.shape_cast %parallel_loop3A_644 : vector<1x16xf32> to vector<16xf32>
      %parallel_loop3A_646 = vector.shape_cast %parallel_loop3A_640 : vector<16xf32> to vector<1x16xf32>
      tpu.vector_store %arg9[%parallel_loop3A_642, %parallel_loop3A_643], %parallel_loop3A_646 {strides = array<i32>} : memref<16x2048xf32, #tpu.memory_space<vmem>>, vector<1x16xf32>,
      %parallel_loop3A_647 = arith.select %ne3A_196, %parallel_loop3A_625, %parallel_loop3A_622 : vector<16xi1>, vector<16xf32>
      %parallel_loop3A_648 = arith.constant 3 : i32
      %parallel_loop3A_649 = arith.index_cast %parallel_loop3A_648 : i32 to index
      %parallel_loop3A_650 = arith.index_cast %parallel_loop3A_619 : i32 to index
      %parallel_loop3A_651 = tpu.vector_load %arg9[%parallel_loop3A_649, %parallel_loop3A_650] {strides = array<i32>} : memref<16x2048xf32, #tpu.memory_space<vmem>>, vector<1x16xf32>,
      %parallel_loop3A_652 = vector.shape_cast %parallel_loop3A_651 : vector<1x16xf32> to vector<16xf32>
      %parallel_loop3A_653 = vector.shape_cast %parallel_loop3A_647 : vector<16xf32> to vector<1x16xf32>
      tpu.vector_store %arg9[%parallel_loop3A_649, %parallel_loop3A_650], %parallel_loop3A_653 {strides = array<i32>} : memref<16x2048xf32, #tpu.memory_space<vmem>>, vector<1x16xf32>,
      %parallel_loop3A_654 = arith.select %ne3A_204, %parallel_loop3A_625, %parallel_loop3A_622 : vector<16xi1>, vector<16xf32>
      %parallel_loop3A_655 = arith.constant 4 : i32
      %parallel_loop3A_656 = arith.index_cast %parallel_loop3A_655 : i32 to index
      %parallel_loop3A_657 = arith.index_cast %parallel_loop3A_619 : i32 to index
      %parallel_loop3A_658 = tpu.vector_load %arg9[%parallel_loop3A_656, %parallel_loop3A_657] {strides = array<i32>} : memref<16x2048xf32, #tpu.memory_space<vmem>>, vector<1x16xf32>,
      %parallel_loop3A_659 = vector.shape_cast %parallel_loop3A_658 : vector<1x16xf32> to vector<16xf32>
      %parallel_loop3A_660 = vector.shape_cast %parallel_loop3A_654 : vector<16xf32> to vector<1x16xf32>
      tpu.vector_store %arg9[%parallel_loop3A_656, %parallel_loop3A_657], %parallel_loop3A_660 {strides = array<i32>} : memref<16x2048xf32, #tpu.memory_space<vmem>>, vector<1x16xf32>,
      %parallel_loop3A_661 = arith.select %ne3A_212, %parallel_loop3A_625, %parallel_loop3A_622 : vector<16xi1>, vector<16xf32>
      %parallel_loop3A_662 = arith.constant 5 : i32
      %parallel_loop3A_663 = arith.index_cast %parallel_loop3A_662 : i32 to index
      %parallel_loop3A_664 = arith.index_cast %parallel_loop3A_619 : i32 to index
      %parallel_loop3A_665 = tpu.vector_load %arg9[%parallel_loop3A_663, %parallel_loop3A_664] {strides = array<i32>} : memref<16x2048xf32, #tpu.memory_space<vmem>>, vector<1x16xf32>,
      %parallel_loop3A_666 = vector.shape_cast %parallel_loop3A_665 : vector<1x16xf32> to vector<16xf32>
      %parallel_loop3A_667 = vector.shape_cast %parallel_loop3A_661 : vector<16xf32> to vector<1x16xf32>
      tpu.vector_store %arg9[%parallel_loop3A_663, %parallel_loop3A_664], %parallel_loop3A_667 {strides = array<i32>} : memref<16x2048xf32, #tpu.memory_space<vmem>>, vector<1x16xf32>,
      %parallel_loop3A_668 = arith.select %ne3A_220, %parallel_loop3A_625, %parallel_loop3A_622 : vector<16xi1>, vector<16xf32>
      %parallel_loop3A_669 = arith.constant 6 : i32
      %parallel_loop3A_670 = arith.index_cast %parallel_loop3A_669 : i32 to index
      %parallel_loop3A_671 = arith.index_cast %parallel_loop3A_619 : i32 to index
      %parallel_loop3A_672 = tpu.vector_load %arg9[%parallel_loop3A_670, %parallel_loop3A_671] {strides = array<i32>} : memref<16x2048xf32, #tpu.memory_space<vmem>>, vector<1x16xf32>,
      %parallel_loop3A_673 = vector.shape_cast %parallel_loop3A_672 : vector<1x16xf32> to vector<16xf32>
      %parallel_loop3A_674 = vector.shape_cast %parallel_loop3A_668 : vector<16xf32> to vector<1x16xf32>
      tpu.vector_store %arg9[%parallel_loop3A_670, %parallel_loop3A_671], %parallel_loop3A_674 {strides = array<i32>} : memref<16x2048xf32, #tpu.memory_space<vmem>>, vector<1x16xf32>,
      %parallel_loop3A_675 = arith.select %ne3A_228, %parallel_loop3A_625, %parallel_loop3A_622 : vector<16xi1>, vector<16xf32>
      %parallel_loop3A_676 = arith.constant 7 : i32
      %parallel_loop3A_677 = arith.index_cast %parallel_loop3A_676 : i32 to index
      %parallel_loop3A_678 = arith.index_cast %parallel_loop3A_619 : i32 to index
      %parallel_loop3A_679 = tpu.vector_load %arg9[%parallel_loop3A_677, %parallel_loop3A_678] {strides = array<i32>} : memref<16x2048xf32, #tpu.memory_space<vmem>>, vector<1x16xf32>,
      %parallel_loop3A_680 = vector.shape_cast %parallel_loop3A_679 : vector<1x16xf32> to vector<16xf32>
      %parallel_loop3A_681 = vector.shape_cast %parallel_loop3A_675 : vector<16xf32> to vector<1x16xf32>
      tpu.vector_store %arg9[%parallel_loop3A_677, %parallel_loop3A_678], %parallel_loop3A_681 {strides = array<i32>} : memref<16x2048xf32, #tpu.memory_space<vmem>>, vector<1x16xf32>,
      %parallel_loop3A_682 = arith.select %ne3A_236, %parallel_loop3A_625, %parallel_loop3A_622 : vector<16xi1>, vector<16xf32>
      %parallel_loop3A_683 = arith.constant 8 : i32
      %parallel_loop3A_684 = arith.index_cast %parallel_loop3A_683 : i32 to index
      %parallel_loop3A_685 = arith.index_cast %parallel_loop3A_619 : i32 to index
      %parallel_loop3A_686 = tpu.vector_load %arg9[%parallel_loop3A_684, %parallel_loop3A_685] {strides = array<i32>} : memref<16x2048xf32, #tpu.memory_space<vmem>>, vector<1x16xf32>,
      %parallel_loop3A_687 = vector.shape_cast %parallel_loop3A_686 : vector<1x16xf32> to vector<16xf32>
      %parallel_loop3A_688 = vector.shape_cast %parallel_loop3A_682 : vector<16xf32> to vector<1x16xf32>
      tpu.vector_store %arg9[%parallel_loop3A_684, %parallel_loop3A_685], %parallel_loop3A_688 {strides = array<i32>} : memref<16x2048xf32, #tpu.memory_space<vmem>>, vector<1x16xf32>,
      %parallel_loop3A_689 = arith.select %ne3A_244, %parallel_loop3A_625, %parallel_loop3A_622 : vector<16xi1>, vector<16xf32>
      %parallel_loop3A_690 = arith.constant 9 : i32
      %parallel_loop3A_691 = arith.index_cast %parallel_loop3A_690 : i32 to index
      %parallel_loop3A_692 = arith.index_cast %parallel_loop3A_619 : i32 to index
      %parallel_loop3A_693 = tpu.vector_load %arg9[%parallel_loop3A_691, %parallel_loop3A_692] {strides = array<i32>} : memref<16x2048xf32, #tpu.memory_space<vmem>>, vector<1x16xf32>,
      %parallel_loop3A_694 = vector.shape_cast %parallel_loop3A_693 : vector<1x16xf32> to vector<16xf32>
      %parallel_loop3A_695 = vector.shape_cast %parallel_loop3A_689 : vector<16xf32> to vector<1x16xf32>
      tpu.vector_store %arg9[%parallel_loop3A_691, %parallel_loop3A_692], %parallel_loop3A_695 {strides = array<i32>} : memref<16x2048xf32, #tpu.memory_space<vmem>>, vector<1x16xf32>,
      %parallel_loop3A_696 = arith.select %ne3A_252, %parallel_loop3A_625, %parallel_loop3A_622 : vector<16xi1>, vector<16xf32>
      %parallel_loop3A_697 = arith.constant 10 : i32
      %parallel_loop3A_698 = arith.index_cast %parallel_loop3A_697 : i32 to index
      %parallel_loop3A_699 = arith.index_cast %parallel_loop3A_619 : i32 to index
      %parallel_loop3A_700 = tpu.vector_load %arg9[%parallel_loop3A_698, %parallel_loop3A_699] {strides = array<i32>} : memref<16x2048xf32, #tpu.memory_space<vmem>>, vector<1x16xf32>,
      %parallel_loop3A_701 = vector.shape_cast %parallel_loop3A_700 : vector<1x16xf32> to vector<16xf32>
      %parallel_loop3A_702 = vector.shape_cast %parallel_loop3A_696 : vector<16xf32> to vector<1x16xf32>
      tpu.vector_store %arg9[%parallel_loop3A_698, %parallel_loop3A_699], %parallel_loop3A_702 {strides = array<i32>} : memref<16x2048xf32, #tpu.memory_space<vmem>>, vector<1x16xf32>,
      %parallel_loop3A_703 = arith.select %ne3A_260, %parallel_loop3A_625, %parallel_loop3A_622 : vector<16xi1>, vector<16xf32>
      %parallel_loop3A_704 = arith.constant 11 : i32
      %parallel_loop3A_705 = arith.index_cast %parallel_loop3A_704 : i32 to index
      %parallel_loop3A_706 = arith.index_cast %parallel_loop3A_619 : i32 to index
      %parallel_loop3A_707 = tpu.vector_load %arg9[%parallel_loop3A_705, %parallel_loop3A_706] {strides = array<i32>} : memref<16x2048xf32, #tpu.memory_space<vmem>>, vector<1x16xf32>,
      %parallel_loop3A_708 = vector.shape_cast %parallel_loop3A_707 : vector<1x16xf32> to vector<16xf32>
      %parallel_loop3A_709 = vector.shape_cast %parallel_loop3A_703 : vector<16xf32> to vector<1x16xf32>
      tpu.vector_store %arg9[%parallel_loop3A_705, %parallel_loop3A_706], %parallel_loop3A_709 {strides = array<i32>} : memref<16x2048xf32, #tpu.memory_space<vmem>>, vector<1x16xf32>,
      %parallel_loop3A_710 = arith.select %ne3A_268, %parallel_loop3A_625, %parallel_loop3A_622 : vector<16xi1>, vector<16xf32>
      %parallel_loop3A_711 = arith.constant 12 : i32
      %parallel_loop3A_712 = arith.index_cast %parallel_loop3A_711 : i32 to index
      %parallel_loop3A_713 = arith.index_cast %parallel_loop3A_619 : i32 to index
      %parallel_loop3A_714 = tpu.vector_load %arg9[%parallel_loop3A_712, %parallel_loop3A_713] {strides = array<i32>} : memref<16x2048xf32, #tpu.memory_space<vmem>>, vector<1x16xf32>,
      %parallel_loop3A_715 = vector.shape_cast %parallel_loop3A_714 : vector<1x16xf32> to vector<16xf32>
      %parallel_loop3A_716 = vector.shape_cast %parallel_loop3A_710 : vector<16xf32> to vector<1x16xf32>
      tpu.vector_store %arg9[%parallel_loop3A_712, %parallel_loop3A_713], %parallel_loop3A_716 {strides = array<i32>} : memref<16x2048xf32, #tpu.memory_space<vmem>>, vector<1x16xf32>,
      %parallel_loop3A_717 = arith.select %ne3A_276, %parallel_loop3A_625, %parallel_loop3A_622 : vector<16xi1>, vector<16xf32>
      %parallel_loop3A_718 = arith.constant 13 : i32
      %parallel_loop3A_719 = arith.index_cast %parallel_loop3A_718 : i32 to index
      %parallel_loop3A_720 = arith.index_cast %parallel_loop3A_619 : i32 to index
      %parallel_loop3A_721 = tpu.vector_load %arg9[%parallel_loop3A_719, %parallel_loop3A_720] {strides = array<i32>} : memref<16x2048xf32, #tpu.memory_space<vmem>>, vector<1x16xf32>,
      %parallel_loop3A_722 = vector.shape_cast %parallel_loop3A_721 : vector<1x16xf32> to vector<16xf32>
      %parallel_loop3A_723 = vector.shape_cast %parallel_loop3A_717 : vector<16xf32> to vector<1x16xf32>
      tpu.vector_store %arg9[%parallel_loop3A_719, %parallel_loop3A_720], %parallel_loop3A_723 {strides = array<i32>} : memref<16x2048xf32, #tpu.memory_space<vmem>>, vector<1x16xf32>,
      %parallel_loop3A_724 = arith.select %ne3A_284, %parallel_loop3A_625, %parallel_loop3A_622 : vector<16xi1>, vector<16xf32>
      %parallel_loop3A_725 = arith.constant 14 : i32
      %parallel_loop3A_726 = arith.index_cast %parallel_loop3A_725 : i32 to index
      %parallel_loop3A_727 = arith.index_cast %parallel_loop3A_619 : i32 to index
      %parallel_loop3A_728 = tpu.vector_load %arg9[%parallel_loop3A_726, %parallel_loop3A_727] {strides = array<i32>} : memref<16x2048xf32, #tpu.memory_space<vmem>>, vector<1x16xf32>,
      %parallel_loop3A_729 = vector.shape_cast %parallel_loop3A_728 : vector<1x16xf32> to vector<16xf32>
      %parallel_loop3A_730 = vector.shape_cast %parallel_loop3A_724 : vector<16xf32> to vector<1x16xf32>
      tpu.vector_store %arg9[%parallel_loop3A_726, %parallel_loop3A_727], %parallel_loop3A_730 {strides = array<i32>} : memref<16x2048xf32, #tpu.memory_space<vmem>>, vector<1x16xf32>,
      %parallel_loop3A_731 = arith.select %ne3A_292, %parallel_loop3A_625, %parallel_loop3A_622 : vector<16xi1>, vector<16xf32>
      %parallel_loop3A_732 = arith.constant 15 : i32
      %parallel_loop3A_733 = arith.index_cast %parallel_loop3A_732 : i32 to index
      %parallel_loop3A_734 = arith.index_cast %parallel_loop3A_619 : i32 to index
      %parallel_loop3A_735 = tpu.vector_load %arg9[%parallel_loop3A_733, %parallel_loop3A_734] {strides = array<i32>} : memref<16x2048xf32, #tpu.memory_space<vmem>>, vector<1x16xf32>,
      %parallel_loop3A_736 = vector.shape_cast %parallel_loop3A_735 : vector<1x16xf32> to vector<16xf32>
      %parallel_loop3A_737 = vector.shape_cast %parallel_loop3A_731 : vector<16xf32> to vector<1x16xf32>
      tpu.vector_store %arg9[%parallel_loop3A_733, %parallel_loop3A_734], %parallel_loop3A_737 {strides = array<i32>} : memref<16x2048xf32, #tpu.memory_space<vmem>>, vector<1x16xf32>,
    } {sc.loop_unroll_factor = 4 : i64, sc.parallel_access}
    %add3A_295 = arith.constant 0 : i32
    %add3A_296 = arith.addi %mul3A_2, %add3A_295 : i32
    %multiple_of3A = tpu.assume_multiple %add3A_296, 8 : i32
    %dma_start3A = arith.constant 0 : i32
    %dma_start3A_297 = tpu.memref_slice %arg4[%multiple_of3A, %dma_start3A] : memref<32768x2048xf32, #tpu.memory_space<hbm>> -> memref<16x2048xf32, #tpu.memory_space<hbm>>
    %dma_start3A_298 = arith.constant 0 : i32
    %dma_start3A_299 = tpu.memref_slice %arg4[%multiple_of3A, %dma_start3A_298] : memref<32768x2048xf32, #tpu.memory_space<hbm>> -> memref<16x2048xf32, #tpu.memory_space<hbm>>
    tpu.enqueue_dma source(%arg9 : memref<16x2048xf32, #tpu.memory_space<vmem>>) target(%dma_start3A_299 : memref<16x2048xf32, #tpu.memory_space<hbm>>) target_semaphore(%arg11 : memref<!tpu.dma_semaphore, #tpu.memory_space<semaphore_mem>>)
    %get3A_300 = arith.constant 16 : index
    %get3A_301 = tpu.vector_load %arg7[%get3A_300] {strides = array<i32>} : memref<1024xi32, #tpu.memory_space<vmem>>, vector<16xi32>,
    %get3A_302 = vector.shape_cast %get3A_301 : vector<16xi32> to vector<16xi32>
    %mul3A_303 = arith.constant 0 : i32
    %mul3A_304 = vector.broadcast %mul3A_303 : i32 to vector<16xi32>
    %mul3A_305 = arith.muli %get3A_302, %mul3A_304 : vector<16xi32>
    %slice3A_306 = vector.extract_strided_slice %get3A_302 {offsets = [0], sizes = [1], strides = [1]} : vector<16xi32> to vector<1xi32>
    %squeeze3A_307 = vector.extract %slice3A_306[0] : i32 from vector<1xi32>
    %add3A_308 = vector.broadcast %squeeze3A_307 : i32 to vector<16xi32>
    %add3A_309 = arith.addi %mul3A_305, %add3A_308 : vector<16xi32>
    %swap3A_310 = arith.constant 0 : i32
    %swap3A_311 = arith.index_cast %swap3A_310 : i32 to index
    %swap3A_312 = arith.constant 0 : index
    %swap3A_313 = tpu.vector_load %arg8[%swap3A_311, %swap3A_312] {strides = array<i32>} : memref<2x128xi32, #tpu.memory_space<vmem>>, vector<1x16xi32>,
    %swap3A_314 = vector.shape_cast %swap3A_313 : vector<1x16xi32> to vector<16xi32>
    %swap3A_315 = vector.shape_cast %add3A_309 : vector<16xi32> to vector<1x16xi32>
    tpu.vector_store %arg8[%swap3A_311, %swap3A_312], %swap3A_315 {strides = array<i32>} : memref<2x128xi32, #tpu.memory_space<vmem>>, vector<1x16xi32>,
    %slice3A_316 = vector.extract_strided_slice %get3A_302 {offsets = [1], sizes = [1], strides = [1]} : vector<16xi32> to vector<1xi32>
    %squeeze3A_317 = vector.extract %slice3A_316[0] : i32 from vector<1xi32>
    %add3A_318 = vector.broadcast %squeeze3A_317 : i32 to vector<16xi32>
    %add3A_319 = arith.addi %mul3A_305, %add3A_318 : vector<16xi32>
    %swap3A_320 = arith.constant 0 : i32
    %swap3A_321 = arith.index_cast %swap3A_320 : i32 to index
    %swap3A_322 = arith.constant 16 : index
    %swap3A_323 = tpu.vector_load %arg8[%swap3A_321, %swap3A_322] {strides = array<i32>} : memref<2x128xi32, #tpu.memory_space<vmem>>, vector<1x16xi32>,
    %swap3A_324 = vector.shape_cast %swap3A_323 : vector<1x16xi32> to vector<16xi32>
    %swap3A_325 = vector.shape_cast %add3A_319 : vector<16xi32> to vector<1x16xi32>
    tpu.vector_store %arg8[%swap3A_321, %swap3A_322], %swap3A_325 {strides = array<i32>} : memref<2x128xi32, #tpu.memory_space<vmem>>, vector<1x16xi32>,
    %slice3A_326 = vector.extract_strided_slice %get3A_302 {offsets = [2], sizes = [1], strides = [1]} : vector<16xi32> to vector<1xi32>
    %squeeze3A_327 = vector.extract %slice3A_326[0] : i32 from vector<1xi32>
    %add3A_328 = vector.broadcast %squeeze3A_327 : i32 to vector<16xi32>
    %add3A_329 = arith.addi %mul3A_305, %add3A_328 : vector<16xi32>
    %swap3A_330 = arith.constant 0 : i32
    %swap3A_331 = arith.index_cast %swap3A_330 : i32 to index
    %swap3A_332 = arith.constant 32 : index
    %swap3A_333 = tpu.vector_load %arg8[%swap3A_331, %swap3A_332] {strides = array<i32>} : memref<2x128xi32, #tpu.memory_space<vmem>>, vector<1x16xi32>,
    %swap3A_334 = vector.shape_cast %swap3A_333 : vector<1x16xi32> to vector<16xi32>
    %swap3A_335 = vector.shape_cast %add3A_329 : vector<16xi32> to vector<1x16xi32>
    tpu.vector_store %arg8[%swap3A_331, %swap3A_332], %swap3A_335 {strides = array<i32>} : memref<2x128xi32, #tpu.memory_space<vmem>>, vector<1x16xi32>,
    %slice3A_336 = vector.extract_strided_slice %get3A_302 {offsets = [3], sizes = [1], strides = [1]} : vector<16xi32> to vector<1xi32>
    %squeeze3A_337 = vector.extract %slice3A_336[0] : i32 from vector<1xi32>
    %add3A_338 = vector.broadcast %squeeze3A_337 : i32 to vector<16xi32>
    %add3A_339 = arith.addi %mul3A_305, %add3A_338 : vector<16xi32>
    %swap3A_340 = arith.constant 0 : i32
    %swap3A_341 = arith.index_cast %swap3A_340 : i32 to index
    %swap3A_342 = arith.constant 48 : index
    %swap3A_343 = tpu.vector_load %arg8[%swap3A_341, %swap3A_342] {strides = array<i32>} : memref<2x128xi32, #tpu.memory_space<vmem>>, vector<1x16xi32>,
    %swap3A_344 = vector.shape_cast %swap3A_343 : vector<1x16xi32> to vector<16xi32>
    %swap3A_345 = vector.shape_cast %add3A_339 : vector<16xi32> to vector<1x16xi32>
    tpu.vector_store %arg8[%swap3A_341, %swap3A_342], %swap3A_345 {strides = array<i32>} : memref<2x128xi32, #tpu.memory_space<vmem>>, vector<1x16xi32>,
    %slice3A_346 = vector.extract_strided_slice %get3A_302 {offsets = [4], sizes = [1], strides = [1]} : vector<16xi32> to vector<1xi32>
    %squeeze3A_347 = vector.extract %slice3A_346[0] : i32 from vector<1xi32>
    %add3A_348 = vector.broadcast %squeeze3A_347 : i32 to vector<16xi32>
    %add3A_349 = arith.addi %mul3A_305, %add3A_348 : vector<16xi32>
    %swap3A_350 = arith.constant 0 : i32
    %swap3A_351 = arith.index_cast %swap3A_350 : i32 to index
    %swap3A_352 = arith.constant 64 : index
    %swap3A_353 = tpu.vector_load %arg8[%swap3A_351, %swap3A_352] {strides = array<i32>} : memref<2x128xi32, #tpu.memory_space<vmem>>, vector<1x16xi32>,
    %swap3A_354 = vector.shape_cast %swap3A_353 : vector<1x16xi32> to vector<16xi32>
    %swap3A_355 = vector.shape_cast %add3A_349 : vector<16xi32> to vector<1x16xi32>
    tpu.vector_store %arg8[%swap3A_351, %swap3A_352], %swap3A_355 {strides = array<i32>} : memref<2x128xi32, #tpu.memory_space<vmem>>, vector<1x16xi32>,
    %slice3A_356 = vector.extract_strided_slice %get3A_302 {offsets = [5], sizes = [1], strides = [1]} : vector<16xi32> to vector<1xi32>
    %squeeze3A_357 = vector.extract %slice3A_356[0] : i32 from vector<1xi32>
    %add3A_358 = vector.broadcast %squeeze3A_357 : i32 to vector<16xi32>
    %add3A_359 = arith.addi %mul3A_305, %add3A_358 : vector<16xi32>
    %swap3A_360 = arith.constant 0 : i32
    %swap3A_361 = arith.index_cast %swap3A_360 : i32 to index
    %swap3A_362 = arith.constant 80 : index
    %swap3A_363 = tpu.vector_load %arg8[%swap3A_361, %swap3A_362] {strides = array<i32>} : memref<2x128xi32, #tpu.memory_space<vmem>>, vector<1x16xi32>,
    %swap3A_364 = vector.shape_cast %swap3A_363 : vector<1x16xi32> to vector<16xi32>
    %swap3A_365 = vector.shape_cast %add3A_359 : vector<16xi32> to vector<1x16xi32>
    tpu.vector_store %arg8[%swap3A_361, %swap3A_362], %swap3A_365 {strides = array<i32>} : memref<2x128xi32, #tpu.memory_space<vmem>>, vector<1x16xi32>,
    %slice3A_366 = vector.extract_strided_slice %get3A_302 {offsets = [6], sizes = [1], strides = [1]} : vector<16xi32> to vector<1xi32>
    %squeeze3A_367 = vector.extract %slice3A_366[0] : i32 from vector<1xi32>
    %add3A_368 = vector.broadcast %squeeze3A_367 : i32 to vector<16xi32>
    %add3A_369 = arith.addi %mul3A_305, %add3A_368 : vector<16xi32>
    %swap3A_370 = arith.constant 0 : i32
    %swap3A_371 = arith.index_cast %swap3A_370 : i32 to index
    %swap3A_372 = arith.constant 96 : index
    %swap3A_373 = tpu.vector_load %arg8[%swap3A_371, %swap3A_372] {strides = array<i32>} : memref<2x128xi32, #tpu.memory_space<vmem>>, vector<1x16xi32>,
    %swap3A_374 = vector.shape_cast %swap3A_373 : vector<1x16xi32> to vector<16xi32>
    %swap3A_375 = vector.shape_cast %add3A_369 : vector<16xi32> to vector<1x16xi32>
    tpu.vector_store %arg8[%swap3A_371, %swap3A_372], %swap3A_375 {strides = array<i32>} : memref<2x128xi32, #tpu.memory_space<vmem>>, vector<1x16xi32>,
    %slice3A_376 = vector.extract_strided_slice %get3A_302 {offsets = [7], sizes = [1], strides = [1]} : vector<16xi32> to vector<1xi32>
    %squeeze3A_377 = vector.extract %slice3A_376[0] : i32 from vector<1xi32>
    %add3A_378 = vector.broadcast %squeeze3A_377 : i32 to vector<16xi32>
    %add3A_379 = arith.addi %mul3A_305, %add3A_378 : vector<16xi32>
    %swap3A_380 = arith.constant 0 : i32
    %swap3A_381 = arith.index_cast %swap3A_380 : i32 to index
    %swap3A_382 = arith.constant 112 : index
    %swap3A_383 = tpu.vector_load %arg8[%swap3A_381, %swap3A_382] {strides = array<i32>} : memref<2x128xi32, #tpu.memory_space<vmem>>, vector<1x16xi32>,
    %swap3A_384 = vector.shape_cast %swap3A_383 : vector<1x16xi32> to vector<16xi32>
    %swap3A_385 = vector.shape_cast %add3A_379 : vector<16xi32> to vector<1x16xi32>
    tpu.vector_store %arg8[%swap3A_381, %swap3A_382], %swap3A_385 {strides = array<i32>} : memref<2x128xi32, #tpu.memory_space<vmem>>, vector<1x16xi32>,
    %slice3A_386 = vector.extract_strided_slice %get3A_302 {offsets = [8], sizes = [1], strides = [1]} : vector<16xi32> to vector<1xi32>
    %squeeze3A_387 = vector.extract %slice3A_386[0] : i32 from vector<1xi32>
    %add3A_388 = vector.broadcast %squeeze3A_387 : i32 to vector<16xi32>
    %add3A_389 = arith.addi %mul3A_305, %add3A_388 : vector<16xi32>
    %swap3A_390 = arith.constant 1 : i32
    %swap3A_391 = arith.index_cast %swap3A_390 : i32 to index
    %swap3A_392 = arith.constant 0 : index
    %swap3A_393 = tpu.vector_load %arg8[%swap3A_391, %swap3A_392] {strides = array<i32>} : memref<2x128xi32, #tpu.memory_space<vmem>>, vector<1x16xi32>,
    %swap3A_394 = vector.shape_cast %swap3A_393 : vector<1x16xi32> to vector<16xi32>
    %swap3A_395 = vector.shape_cast %add3A_389 : vector<16xi32> to vector<1x16xi32>
    tpu.vector_store %arg8[%swap3A_391, %swap3A_392], %swap3A_395 {strides = array<i32>} : memref<2x128xi32, #tpu.memory_space<vmem>>, vector<1x16xi32>,
    %slice3A_396 = vector.extract_strided_slice %get3A_302 {offsets = [9], sizes = [1], strides = [1]} : vector<16xi32> to vector<1xi32>
    %squeeze3A_397 = vector.extract %slice3A_396[0] : i32 from vector<1xi32>
    %add3A_398 = vector.broadcast %squeeze3A_397 : i32 to vector<16xi32>
    %add3A_399 = arith.addi %mul3A_305, %add3A_398 : vector<16xi32>
    %swap3A_400 = arith.constant 1 : i32
    %swap3A_401 = arith.index_cast %swap3A_400 : i32 to index
    %swap3A_402 = arith.constant 16 : index
    %swap3A_403 = tpu.vector_load %arg8[%swap3A_401, %swap3A_402] {strides = array<i32>} : memref<2x128xi32, #tpu.memory_space<vmem>>, vector<1x16xi32>,
    %swap3A_404 = vector.shape_cast %swap3A_403 : vector<1x16xi32> to vector<16xi32>
    %swap3A_405 = vector.shape_cast %add3A_399 : vector<16xi32> to vector<1x16xi32>
    tpu.vector_store %arg8[%swap3A_401, %swap3A_402], %swap3A_405 {strides = array<i32>} : memref<2x128xi32, #tpu.memory_space<vmem>>, vector<1x16xi32>,
    %slice3A_406 = vector.extract_strided_slice %get3A_302 {offsets = [10], sizes = [1], strides = [1]} : vector<16xi32> to vector<1xi32>
    %squeeze3A_407 = vector.extract %slice3A_406[0] : i32 from vector<1xi32>
    %add3A_408 = vector.broadcast %squeeze3A_407 : i32 to vector<16xi32>
    %add3A_409 = arith.addi %mul3A_305, %add3A_408 : vector<16xi32>
    %swap3A_410 = arith.constant 1 : i32
    %swap3A_411 = arith.index_cast %swap3A_410 : i32 to index
    %swap3A_412 = arith.constant 32 : index
    %swap3A_413 = tpu.vector_load %arg8[%swap3A_411, %swap3A_412] {strides = array<i32>} : memref<2x128xi32, #tpu.memory_space<vmem>>, vector<1x16xi32>,
    %swap3A_414 = vector.shape_cast %swap3A_413 : vector<1x16xi32> to vector<16xi32>
    %swap3A_415 = vector.shape_cast %add3A_409 : vector<16xi32> to vector<1x16xi32>
    tpu.vector_store %arg8[%swap3A_411, %swap3A_412], %swap3A_415 {strides = array<i32>} : memref<2x128xi32, #tpu.memory_space<vmem>>, vector<1x16xi32>,
    %slice3A_416 = vector.extract_strided_slice %get3A_302 {offsets = [11], sizes = [1], strides = [1]} : vector<16xi32> to vector<1xi32>
    %squeeze3A_417 = vector.extract %slice3A_416[0] : i32 from vector<1xi32>
    %add3A_418 = vector.broadcast %squeeze3A_417 : i32 to vector<16xi32>
    %add3A_419 = arith.addi %mul3A_305, %add3A_418 : vector<16xi32>
    %swap3A_420 = arith.constant 1 : i32
    %swap3A_421 = arith.index_cast %swap3A_420 : i32 to index
    %swap3A_422 = arith.constant 48 : index
    %swap3A_423 = tpu.vector_load %arg8[%swap3A_421, %swap3A_422] {strides = array<i32>} : memref<2x128xi32, #tpu.memory_space<vmem>>, vector<1x16xi32>,
    %swap3A_424 = vector.shape_cast %swap3A_423 : vector<1x16xi32> to vector<16xi32>
    %swap3A_425 = vector.shape_cast %add3A_419 : vector<16xi32> to vector<1x16xi32>
    tpu.vector_store %arg8[%swap3A_421, %swap3A_422], %swap3A_425 {strides = array<i32>} : memref<2x128xi32, #tpu.memory_space<vmem>>, vector<1x16xi32>,
    %slice3A_426 = vector.extract_strided_slice %get3A_302 {offsets = [12], sizes = [1], strides = [1]} : vector<16xi32> to vector<1xi32>
    %squeeze3A_427 = vector.extract %slice3A_426[0] : i32 from vector<1xi32>
    %add3A_428 = vector.broadcast %squeeze3A_427 : i32 to vector<16xi32>
    %add3A_429 = arith.addi %mul3A_305, %add3A_428 : vector<16xi32>
    %swap3A_430 = arith.constant 1 : i32
    %swap3A_431 = arith.index_cast %swap3A_430 : i32 to index
    %swap3A_432 = arith.constant 64 : index
    %swap3A_433 = tpu.vector_load %arg8[%swap3A_431, %swap3A_432] {strides = array<i32>} : memref<2x128xi32, #tpu.memory_space<vmem>>, vector<1x16xi32>,
    %swap3A_434 = vector.shape_cast %swap3A_433 : vector<1x16xi32> to vector<16xi32>
    %swap3A_435 = vector.shape_cast %add3A_429 : vector<16xi32> to vector<1x16xi32>
    tpu.vector_store %arg8[%swap3A_431, %swap3A_432], %swap3A_435 {strides = array<i32>} : memref<2x128xi32, #tpu.memory_space<vmem>>, vector<1x16xi32>,
    %slice3A_436 = vector.extract_strided_slice %get3A_302 {offsets = [13], sizes = [1], strides = [1]} : vector<16xi32> to vector<1xi32>
    %squeeze3A_437 = vector.extract %slice3A_436[0] : i32 from vector<1xi32>
    %add3A_438 = vector.broadcast %squeeze3A_437 : i32 to vector<16xi32>
    %add3A_439 = arith.addi %mul3A_305, %add3A_438 : vector<16xi32>
    %swap3A_440 = arith.constant 1 : i32
    %swap3A_441 = arith.index_cast %swap3A_440 : i32 to index
    %swap3A_442 = arith.constant 80 : index
    %swap3A_443 = tpu.vector_load %arg8[%swap3A_441, %swap3A_442] {strides = array<i32>} : memref<2x128xi32, #tpu.memory_space<vmem>>, vector<1x16xi32>,
    %swap3A_444 = vector.shape_cast %swap3A_443 : vector<1x16xi32> to vector<16xi32>
    %swap3A_445 = vector.shape_cast %add3A_439 : vector<16xi32> to vector<1x16xi32>
    tpu.vector_store %arg8[%swap3A_441, %swap3A_442], %swap3A_445 {strides = array<i32>} : memref<2x128xi32, #tpu.memory_space<vmem>>, vector<1x16xi32>,
    %slice3A_446 = vector.extract_strided_slice %get3A_302 {offsets = [14], sizes = [1], strides = [1]} : vector<16xi32> to vector<1xi32>
    %squeeze3A_447 = vector.extract %slice3A_446[0] : i32 from vector<1xi32>
    %add3A_448 = vector.broadcast %squeeze3A_447 : i32 to vector<16xi32>
    %add3A_449 = arith.addi %mul3A_305, %add3A_448 : vector<16xi32>
    %swap3A_450 = arith.constant 1 : i32
    %swap3A_451 = arith.index_cast %swap3A_450 : i32 to index
    %swap3A_452 = arith.constant 96 : index
    %swap3A_453 = tpu.vector_load %arg8[%swap3A_451, %swap3A_452] {strides = array<i32>} : memref<2x128xi32, #tpu.memory_space<vmem>>, vector<1x16xi32>,
    %swap3A_454 = vector.shape_cast %swap3A_453 : vector<1x16xi32> to vector<16xi32>
    %swap3A_455 = vector.shape_cast %add3A_449 : vector<16xi32> to vector<1x16xi32>
    tpu.vector_store %arg8[%swap3A_451, %swap3A_452], %swap3A_455 {strides = array<i32>} : memref<2x128xi32, #tpu.memory_space<vmem>>, vector<1x16xi32>,
    %slice3A_456 = vector.extract_strided_slice %get3A_302 {offsets = [15], sizes = [1], strides = [1]} : vector<16xi32> to vector<1xi32>
    %squeeze3A_457 = vector.extract %slice3A_456[0] : i32 from vector<1xi32>
    %add3A_458 = vector.broadcast %squeeze3A_457 : i32 to vector<16xi32>
    %add3A_459 = arith.addi %mul3A_305, %add3A_458 : vector<16xi32>
    %swap3A_460 = arith.constant 1 : i32
    %swap3A_461 = arith.index_cast %swap3A_460 : i32 to index
    %swap3A_462 = arith.constant 112 : index
    %swap3A_463 = tpu.vector_load %arg8[%swap3A_461, %swap3A_462] {strides = array<i32>} : memref<2x128xi32, #tpu.memory_space<vmem>>, vector<1x16xi32>,
    %swap3A_464 = vector.shape_cast %swap3A_463 : vector<1x16xi32> to vector<16xi32>
    %swap3A_465 = vector.shape_cast %add3A_459 : vector<16xi32> to vector<1x16xi32>
    tpu.vector_store %arg8[%swap3A_461, %swap3A_462], %swap3A_465 {strides = array<i32>} : memref<2x128xi32, #tpu.memory_space<vmem>>, vector<1x16xi32>,
    %get3A_466 = arith.constant 0 : i32
    %get3A_467 = arith.index_cast %get3A_466 : i32 to index
    %get3A_468 = arith.constant 0 : index
    %get3A_469 = tpu.vector_load %arg8[%get3A_467, %get3A_468] {strides = array<i32>} : memref<2x128xi32, #tpu.memory_space<vmem>>, vector<1x16xi32>,
    %get3A_470 = vector.shape_cast %get3A_469 : vector<1x16xi32> to vector<16xi32>
    %ne3A_471 = arith.constant 0 : i32
    %ne3A_472 = vector.broadcast %ne3A_471 : i32 to vector<16xi32>
    %ne3A_473 = arith.cmpi ne, %get3A_470, %ne3A_472 : vector<16xi32>
    %get3A_474 = arith.constant 0 : i32
    %get3A_475 = arith.index_cast %get3A_474 : i32 to index
    %get3A_476 = arith.constant 16 : index
    %get3A_477 = tpu.vector_load %arg8[%get3A_475, %get3A_476] {strides = array<i32>} : memref<2x128xi32, #tpu.memory_space<vmem>>, vector<1x16xi32>,
    %get3A_478 = vector.shape_cast %get3A_477 : vector<1x16xi32> to vector<16xi32>
    %ne3A_479 = arith.constant 0 : i32
    %ne3A_480 = vector.broadcast %ne3A_479 : i32 to vector<16xi32>
    %ne3A_481 = arith.cmpi ne, %get3A_478, %ne3A_480 : vector<16xi32>
    %get3A_482 = arith.constant 0 : i32
    %get3A_483 = arith.index_cast %get3A_482 : i32 to index
    %get3A_484 = arith.constant 32 : index
    %get3A_485 = tpu.vector_load %arg8[%get3A_483, %get3A_484] {strides = array<i32>} : memref<2x128xi32, #tpu.memory_space<vmem>>, vector<1x16xi32>,
    %get3A_486 = vector.shape_cast %get3A_485 : vector<1x16xi32> to vector<16xi32>
    %ne3A_487 = arith.constant 0 : i32
    %ne3A_488 = vector.broadcast %ne3A_487 : i32 to vector<16xi32>
    %ne3A_489 = arith.cmpi ne, %get3A_486, %ne3A_488 : vector<16xi32>
    %get3A_490 = arith.constant 0 : i32
    %get3A_491 = arith.index_cast %get3A_490 : i32 to index
    %get3A_492 = arith.constant 48 : index
    %get3A_493 = tpu.vector_load %arg8[%get3A_491, %get3A_492] {strides = array<i32>} : memref<2x128xi32, #tpu.memory_space<vmem>>, vector<1x16xi32>,
    %get3A_494 = vector.shape_cast %get3A_493 : vector<1x16xi32> to vector<16xi32>
    %ne3A_495 = arith.constant 0 : i32
    %ne3A_496 = vector.broadcast %ne3A_495 : i32 to vector<16xi32>
    %ne3A_497 = arith.cmpi ne, %get3A_494, %ne3A_496 : vector<16xi32>
    %get3A_498 = arith.constant 0 : i32
    %get3A_499 = arith.index_cast %get3A_498 : i32 to index
    %get3A_500 = arith.constant 64 : index
    %get3A_501 = tpu.vector_load %arg8[%get3A_499, %get3A_500] {strides = array<i32>} : memref<2x128xi32, #tpu.memory_space<vmem>>, vector<1x16xi32>,
    %get3A_502 = vector.shape_cast %get3A_501 : vector<1x16xi32> to vector<16xi32>
    %ne3A_503 = arith.constant 0 : i32
    %ne3A_504 = vector.broadcast %ne3A_503 : i32 to vector<16xi32>
    %ne3A_505 = arith.cmpi ne, %get3A_502, %ne3A_504 : vector<16xi32>
    %get3A_506 = arith.constant 0 : i32
    %get3A_507 = arith.index_cast %get3A_506 : i32 to index
    %get3A_508 = arith.constant 80 : index
    %get3A_509 = tpu.vector_load %arg8[%get3A_507, %get3A_508] {strides = array<i32>} : memref<2x128xi32, #tpu.memory_space<vmem>>, vector<1x16xi32>,
    %get3A_510 = vector.shape_cast %get3A_509 : vector<1x16xi32> to vector<16xi32>
    %ne3A_511 = arith.constant 0 : i32
    %ne3A_512 = vector.broadcast %ne3A_511 : i32 to vector<16xi32>
    %ne3A_513 = arith.cmpi ne, %get3A_510, %ne3A_512 : vector<16xi32>
    %get3A_514 = arith.constant 0 : i32
    %get3A_515 = arith.index_cast %get3A_514 : i32 to index
    %get3A_516 = arith.constant 96 : index
    %get3A_517 = tpu.vector_load %arg8[%get3A_515, %get3A_516] {strides = array<i32>} : memref<2x128xi32, #tpu.memory_space<vmem>>, vector<1x16xi32>,
    %get3A_518 = vector.shape_cast %get3A_517 : vector<1x16xi32> to vector<16xi32>
    %ne3A_519 = arith.constant 0 : i32
    %ne3A_520 = vector.broadcast %ne3A_519 : i32 to vector<16xi32>
    %ne3A_521 = arith.cmpi ne, %get3A_518, %ne3A_520 : vector<16xi32>
    %get3A_522 = arith.constant 0 : i32
    %get3A_523 = arith.index_cast %get3A_522 : i32 to index
    %get3A_524 = arith.constant 112 : index
    %get3A_525 = tpu.vector_load %arg8[%get3A_523, %get3A_524] {strides = array<i32>} : memref<2x128xi32, #tpu.memory_space<vmem>>, vector<1x16xi32>,
    %get3A_526 = vector.shape_cast %get3A_525 : vector<1x16xi32> to vector<16xi32>
    %ne3A_527 = arith.constant 0 : i32
    %ne3A_528 = vector.broadcast %ne3A_527 : i32 to vector<16xi32>
    %ne3A_529 = arith.cmpi ne, %get3A_526, %ne3A_528 : vector<16xi32>
    %get3A_530 = arith.constant 1 : i32
    %get3A_531 = arith.index_cast %get3A_530 : i32 to index
    %get3A_532 = arith.constant 0 : index
    %get3A_533 = tpu.vector_load %arg8[%get3A_531, %get3A_532] {strides = array<i32>} : memref<2x128xi32, #tpu.memory_space<vmem>>, vector<1x16xi32>,
    %get3A_534 = vector.shape_cast %get3A_533 : vector<1x16xi32> to vector<16xi32>
    %ne3A_535 = arith.constant 0 : i32
    %ne3A_536 = vector.broadcast %ne3A_535 : i32 to vector<16xi32>
    %ne3A_537 = arith.cmpi ne, %get3A_534, %ne3A_536 : vector<16xi32>
    %get3A_538 = arith.constant 1 : i32
    %get3A_539 = arith.index_cast %get3A_538 : i32 to index
    %get3A_540 = arith.constant 16 : index
    %get3A_541 = tpu.vector_load %arg8[%get3A_539, %get3A_540] {strides = array<i32>} : memref<2x128xi32, #tpu.memory_space<vmem>>, vector<1x16xi32>,
    %get3A_542 = vector.shape_cast %get3A_541 : vector<1x16xi32> to vector<16xi32>
    %ne3A_543 = arith.constant 0 : i32
    %ne3A_544 = vector.broadcast %ne3A_543 : i32 to vector<16xi32>
    %ne3A_545 = arith.cmpi ne, %get3A_542, %ne3A_544 : vector<16xi32>
    %get3A_546 = arith.constant 1 : i32
    %get3A_547 = arith.index_cast %get3A_546 : i32 to index
    %get3A_548 = arith.constant 32 : index
    %get3A_549 = tpu.vector_load %arg8[%get3A_547, %get3A_548] {strides = array<i32>} : memref<2x128xi32, #tpu.memory_space<vmem>>, vector<1x16xi32>,
    %get3A_550 = vector.shape_cast %get3A_549 : vector<1x16xi32> to vector<16xi32>
    %ne3A_551 = arith.constant 0 : i32
    %ne3A_552 = vector.broadcast %ne3A_551 : i32 to vector<16xi32>
    %ne3A_553 = arith.cmpi ne, %get3A_550, %ne3A_552 : vector<16xi32>
    %get3A_554 = arith.constant 1 : i32
    %get3A_555 = arith.index_cast %get3A_554 : i32 to index
    %get3A_556 = arith.constant 48 : index
    %get3A_557 = tpu.vector_load %arg8[%get3A_555, %get3A_556] {strides = array<i32>} : memref<2x128xi32, #tpu.memory_space<vmem>>, vector<1x16xi32>,
    %get3A_558 = vector.shape_cast %get3A_557 : vector<1x16xi32> to vector<16xi32>
    %ne3A_559 = arith.constant 0 : i32
    %ne3A_560 = vector.broadcast %ne3A_559 : i32 to vector<16xi32>
    %ne3A_561 = arith.cmpi ne, %get3A_558, %ne3A_560 : vector<16xi32>
    %get3A_562 = arith.constant 1 : i32
    %get3A_563 = arith.index_cast %get3A_562 : i32 to index
    %get3A_564 = arith.constant 64 : index
    %get3A_565 = tpu.vector_load %arg8[%get3A_563, %get3A_564] {strides = array<i32>} : memref<2x128xi32, #tpu.memory_space<vmem>>, vector<1x16xi32>,
    %get3A_566 = vector.shape_cast %get3A_565 : vector<1x16xi32> to vector<16xi32>
    %ne3A_567 = arith.constant 0 : i32
    %ne3A_568 = vector.broadcast %ne3A_567 : i32 to vector<16xi32>
    %ne3A_569 = arith.cmpi ne, %get3A_566, %ne3A_568 : vector<16xi32>
    %get3A_570 = arith.constant 1 : i32
    %get3A_571 = arith.index_cast %get3A_570 : i32 to index
    %get3A_572 = arith.constant 80 : index
    %get3A_573 = tpu.vector_load %arg8[%get3A_571, %get3A_572] {strides = array<i32>} : memref<2x128xi32, #tpu.memory_space<vmem>>, vector<1x16xi32>,
    %get3A_574 = vector.shape_cast %get3A_573 : vector<1x16xi32> to vector<16xi32>
    %ne3A_575 = arith.constant 0 : i32
    %ne3A_576 = vector.broadcast %ne3A_575 : i32 to vector<16xi32>
    %ne3A_577 = arith.cmpi ne, %get3A_574, %ne3A_576 : vector<16xi32>
    %get3A_578 = arith.constant 1 : i32
    %get3A_579 = arith.index_cast %get3A_578 : i32 to index
    %get3A_580 = arith.constant 96 : index
    %get3A_581 = tpu.vector_load %arg8[%get3A_579, %get3A_580] {strides = array<i32>} : memref<2x128xi32, #tpu.memory_space<vmem>>, vector<1x16xi32>,
    %get3A_582 = vector.shape_cast %get3A_581 : vector<1x16xi32> to vector<16xi32>
    %ne3A_583 = arith.constant 0 : i32
    %ne3A_584 = vector.broadcast %ne3A_583 : i32 to vector<16xi32>
    %ne3A_585 = arith.cmpi ne, %get3A_582, %ne3A_584 : vector<16xi32>
    %get3A_586 = arith.constant 1 : i32
    %get3A_587 = arith.index_cast %get3A_586 : i32 to index
    %get3A_588 = arith.constant 112 : index
    %get3A_589 = tpu.vector_load %arg8[%get3A_587, %get3A_588] {strides = array<i32>} : memref<2x128xi32, #tpu.memory_space<vmem>>, vector<1x16xi32>,
    %get3A_590 = vector.shape_cast %get3A_589 : vector<1x16xi32> to vector<16xi32>
    %ne3A_591 = arith.constant 0 : i32
    %ne3A_592 = vector.broadcast %ne3A_591 : i32 to vector<16xi32>
    %ne3A_593 = arith.cmpi ne, %get3A_590, %ne3A_592 : vector<16xi32>
    %parallel_loop3A_594 = arith.constant 0 : i32
    %parallel_loop3A_595 = arith.constant 128 : i32
    %parallel_loop3A_596 = arith.constant 1 : i32
    scf.for %parallel_loop3A_616 = %parallel_loop3A_594 to %parallel_loop3A_595 step %parallel_loop3A_596  : i32 {
      %parallel_loop3A_617 = arith.constant 16 : i32
      %parallel_loop3A_618 = arith.muli %parallel_loop3A_616, %parallel_loop3A_617 : i32
      %parallel_loop3A_619 = tpu.assume_multiple %parallel_loop3A_618, 16 : i32
      %parallel_loop3A_620 = arith.index_cast %parallel_loop3A_619 : i32 to index
      %parallel_loop3A_621 = tpu.vector_load %arg5[%parallel_loop3A_620] {strides = array<i32>} : memref<2048xf32, #tpu.memory_space<vmem>>, vector<16xf32>,
      %parallel_loop3A_622 = vector.shape_cast %parallel_loop3A_621 : vector<16xf32> to vector<16xf32>
      %parallel_loop3A_623 = arith.index_cast %parallel_loop3A_619 : i32 to index
      %parallel_loop3A_624 = tpu.vector_load %arg6[%parallel_loop3A_623] {strides = array<i32>} : memref<2048xf32, #tpu.memory_space<vmem>>, vector<16xf32>,
      %parallel_loop3A_625 = vector.shape_cast %parallel_loop3A_624 : vector<16xf32> to vector<16xf32>
      %parallel_loop3A_626 = arith.select %ne3A_473, %parallel_loop3A_625, %parallel_loop3A_622 : vector<16xi1>, vector<16xf32>
      %parallel_loop3A_627 = arith.constant 0 : i32
      %parallel_loop3A_628 = arith.index_cast %parallel_loop3A_627 : i32 to index
      %parallel_loop3A_629 = arith.index_cast %parallel_loop3A_619 : i32 to index
      %parallel_loop3A_630 = tpu.vector_load %arg10[%parallel_loop3A_628, %parallel_loop3A_629] {strides = array<i32>} : memref<16x2048xf32, #tpu.memory_space<vmem>>, vector<1x16xf32>,
      %parallel_loop3A_631 = vector.shape_cast %parallel_loop3A_630 : vector<1x16xf32> to vector<16xf32>
      %parallel_loop3A_632 = vector.shape_cast %parallel_loop3A_626 : vector<16xf32> to vector<1x16xf32>
      tpu.vector_store %arg10[%parallel_loop3A_628, %parallel_loop3A_629], %parallel_loop3A_632 {strides = array<i32>} : memref<16x2048xf32, #tpu.memory_space<vmem>>, vector<1x16xf32>,
      %parallel_loop3A_633 = arith.select %ne3A_481, %parallel_loop3A_625, %parallel_loop3A_622 : vector<16xi1>, vector<16xf32>
      %parallel_loop3A_634 = arith.constant 1 : i32
      %parallel_loop3A_635 = arith.index_cast %parallel_loop3A_634 : i32 to index
      %parallel_loop3A_636 = arith.index_cast %parallel_loop3A_619 : i32 to index
      %parallel_loop3A_637 = tpu.vector_load %arg10[%parallel_loop3A_635, %parallel_loop3A_636] {strides = array<i32>} : memref<16x2048xf32, #tpu.memory_space<vmem>>, vector<1x16xf32>,
      %parallel_loop3A_638 = vector.shape_cast %parallel_loop3A_637 : vector<1x16xf32> to vector<16xf32>
      %parallel_loop3A_639 = vector.shape_cast %parallel_loop3A_633 : vector<16xf32> to vector<1x16xf32>
      tpu.vector_store %arg10[%parallel_loop3A_635, %parallel_loop3A_636], %parallel_loop3A_639 {strides = array<i32>} : memref<16x2048xf32, #tpu.memory_space<vmem>>, vector<1x16xf32>,
      %parallel_loop3A_640 = arith.select %ne3A_489, %parallel_loop3A_625, %parallel_loop3A_622 : vector<16xi1>, vector<16xf32>
      %parallel_loop3A_641 = arith.constant 2 : i32
      %parallel_loop3A_642 = arith.index_cast %parallel_loop3A_641 : i32 to index
      %parallel_loop3A_643 = arith.index_cast %parallel_loop3A_619 : i32 to index
      %parallel_loop3A_644 = tpu.vector_load %arg10[%parallel_loop3A_642, %parallel_loop3A_643] {strides = array<i32>} : memref<16x2048xf32, #tpu.memory_space<vmem>>, vector<1x16xf32>,
      %parallel_loop3A_645 = vector.shape_cast %parallel_loop3A_644 : vector<1x16xf32> to vector<16xf32>
      %parallel_loop3A_646 = vector.shape_cast %parallel_loop3A_640 : vector<16xf32> to vector<1x16xf32>
      tpu.vector_store %arg10[%parallel_loop3A_642, %parallel_loop3A_643], %parallel_loop3A_646 {strides = array<i32>} : memref<16x2048xf32, #tpu.memory_space<vmem>>, vector<1x16xf32>,
      %parallel_loop3A_647 = arith.select %ne3A_497, %parallel_loop3A_625, %parallel_loop3A_622 : vector<16xi1>, vector<16xf32>
      %parallel_loop3A_648 = arith.constant 3 : i32
      %parallel_loop3A_649 = arith.index_cast %parallel_loop3A_648 : i32 to index
      %parallel_loop3A_650 = arith.index_cast %parallel_loop3A_619 : i32 to index
      %parallel_loop3A_651 = tpu.vector_load %arg10[%parallel_loop3A_649, %parallel_loop3A_650] {strides = array<i32>} : memref<16x2048xf32, #tpu.memory_space<vmem>>, vector<1x16xf32>,
      %parallel_loop3A_652 = vector.shape_cast %parallel_loop3A_651 : vector<1x16xf32> to vector<16xf32>
      %parallel_loop3A_653 = vector.shape_cast %parallel_loop3A_647 : vector<16xf32> to vector<1x16xf32>
      tpu.vector_store %arg10[%parallel_loop3A_649, %parallel_loop3A_650], %parallel_loop3A_653 {strides = array<i32>} : memref<16x2048xf32, #tpu.memory_space<vmem>>, vector<1x16xf32>,
      %parallel_loop3A_654 = arith.select %ne3A_505, %parallel_loop3A_625, %parallel_loop3A_622 : vector<16xi1>, vector<16xf32>
      %parallel_loop3A_655 = arith.constant 4 : i32
      %parallel_loop3A_656 = arith.index_cast %parallel_loop3A_655 : i32 to index
      %parallel_loop3A_657 = arith.index_cast %parallel_loop3A_619 : i32 to index
      %parallel_loop3A_658 = tpu.vector_load %arg10[%parallel_loop3A_656, %parallel_loop3A_657] {strides = array<i32>} : memref<16x2048xf32, #tpu.memory_space<vmem>>, vector<1x16xf32>,
      %parallel_loop3A_659 = vector.shape_cast %parallel_loop3A_658 : vector<1x16xf32> to vector<16xf32>
      %parallel_loop3A_660 = vector.shape_cast %parallel_loop3A_654 : vector<16xf32> to vector<1x16xf32>
      tpu.vector_store %arg10[%parallel_loop3A_656, %parallel_loop3A_657], %parallel_loop3A_660 {strides = array<i32>} : memref<16x2048xf32, #tpu.memory_space<vmem>>, vector<1x16xf32>,
      %parallel_loop3A_661 = arith.select %ne3A_513, %parallel_loop3A_625, %parallel_loop3A_622 : vector<16xi1>, vector<16xf32>
      %parallel_loop3A_662 = arith.constant 5 : i32
      %parallel_loop3A_663 = arith.index_cast %parallel_loop3A_662 : i32 to index
      %parallel_loop3A_664 = arith.index_cast %parallel_loop3A_619 : i32 to index
      %parallel_loop3A_665 = tpu.vector_load %arg10[%parallel_loop3A_663, %parallel_loop3A_664] {strides = array<i32>} : memref<16x2048xf32, #tpu.memory_space<vmem>>, vector<1x16xf32>,
      %parallel_loop3A_666 = vector.shape_cast %parallel_loop3A_665 : vector<1x16xf32> to vector<16xf32>
      %parallel_loop3A_667 = vector.shape_cast %parallel_loop3A_661 : vector<16xf32> to vector<1x16xf32>
      tpu.vector_store %arg10[%parallel_loop3A_663, %parallel_loop3A_664], %parallel_loop3A_667 {strides = array<i32>} : memref<16x2048xf32, #tpu.memory_space<vmem>>, vector<1x16xf32>,
      %parallel_loop3A_668 = arith.select %ne3A_521, %parallel_loop3A_625, %parallel_loop3A_622 : vector<16xi1>, vector<16xf32>
      %parallel_loop3A_669 = arith.constant 6 : i32
      %parallel_loop3A_670 = arith.index_cast %parallel_loop3A_669 : i32 to index
      %parallel_loop3A_671 = arith.index_cast %parallel_loop3A_619 : i32 to index
      %parallel_loop3A_672 = tpu.vector_load %arg10[%parallel_loop3A_670, %parallel_loop3A_671] {strides = array<i32>} : memref<16x2048xf32, #tpu.memory_space<vmem>>, vector<1x16xf32>,
      %parallel_loop3A_673 = vector.shape_cast %parallel_loop3A_672 : vector<1x16xf32> to vector<16xf32>
      %parallel_loop3A_674 = vector.shape_cast %parallel_loop3A_668 : vector<16xf32> to vector<1x16xf32>
      tpu.vector_store %arg10[%parallel_loop3A_670, %parallel_loop3A_671], %parallel_loop3A_674 {strides = array<i32>} : memref<16x2048xf32, #tpu.memory_space<vmem>>, vector<1x16xf32>,
      %parallel_loop3A_675 = arith.select %ne3A_529, %parallel_loop3A_625, %parallel_loop3A_622 : vector<16xi1>, vector<16xf32>
      %parallel_loop3A_676 = arith.constant 7 : i32
      %parallel_loop3A_677 = arith.index_cast %parallel_loop3A_676 : i32 to index
      %parallel_loop3A_678 = arith.index_cast %parallel_loop3A_619 : i32 to index
      %parallel_loop3A_679 = tpu.vector_load %arg10[%parallel_loop3A_677, %parallel_loop3A_678] {strides = array<i32>} : memref<16x2048xf32, #tpu.memory_space<vmem>>, vector<1x16xf32>,
      %parallel_loop3A_680 = vector.shape_cast %parallel_loop3A_679 : vector<1x16xf32> to vector<16xf32>
      %parallel_loop3A_681 = vector.shape_cast %parallel_loop3A_675 : vector<16xf32> to vector<1x16xf32>
      tpu.vector_store %arg10[%parallel_loop3A_677, %parallel_loop3A_678], %parallel_loop3A_681 {strides = array<i32>} : memref<16x2048xf32, #tpu.memory_space<vmem>>, vector<1x16xf32>,
      %parallel_loop3A_682 = arith.select %ne3A_537, %parallel_loop3A_625, %parallel_loop3A_622 : vector<16xi1>, vector<16xf32>
      %parallel_loop3A_683 = arith.constant 8 : i32
      %parallel_loop3A_684 = arith.index_cast %parallel_loop3A_683 : i32 to index
      %parallel_loop3A_685 = arith.index_cast %parallel_loop3A_619 : i32 to index
      %parallel_loop3A_686 = tpu.vector_load %arg10[%parallel_loop3A_684, %parallel_loop3A_685] {strides = array<i32>} : memref<16x2048xf32, #tpu.memory_space<vmem>>, vector<1x16xf32>,
      %parallel_loop3A_687 = vector.shape_cast %parallel_loop3A_686 : vector<1x16xf32> to vector<16xf32>
      %parallel_loop3A_688 = vector.shape_cast %parallel_loop3A_682 : vector<16xf32> to vector<1x16xf32>
      tpu.vector_store %arg10[%parallel_loop3A_684, %parallel_loop3A_685], %parallel_loop3A_688 {strides = array<i32>} : memref<16x2048xf32, #tpu.memory_space<vmem>>, vector<1x16xf32>,
      %parallel_loop3A_689 = arith.select %ne3A_545, %parallel_loop3A_625, %parallel_loop3A_622 : vector<16xi1>, vector<16xf32>
      %parallel_loop3A_690 = arith.constant 9 : i32
      %parallel_loop3A_691 = arith.index_cast %parallel_loop3A_690 : i32 to index
      %parallel_loop3A_692 = arith.index_cast %parallel_loop3A_619 : i32 to index
      %parallel_loop3A_693 = tpu.vector_load %arg10[%parallel_loop3A_691, %parallel_loop3A_692] {strides = array<i32>} : memref<16x2048xf32, #tpu.memory_space<vmem>>, vector<1x16xf32>,
      %parallel_loop3A_694 = vector.shape_cast %parallel_loop3A_693 : vector<1x16xf32> to vector<16xf32>
      %parallel_loop3A_695 = vector.shape_cast %parallel_loop3A_689 : vector<16xf32> to vector<1x16xf32>
      tpu.vector_store %arg10[%parallel_loop3A_691, %parallel_loop3A_692], %parallel_loop3A_695 {strides = array<i32>} : memref<16x2048xf32, #tpu.memory_space<vmem>>, vector<1x16xf32>,
      %parallel_loop3A_696 = arith.select %ne3A_553, %parallel_loop3A_625, %parallel_loop3A_622 : vector<16xi1>, vector<16xf32>
      %parallel_loop3A_697 = arith.constant 10 : i32
      %parallel_loop3A_698 = arith.index_cast %parallel_loop3A_697 : i32 to index
      %parallel_loop3A_699 = arith.index_cast %parallel_loop3A_619 : i32 to index
      %parallel_loop3A_700 = tpu.vector_load %arg10[%parallel_loop3A_698, %parallel_loop3A_699] {strides = array<i32>} : memref<16x2048xf32, #tpu.memory_space<vmem>>, vector<1x16xf32>,
      %parallel_loop3A_701 = vector.shape_cast %parallel_loop3A_700 : vector<1x16xf32> to vector<16xf32>
      %parallel_loop3A_702 = vector.shape_cast %parallel_loop3A_696 : vector<16xf32> to vector<1x16xf32>
      tpu.vector_store %arg10[%parallel_loop3A_698, %parallel_loop3A_699], %parallel_loop3A_702 {strides = array<i32>} : memref<16x2048xf32, #tpu.memory_space<vmem>>, vector<1x16xf32>,
      %parallel_loop3A_703 = arith.select %ne3A_561, %parallel_loop3A_625, %parallel_loop3A_622 : vector<16xi1>, vector<16xf32>
      %parallel_loop3A_704 = arith.constant 11 : i32
      %parallel_loop3A_705 = arith.index_cast %parallel_loop3A_704 : i32 to index
      %parallel_loop3A_706 = arith.index_cast %parallel_loop3A_619 : i32 to index
      %parallel_loop3A_707 = tpu.vector_load %arg10[%parallel_loop3A_705, %parallel_loop3A_706] {strides = array<i32>} : memref<16x2048xf32, #tpu.memory_space<vmem>>, vector<1x16xf32>,
      %parallel_loop3A_708 = vector.shape_cast %parallel_loop3A_707 : vector<1x16xf32> to vector<16xf32>
      %parallel_loop3A_709 = vector.shape_cast %parallel_loop3A_703 : vector<16xf32> to vector<1x16xf32>
      tpu.vector_store %arg10[%parallel_loop3A_705, %parallel_loop3A_706], %parallel_loop3A_709 {strides = array<i32>} : memref<16x2048xf32, #tpu.memory_space<vmem>>, vector<1x16xf32>,
      %parallel_loop3A_710 = arith.select %ne3A_569, %parallel_loop3A_625, %parallel_loop3A_622 : vector<16xi1>, vector<16xf32>
      %parallel_loop3A_711 = arith.constant 12 : i32
      %parallel_loop3A_712 = arith.index_cast %parallel_loop3A_711 : i32 to index
      %parallel_loop3A_713 = arith.index_cast %parallel_loop3A_619 : i32 to index
      %parallel_loop3A_714 = tpu.vector_load %arg10[%parallel_loop3A_712, %parallel_loop3A_713] {strides = array<i32>} : memref<16x2048xf32, #tpu.memory_space<vmem>>, vector<1x16xf32>,
      %parallel_loop3A_715 = vector.shape_cast %parallel_loop3A_714 : vector<1x16xf32> to vector<16xf32>
      %parallel_loop3A_716 = vector.shape_cast %parallel_loop3A_710 : vector<16xf32> to vector<1x16xf32>
      tpu.vector_store %arg10[%parallel_loop3A_712, %parallel_loop3A_713], %parallel_loop3A_716 {strides = array<i32>} : memref<16x2048xf32, #tpu.memory_space<vmem>>, vector<1x16xf32>,
      %parallel_loop3A_717 = arith.select %ne3A_577, %parallel_loop3A_625, %parallel_loop3A_622 : vector<16xi1>, vector<16xf32>
      %parallel_loop3A_718 = arith.constant 13 : i32
      %parallel_loop3A_719 = arith.index_cast %parallel_loop3A_718 : i32 to index
      %parallel_loop3A_720 = arith.index_cast %parallel_loop3A_619 : i32 to index
      %parallel_loop3A_721 = tpu.vector_load %arg10[%parallel_loop3A_719, %parallel_loop3A_720] {strides = array<i32>} : memref<16x2048xf32, #tpu.memory_space<vmem>>, vector<1x16xf32>,
      %parallel_loop3A_722 = vector.shape_cast %parallel_loop3A_721 : vector<1x16xf32> to vector<16xf32>
      %parallel_loop3A_723 = vector.shape_cast %parallel_loop3A_717 : vector<16xf32> to vector<1x16xf32>
      tpu.vector_store %arg10[%parallel_loop3A_719, %parallel_loop3A_720], %parallel_loop3A_723 {strides = array<i32>} : memref<16x2048xf32, #tpu.memory_space<vmem>>, vector<1x16xf32>,
      %parallel_loop3A_724 = arith.select %ne3A_585, %parallel_loop3A_625, %parallel_loop3A_622 : vector<16xi1>, vector<16xf32>
      %parallel_loop3A_725 = arith.constant 14 : i32
      %parallel_loop3A_726 = arith.index_cast %parallel_loop3A_725 : i32 to index
      %parallel_loop3A_727 = arith.index_cast %parallel_loop3A_619 : i32 to index
      %parallel_loop3A_728 = tpu.vector_load %arg10[%parallel_loop3A_726, %parallel_loop3A_727] {strides = array<i32>} : memref<16x2048xf32, #tpu.memory_space<vmem>>, vector<1x16xf32>,
      %parallel_loop3A_729 = vector.shape_cast %parallel_loop3A_728 : vector<1x16xf32> to vector<16xf32>
      %parallel_loop3A_730 = vector.shape_cast %parallel_loop3A_724 : vector<16xf32> to vector<1x16xf32>
      tpu.vector_store %arg10[%parallel_loop3A_726, %parallel_loop3A_727], %parallel_loop3A_730 {strides = array<i32>} : memref<16x2048xf32, #tpu.memory_space<vmem>>, vector<1x16xf32>,
      %parallel_loop3A_731 = arith.select %ne3A_593, %parallel_loop3A_625, %parallel_loop3A_622 : vector<16xi1>, vector<16xf32>
      %parallel_loop3A_732 = arith.constant 15 : i32
      %parallel_loop3A_733 = arith.index_cast %parallel_loop3A_732 : i32 to index
      %parallel_loop3A_734 = arith.index_cast %parallel_loop3A_619 : i32 to index
      %parallel_loop3A_735 = tpu.vector_load %arg10[%parallel_loop3A_733, %parallel_loop3A_734] {strides = array<i32>} : memref<16x2048xf32, #tpu.memory_space<vmem>>, vector<1x16xf32>,
      %parallel_loop3A_736 = vector.shape_cast %parallel_loop3A_735 : vector<1x16xf32> to vector<16xf32>
      %parallel_loop3A_737 = vector.shape_cast %parallel_loop3A_731 : vector<16xf32> to vector<1x16xf32>
      tpu.vector_store %arg10[%parallel_loop3A_733, %parallel_loop3A_734], %parallel_loop3A_737 {strides = array<i32>} : memref<16x2048xf32, #tpu.memory_space<vmem>>, vector<1x16xf32>,
    } {sc.loop_unroll_factor = 4 : i64, sc.parallel_access}
    %add3A_597 = arith.constant 16 : i32
    %add3A_598 = arith.addi %mul3A_2, %add3A_597 : i32
    %multiple_of3A_599 = tpu.assume_multiple %add3A_598, 8 : i32
    %dma_start3A_600 = arith.constant 0 : i32
    %dma_start3A_601 = tpu.memref_slice %arg4[%multiple_of3A_599, %dma_start3A_600] : memref<32768x2048xf32, #tpu.memory_space<hbm>> -> memref<16x2048xf32, #tpu.memory_space<hbm>>
    %dma_start3A_602 = arith.constant 0 : i32
    %dma_start3A_603 = tpu.memref_slice %arg4[%multiple_of3A_599, %dma_start3A_602] : memref<32768x2048xf32, #tpu.memory_space<hbm>> -> memref<16x2048xf32, #tpu.memory_space<hbm>>
    tpu.enqueue_dma source(%arg10 : memref<16x2048xf32, #tpu.memory_space<vmem>>) target(%dma_start3A_603 : memref<16x2048xf32, #tpu.memory_space<hbm>>) target_semaphore(%arg12 : memref<!tpu.dma_semaphore, #tpu.memory_space<semaphore_mem>>)
    %scan3A = arith.constant 0 : i32
    %scan3A_604 = arith.constant 1 : i32
    %scan3A_605 = arith.constant 31 : i32
    %scan3A_606 = arith.addi %scan3A_604, %scan3A_605 : i32
    %scan3A_607 = arith.constant 1 : i32
    scf.for %scan3A_616 = %scan3A_604 to %scan3A_606 step %scan3A_607  : i32 {
      %mul3A_617 = arith.constant 32 : i32
      %mul3A_618 = arith.muli %scan3A_616, %mul3A_617 : i32
      %multiple_of3A_619 = tpu.assume_multiple %mul3A_618, 16 : i32
      %dma_wait3A_620 = arith.constant 0 : i32
      %dma_wait3A_621 = tpu.memref_slice %arg4[%mul3A_2, %dma_wait3A_620] : memref<32768x2048xf32, #tpu.memory_space<hbm>> -> memref<16x2048xf32, #tpu.memory_space<hbm>>
      %dma_wait3A_622 = arith.constant 0 : i32
      %dma_wait3A_623 = tpu.memref_slice %arg4[%mul3A_2, %dma_wait3A_622] : memref<32768x2048xf32, #tpu.memory_space<hbm>> -> memref<16x2048xf32, #tpu.memory_space<hbm>>
      tpu.wait_dma2 semaphore(%arg11 : memref<!tpu.dma_semaphore, #tpu.memory_space<semaphore_mem>>) src(%arg9 : memref<16x2048xf32, #tpu.memory_space<vmem>>) dst(%dma_wait3A_623 : memref<16x2048xf32, #tpu.memory_space<hbm>>)
      %get3A_624 = arith.index_cast %multiple_of3A_619 : i32 to index
      %get3A_625 = tpu.vector_load %arg7[%get3A_624] {strides = array<i32>} : memref<1024xi32, #tpu.memory_space<vmem>>, vector<16xi32>,
      %get3A_626 = vector.shape_cast %get3A_625 : vector<16xi32> to vector<16xi32>
      %mul3A_627 = arith.constant 0 : i32
      %mul3A_628 = vector.broadcast %mul3A_627 : i32 to vector<16xi32>
      %mul3A_629 = arith.muli %get3A_626, %mul3A_628 : vector<16xi32>
      %slice3A_630 = vector.extract_strided_slice %get3A_626 {offsets = [0], sizes = [1], strides = [1]} : vector<16xi32> to vector<1xi32>
      %squeeze3A_631 = vector.extract %slice3A_630[0] : i32 from vector<1xi32>
      %add3A_632 = vector.broadcast %squeeze3A_631 : i32 to vector<16xi32>
      %add3A_633 = arith.addi %mul3A_629, %add3A_632 : vector<16xi32>
      %swap3A_634 = arith.constant 0 : i32
      %swap3A_635 = arith.index_cast %swap3A_634 : i32 to index
      %swap3A_636 = arith.constant 0 : index
      %swap3A_637 = tpu.vector_load %arg8[%swap3A_635, %swap3A_636] {strides = array<i32>} : memref<2x128xi32, #tpu.memory_space<vmem>>, vector<1x16xi32>,
      %swap3A_638 = vector.shape_cast %swap3A_637 : vector<1x16xi32> to vector<16xi32>
      %swap3A_639 = vector.shape_cast %add3A_633 : vector<16xi32> to vector<1x16xi32>
      tpu.vector_store %arg8[%swap3A_635, %swap3A_636], %swap3A_639 {strides = array<i32>} : memref<2x128xi32, #tpu.memory_space<vmem>>, vector<1x16xi32>,
      %slice3A_640 = vector.extract_strided_slice %get3A_626 {offsets = [1], sizes = [1], strides = [1]} : vector<16xi32> to vector<1xi32>
      %squeeze3A_641 = vector.extract %slice3A_640[0] : i32 from vector<1xi32>
      %add3A_642 = vector.broadcast %squeeze3A_641 : i32 to vector<16xi32>
      %add3A_643 = arith.addi %mul3A_629, %add3A_642 : vector<16xi32>
      %swap3A_644 = arith.constant 0 : i32
      %swap3A_645 = arith.index_cast %swap3A_644 : i32 to index
      %swap3A_646 = arith.constant 16 : index
      %swap3A_647 = tpu.vector_load %arg8[%swap3A_645, %swap3A_646] {strides = array<i32>} : memref<2x128xi32, #tpu.memory_space<vmem>>, vector<1x16xi32>,
      %swap3A_648 = vector.shape_cast %swap3A_647 : vector<1x16xi32> to vector<16xi32>
      %swap3A_649 = vector.shape_cast %add3A_643 : vector<16xi32> to vector<1x16xi32>
      tpu.vector_store %arg8[%swap3A_645, %swap3A_646], %swap3A_649 {strides = array<i32>} : memref<2x128xi32, #tpu.memory_space<vmem>>, vector<1x16xi32>,
      %slice3A_650 = vector.extract_strided_slice %get3A_626 {offsets = [2], sizes = [1], strides = [1]} : vector<16xi32> to vector<1xi32>
      %squeeze3A_651 = vector.extract %slice3A_650[0] : i32 from vector<1xi32>
      %add3A_652 = vector.broadcast %squeeze3A_651 : i32 to vector<16xi32>
      %add3A_653 = arith.addi %mul3A_629, %add3A_652 : vector<16xi32>
      %swap3A_654 = arith.constant 0 : i32
      %swap3A_655 = arith.index_cast %swap3A_654 : i32 to index
      %swap3A_656 = arith.constant 32 : index
      %swap3A_657 = tpu.vector_load %arg8[%swap3A_655, %swap3A_656] {strides = array<i32>} : memref<2x128xi32, #tpu.memory_space<vmem>>, vector<1x16xi32>,
      %swap3A_658 = vector.shape_cast %swap3A_657 : vector<1x16xi32> to vector<16xi32>
      %swap3A_659 = vector.shape_cast %add3A_653 : vector<16xi32> to vector<1x16xi32>
      tpu.vector_store %arg8[%swap3A_655, %swap3A_656], %swap3A_659 {strides = array<i32>} : memref<2x128xi32, #tpu.memory_space<vmem>>, vector<1x16xi32>,
      %slice3A_660 = vector.extract_strided_slice %get3A_626 {offsets = [3], sizes = [1], strides = [1]} : vector<16xi32> to vector<1xi32>
      %squeeze3A_661 = vector.extract %slice3A_660[0] : i32 from vector<1xi32>
      %add3A_662 = vector.broadcast %squeeze3A_661 : i32 to vector<16xi32>
      %add3A_663 = arith.addi %mul3A_629, %add3A_662 : vector<16xi32>
      %swap3A_664 = arith.constant 0 : i32
      %swap3A_665 = arith.index_cast %swap3A_664 : i32 to index
      %swap3A_666 = arith.constant 48 : index
      %swap3A_667 = tpu.vector_load %arg8[%swap3A_665, %swap3A_666] {strides = array<i32>} : memref<2x128xi32, #tpu.memory_space<vmem>>, vector<1x16xi32>,
      %swap3A_668 = vector.shape_cast %swap3A_667 : vector<1x16xi32> to vector<16xi32>
      %swap3A_669 = vector.shape_cast %add3A_663 : vector<16xi32> to vector<1x16xi32>
      tpu.vector_store %arg8[%swap3A_665, %swap3A_666], %swap3A_669 {strides = array<i32>} : memref<2x128xi32, #tpu.memory_space<vmem>>, vector<1x16xi32>,
      %slice3A_670 = vector.extract_strided_slice %get3A_626 {offsets = [4], sizes = [1], strides = [1]} : vector<16xi32> to vector<1xi32>
      %squeeze3A_671 = vector.extract %slice3A_670[0] : i32 from vector<1xi32>
      %add3A_672 = vector.broadcast %squeeze3A_671 : i32 to vector<16xi32>
      %add3A_673 = arith.addi %mul3A_629, %add3A_672 : vector<16xi32>
      %swap3A_674 = arith.constant 0 : i32
      %swap3A_675 = arith.index_cast %swap3A_674 : i32 to index
      %swap3A_676 = arith.constant 64 : index
      %swap3A_677 = tpu.vector_load %arg8[%swap3A_675, %swap3A_676] {strides = array<i32>} : memref<2x128xi32, #tpu.memory_space<vmem>>, vector<1x16xi32>,
      %swap3A_678 = vector.shape_cast %swap3A_677 : vector<1x16xi32> to vector<16xi32>
      %swap3A_679 = vector.shape_cast %add3A_673 : vector<16xi32> to vector<1x16xi32>
      tpu.vector_store %arg8[%swap3A_675, %swap3A_676], %swap3A_679 {strides = array<i32>} : memref<2x128xi32, #tpu.memory_space<vmem>>, vector<1x16xi32>,
      %slice3A_680 = vector.extract_strided_slice %get3A_626 {offsets = [5], sizes = [1], strides = [1]} : vector<16xi32> to vector<1xi32>
      %squeeze3A_681 = vector.extract %slice3A_680[0] : i32 from vector<1xi32>
      %add3A_682 = vector.broadcast %squeeze3A_681 : i32 to vector<16xi32>
      %add3A_683 = arith.addi %mul3A_629, %add3A_682 : vector<16xi32>
      %swap3A_684 = arith.constant 0 : i32
      %swap3A_685 = arith.index_cast %swap3A_684 : i32 to index
      %swap3A_686 = arith.constant 80 : index
      %swap3A_687 = tpu.vector_load %arg8[%swap3A_685, %swap3A_686] {strides = array<i32>} : memref<2x128xi32, #tpu.memory_space<vmem>>, vector<1x16xi32>,
      %swap3A_688 = vector.shape_cast %swap3A_687 : vector<1x16xi32> to vector<16xi32>
      %swap3A_689 = vector.shape_cast %add3A_683 : vector<16xi32> to vector<1x16xi32>
      tpu.vector_store %arg8[%swap3A_685, %swap3A_686], %swap3A_689 {strides = array<i32>} : memref<2x128xi32, #tpu.memory_space<vmem>>, vector<1x16xi32>,
      %slice3A_690 = vector.extract_strided_slice %get3A_626 {offsets = [6], sizes = [1], strides = [1]} : vector<16xi32> to vector<1xi32>
      %squeeze3A_691 = vector.extract %slice3A_690[0] : i32 from vector<1xi32>
      %add3A_692 = vector.broadcast %squeeze3A_691 : i32 to vector<16xi32>
      %add3A_693 = arith.addi %mul3A_629, %add3A_692 : vector<16xi32>
      %swap3A_694 = arith.constant 0 : i32
      %swap3A_695 = arith.index_cast %swap3A_694 : i32 to index
      %swap3A_696 = arith.constant 96 : index
      %swap3A_697 = tpu.vector_load %arg8[%swap3A_695, %swap3A_696] {strides = array<i32>} : memref<2x128xi32, #tpu.memory_space<vmem>>, vector<1x16xi32>,
      %swap3A_698 = vector.shape_cast %swap3A_697 : vector<1x16xi32> to vector<16xi32>
      %swap3A_699 = vector.shape_cast %add3A_693 : vector<16xi32> to vector<1x16xi32>
      tpu.vector_store %arg8[%swap3A_695, %swap3A_696], %swap3A_699 {strides = array<i32>} : memref<2x128xi32, #tpu.memory_space<vmem>>, vector<1x16xi32>,
      %slice3A_700 = vector.extract_strided_slice %get3A_626 {offsets = [7], sizes = [1], strides = [1]} : vector<16xi32> to vector<1xi32>
      %squeeze3A_701 = vector.extract %slice3A_700[0] : i32 from vector<1xi32>
      %add3A_702 = vector.broadcast %squeeze3A_701 : i32 to vector<16xi32>
      %add3A_703 = arith.addi %mul3A_629, %add3A_702 : vector<16xi32>
      %swap3A_704 = arith.constant 0 : i32
      %swap3A_705 = arith.index_cast %swap3A_704 : i32 to index
      %swap3A_706 = arith.constant 112 : index
      %swap3A_707 = tpu.vector_load %arg8[%swap3A_705, %swap3A_706] {strides = array<i32>} : memref<2x128xi32, #tpu.memory_space<vmem>>, vector<1x16xi32>,
      %swap3A_708 = vector.shape_cast %swap3A_707 : vector<1x16xi32> to vector<16xi32>
      %swap3A_709 = vector.shape_cast %add3A_703 : vector<16xi32> to vector<1x16xi32>
      tpu.vector_store %arg8[%swap3A_705, %swap3A_706], %swap3A_709 {strides = array<i32>} : memref<2x128xi32, #tpu.memory_space<vmem>>, vector<1x16xi32>,
      %slice3A_710 = vector.extract_strided_slice %get3A_626 {offsets = [8], sizes = [1], strides = [1]} : vector<16xi32> to vector<1xi32>
      %squeeze3A_711 = vector.extract %slice3A_710[0] : i32 from vector<1xi32>
      %add3A_712 = vector.broadcast %squeeze3A_711 : i32 to vector<16xi32>
      %add3A_713 = arith.addi %mul3A_629, %add3A_712 : vector<16xi32>
      %swap3A_714 = arith.constant 1 : i32
      %swap3A_715 = arith.index_cast %swap3A_714 : i32 to index
      %swap3A_716 = arith.constant 0 : index
      %swap3A_717 = tpu.vector_load %arg8[%swap3A_715, %swap3A_716] {strides = array<i32>} : memref<2x128xi32, #tpu.memory_space<vmem>>, vector<1x16xi32>,
      %swap3A_718 = vector.shape_cast %swap3A_717 : vector<1x16xi32> to vector<16xi32>
      %swap3A_719 = vector.shape_cast %add3A_713 : vector<16xi32> to vector<1x16xi32>
      tpu.vector_store %arg8[%swap3A_715, %swap3A_716], %swap3A_719 {strides = array<i32>} : memref<2x128xi32, #tpu.memory_space<vmem>>, vector<1x16xi32>,
      %slice3A_720 = vector.extract_strided_slice %get3A_626 {offsets = [9], sizes = [1], strides = [1]} : vector<16xi32> to vector<1xi32>
      %squeeze3A_721 = vector.extract %slice3A_720[0] : i32 from vector<1xi32>
      %add3A_722 = vector.broadcast %squeeze3A_721 : i32 to vector<16xi32>
      %add3A_723 = arith.addi %mul3A_629, %add3A_722 : vector<16xi32>
      %swap3A_724 = arith.constant 1 : i32
      %swap3A_725 = arith.index_cast %swap3A_724 : i32 to index
      %swap3A_726 = arith.constant 16 : index
      %swap3A_727 = tpu.vector_load %arg8[%swap3A_725, %swap3A_726] {strides = array<i32>} : memref<2x128xi32, #tpu.memory_space<vmem>>, vector<1x16xi32>,
      %swap3A_728 = vector.shape_cast %swap3A_727 : vector<1x16xi32> to vector<16xi32>
      %swap3A_729 = vector.shape_cast %add3A_723 : vector<16xi32> to vector<1x16xi32>
      tpu.vector_store %arg8[%swap3A_725, %swap3A_726], %swap3A_729 {strides = array<i32>} : memref<2x128xi32, #tpu.memory_space<vmem>>, vector<1x16xi32>,
      %slice3A_730 = vector.extract_strided_slice %get3A_626 {offsets = [10], sizes = [1], strides = [1]} : vector<16xi32> to vector<1xi32>
      %squeeze3A_731 = vector.extract %slice3A_730[0] : i32 from vector<1xi32>
      %add3A_732 = vector.broadcast %squeeze3A_731 : i32 to vector<16xi32>
      %add3A_733 = arith.addi %mul3A_629, %add3A_732 : vector<16xi32>
      %swap3A_734 = arith.constant 1 : i32
      %swap3A_735 = arith.index_cast %swap3A_734 : i32 to index
      %swap3A_736 = arith.constant 32 : index
      %swap3A_737 = tpu.vector_load %arg8[%swap3A_735, %swap3A_736] {strides = array<i32>} : memref<2x128xi32, #tpu.memory_space<vmem>>, vector<1x16xi32>,
      %swap3A_738 = vector.shape_cast %swap3A_737 : vector<1x16xi32> to vector<16xi32>
      %swap3A_739 = vector.shape_cast %add3A_733 : vector<16xi32> to vector<1x16xi32>
      tpu.vector_store %arg8[%swap3A_735, %swap3A_736], %swap3A_739 {strides = array<i32>} : memref<2x128xi32, #tpu.memory_space<vmem>>, vector<1x16xi32>,
      %slice3A_740 = vector.extract_strided_slice %get3A_626 {offsets = [11], sizes = [1], strides = [1]} : vector<16xi32> to vector<1xi32>
      %squeeze3A_741 = vector.extract %slice3A_740[0] : i32 from vector<1xi32>
      %add3A_742 = vector.broadcast %squeeze3A_741 : i32 to vector<16xi32>
      %add3A_743 = arith.addi %mul3A_629, %add3A_742 : vector<16xi32>
      %swap3A_744 = arith.constant 1 : i32
      %swap3A_745 = arith.index_cast %swap3A_744 : i32 to index
      %swap3A_746 = arith.constant 48 : index
      %swap3A_747 = tpu.vector_load %arg8[%swap3A_745, %swap3A_746] {strides = array<i32>} : memref<2x128xi32, #tpu.memory_space<vmem>>, vector<1x16xi32>,
      %swap3A_748 = vector.shape_cast %swap3A_747 : vector<1x16xi32> to vector<16xi32>
      %swap3A_749 = vector.shape_cast %add3A_743 : vector<16xi32> to vector<1x16xi32>
      tpu.vector_store %arg8[%swap3A_745, %swap3A_746], %swap3A_749 {strides = array<i32>} : memref<2x128xi32, #tpu.memory_space<vmem>>, vector<1x16xi32>,
      %slice3A_750 = vector.extract_strided_slice %get3A_626 {offsets = [12], sizes = [1], strides = [1]} : vector<16xi32> to vector<1xi32>
      %squeeze3A_751 = vector.extract %slice3A_750[0] : i32 from vector<1xi32>
      %add3A_752 = vector.broadcast %squeeze3A_751 : i32 to vector<16xi32>
      %add3A_753 = arith.addi %mul3A_629, %add3A_752 : vector<16xi32>
      %swap3A_754 = arith.constant 1 : i32
      %swap3A_755 = arith.index_cast %swap3A_754 : i32 to index
      %swap3A_756 = arith.constant 64 : index
      %swap3A_757 = tpu.vector_load %arg8[%swap3A_755, %swap3A_756] {strides = array<i32>} : memref<2x128xi32, #tpu.memory_space<vmem>>, vector<1x16xi32>,
      %swap3A_758 = vector.shape_cast %swap3A_757 : vector<1x16xi32> to vector<16xi32>
      %swap3A_759 = vector.shape_cast %add3A_753 : vector<16xi32> to vector<1x16xi32>
      tpu.vector_store %arg8[%swap3A_755, %swap3A_756], %swap3A_759 {strides = array<i32>} : memref<2x128xi32, #tpu.memory_space<vmem>>, vector<1x16xi32>,
      %slice3A_760 = vector.extract_strided_slice %get3A_626 {offsets = [13], sizes = [1], strides = [1]} : vector<16xi32> to vector<1xi32>
      %squeeze3A_761 = vector.extract %slice3A_760[0] : i32 from vector<1xi32>
      %add3A_762 = vector.broadcast %squeeze3A_761 : i32 to vector<16xi32>
      %add3A_763 = arith.addi %mul3A_629, %add3A_762 : vector<16xi32>
      %swap3A_764 = arith.constant 1 : i32
      %swap3A_765 = arith.index_cast %swap3A_764 : i32 to index
      %swap3A_766 = arith.constant 80 : index
      %swap3A_767 = tpu.vector_load %arg8[%swap3A_765, %swap3A_766] {strides = array<i32>} : memref<2x128xi32, #tpu.memory_space<vmem>>, vector<1x16xi32>,
      %swap3A_768 = vector.shape_cast %swap3A_767 : vector<1x16xi32> to vector<16xi32>
      %swap3A_769 = vector.shape_cast %add3A_763 : vector<16xi32> to vector<1x16xi32>
      tpu.vector_store %arg8[%swap3A_765, %swap3A_766], %swap3A_769 {strides = array<i32>} : memref<2x128xi32, #tpu.memory_space<vmem>>, vector<1x16xi32>,
      %slice3A_770 = vector.extract_strided_slice %get3A_626 {offsets = [14], sizes = [1], strides = [1]} : vector<16xi32> to vector<1xi32>
      %squeeze3A_771 = vector.extract %slice3A_770[0] : i32 from vector<1xi32>
      %add3A_772 = vector.broadcast %squeeze3A_771 : i32 to vector<16xi32>
      %add3A_773 = arith.addi %mul3A_629, %add3A_772 : vector<16xi32>
      %swap3A_774 = arith.constant 1 : i32
      %swap3A_775 = arith.index_cast %swap3A_774 : i32 to index
      %swap3A_776 = arith.constant 96 : index
      %swap3A_777 = tpu.vector_load %arg8[%swap3A_775, %swap3A_776] {strides = array<i32>} : memref<2x128xi32, #tpu.memory_space<vmem>>, vector<1x16xi32>,
      %swap3A_778 = vector.shape_cast %swap3A_777 : vector<1x16xi32> to vector<16xi32>
      %swap3A_779 = vector.shape_cast %add3A_773 : vector<16xi32> to vector<1x16xi32>
      tpu.vector_store %arg8[%swap3A_775, %swap3A_776], %swap3A_779 {strides = array<i32>} : memref<2x128xi32, #tpu.memory_space<vmem>>, vector<1x16xi32>,
      %slice3A_780 = vector.extract_strided_slice %get3A_626 {offsets = [15], sizes = [1], strides = [1]} : vector<16xi32> to vector<1xi32>
      %squeeze3A_781 = vector.extract %slice3A_780[0] : i32 from vector<1xi32>
      %add3A_782 = vector.broadcast %squeeze3A_781 : i32 to vector<16xi32>
      %add3A_783 = arith.addi %mul3A_629, %add3A_782 : vector<16xi32>
      %swap3A_784 = arith.constant 1 : i32
      %swap3A_785 = arith.index_cast %swap3A_784 : i32 to index
      %swap3A_786 = arith.constant 112 : index
      %swap3A_787 = tpu.vector_load %arg8[%swap3A_785, %swap3A_786] {strides = array<i32>} : memref<2x128xi32, #tpu.memory_space<vmem>>, vector<1x16xi32>,
      %swap3A_788 = vector.shape_cast %swap3A_787 : vector<1x16xi32> to vector<16xi32>
      %swap3A_789 = vector.shape_cast %add3A_783 : vector<16xi32> to vector<1x16xi32>
      tpu.vector_store %arg8[%swap3A_785, %swap3A_786], %swap3A_789 {strides = array<i32>} : memref<2x128xi32, #tpu.memory_space<vmem>>, vector<1x16xi32>,
      %get3A_790 = arith.constant 0 : i32
      %get3A_791 = arith.index_cast %get3A_790 : i32 to index
      %get3A_792 = arith.constant 0 : index
      %get3A_793 = tpu.vector_load %arg8[%get3A_791, %get3A_792] {strides = array<i32>} : memref<2x128xi32, #tpu.memory_space<vmem>>, vector<1x16xi32>,
      %get3A_794 = vector.shape_cast %get3A_793 : vector<1x16xi32> to vector<16xi32>
      %ne3A_795 = arith.constant 0 : i32
      %ne3A_796 = vector.broadcast %ne3A_795 : i32 to vector<16xi32>
      %ne3A_797 = arith.cmpi ne, %get3A_794, %ne3A_796 : vector<16xi32>
      %get3A_798 = arith.constant 0 : i32
      %get3A_799 = arith.index_cast %get3A_798 : i32 to index
      %get3A_800 = arith.constant 16 : index
      %get3A_801 = tpu.vector_load %arg8[%get3A_799, %get3A_800] {strides = array<i32>} : memref<2x128xi32, #tpu.memory_space<vmem>>, vector<1x16xi32>,
      %get3A_802 = vector.shape_cast %get3A_801 : vector<1x16xi32> to vector<16xi32>
      %ne3A_803 = arith.constant 0 : i32
      %ne3A_804 = vector.broadcast %ne3A_803 : i32 to vector<16xi32>
      %ne3A_805 = arith.cmpi ne, %get3A_802, %ne3A_804 : vector<16xi32>
      %get3A_806 = arith.constant 0 : i32
      %get3A_807 = arith.index_cast %get3A_806 : i32 to index
      %get3A_808 = arith.constant 32 : index
      %get3A_809 = tpu.vector_load %arg8[%get3A_807, %get3A_808] {strides = array<i32>} : memref<2x128xi32, #tpu.memory_space<vmem>>, vector<1x16xi32>,
      %get3A_810 = vector.shape_cast %get3A_809 : vector<1x16xi32> to vector<16xi32>
      %ne3A_811 = arith.constant 0 : i32
      %ne3A_812 = vector.broadcast %ne3A_811 : i32 to vector<16xi32>
      %ne3A_813 = arith.cmpi ne, %get3A_810, %ne3A_812 : vector<16xi32>
      %get3A_814 = arith.constant 0 : i32
      %get3A_815 = arith.index_cast %get3A_814 : i32 to index
      %get3A_816 = arith.constant 48 : index
      %get3A_817 = tpu.vector_load %arg8[%get3A_815, %get3A_816] {strides = array<i32>} : memref<2x128xi32, #tpu.memory_space<vmem>>, vector<1x16xi32>,
      %get3A_818 = vector.shape_cast %get3A_817 : vector<1x16xi32> to vector<16xi32>
      %ne3A_819 = arith.constant 0 : i32
      %ne3A_820 = vector.broadcast %ne3A_819 : i32 to vector<16xi32>
      %ne3A_821 = arith.cmpi ne, %get3A_818, %ne3A_820 : vector<16xi32>
      %get3A_822 = arith.constant 0 : i32
      %get3A_823 = arith.index_cast %get3A_822 : i32 to index
      %get3A_824 = arith.constant 64 : index
      %get3A_825 = tpu.vector_load %arg8[%get3A_823, %get3A_824] {strides = array<i32>} : memref<2x128xi32, #tpu.memory_space<vmem>>, vector<1x16xi32>,
      %get3A_826 = vector.shape_cast %get3A_825 : vector<1x16xi32> to vector<16xi32>
      %ne3A_827 = arith.constant 0 : i32
      %ne3A_828 = vector.broadcast %ne3A_827 : i32 to vector<16xi32>
      %ne3A_829 = arith.cmpi ne, %get3A_826, %ne3A_828 : vector<16xi32>
      %get3A_830 = arith.constant 0 : i32
      %get3A_831 = arith.index_cast %get3A_830 : i32 to index
      %get3A_832 = arith.constant 80 : index
      %get3A_833 = tpu.vector_load %arg8[%get3A_831, %get3A_832] {strides = array<i32>} : memref<2x128xi32, #tpu.memory_space<vmem>>, vector<1x16xi32>,
      %get3A_834 = vector.shape_cast %get3A_833 : vector<1x16xi32> to vector<16xi32>
      %ne3A_835 = arith.constant 0 : i32
      %ne3A_836 = vector.broadcast %ne3A_835 : i32 to vector<16xi32>
      %ne3A_837 = arith.cmpi ne, %get3A_834, %ne3A_836 : vector<16xi32>
      %get3A_838 = arith.constant 0 : i32
      %get3A_839 = arith.index_cast %get3A_838 : i32 to index
      %get3A_840 = arith.constant 96 : index
      %get3A_841 = tpu.vector_load %arg8[%get3A_839, %get3A_840] {strides = array<i32>} : memref<2x128xi32, #tpu.memory_space<vmem>>, vector<1x16xi32>,
      %get3A_842 = vector.shape_cast %get3A_841 : vector<1x16xi32> to vector<16xi32>
      %ne3A_843 = arith.constant 0 : i32
      %ne3A_844 = vector.broadcast %ne3A_843 : i32 to vector<16xi32>
      %ne3A_845 = arith.cmpi ne, %get3A_842, %ne3A_844 : vector<16xi32>
      %get3A_846 = arith.constant 0 : i32
      %get3A_847 = arith.index_cast %get3A_846 : i32 to index
      %get3A_848 = arith.constant 112 : index
      %get3A_849 = tpu.vector_load %arg8[%get3A_847, %get3A_848] {strides = array<i32>} : memref<2x128xi32, #tpu.memory_space<vmem>>, vector<1x16xi32>,
      %get3A_850 = vector.shape_cast %get3A_849 : vector<1x16xi32> to vector<16xi32>
      %ne3A_851 = arith.constant 0 : i32
      %ne3A_852 = vector.broadcast %ne3A_851 : i32 to vector<16xi32>
      %ne3A_853 = arith.cmpi ne, %get3A_850, %ne3A_852 : vector<16xi32>
      %get3A_854 = arith.constant 1 : i32
      %get3A_855 = arith.index_cast %get3A_854 : i32 to index
      %get3A_856 = arith.constant 0 : index
      %get3A_857 = tpu.vector_load %arg8[%get3A_855, %get3A_856] {strides = array<i32>} : memref<2x128xi32, #tpu.memory_space<vmem>>, vector<1x16xi32>,
      %get3A_858 = vector.shape_cast %get3A_857 : vector<1x16xi32> to vector<16xi32>
      %ne3A_859 = arith.constant 0 : i32
      %ne3A_860 = vector.broadcast %ne3A_859 : i32 to vector<16xi32>
      %ne3A_861 = arith.cmpi ne, %get3A_858, %ne3A_860 : vector<16xi32>
      %get3A_862 = arith.constant 1 : i32
      %get3A_863 = arith.index_cast %get3A_862 : i32 to index
      %get3A_864 = arith.constant 16 : index
      %get3A_865 = tpu.vector_load %arg8[%get3A_863, %get3A_864] {strides = array<i32>} : memref<2x128xi32, #tpu.memory_space<vmem>>, vector<1x16xi32>,
      %get3A_866 = vector.shape_cast %get3A_865 : vector<1x16xi32> to vector<16xi32>
      %ne3A_867 = arith.constant 0 : i32
      %ne3A_868 = vector.broadcast %ne3A_867 : i32 to vector<16xi32>
      %ne3A_869 = arith.cmpi ne, %get3A_866, %ne3A_868 : vector<16xi32>
      %get3A_870 = arith.constant 1 : i32
      %get3A_871 = arith.index_cast %get3A_870 : i32 to index
      %get3A_872 = arith.constant 32 : index
      %get3A_873 = tpu.vector_load %arg8[%get3A_871, %get3A_872] {strides = array<i32>} : memref<2x128xi32, #tpu.memory_space<vmem>>, vector<1x16xi32>,
      %get3A_874 = vector.shape_cast %get3A_873 : vector<1x16xi32> to vector<16xi32>
      %ne3A_875 = arith.constant 0 : i32
      %ne3A_876 = vector.broadcast %ne3A_875 : i32 to vector<16xi32>
      %ne3A_877 = arith.cmpi ne, %get3A_874, %ne3A_876 : vector<16xi32>
      %get3A_878 = arith.constant 1 : i32
      %get3A_879 = arith.index_cast %get3A_878 : i32 to index
      %get3A_880 = arith.constant 48 : index
      %get3A_881 = tpu.vector_load %arg8[%get3A_879, %get3A_880] {strides = array<i32>} : memref<2x128xi32, #tpu.memory_space<vmem>>, vector<1x16xi32>,
      %get3A_882 = vector.shape_cast %get3A_881 : vector<1x16xi32> to vector<16xi32>
      %ne3A_883 = arith.constant 0 : i32
      %ne3A_884 = vector.broadcast %ne3A_883 : i32 to vector<16xi32>
      %ne3A_885 = arith.cmpi ne, %get3A_882, %ne3A_884 : vector<16xi32>
      %get3A_886 = arith.constant 1 : i32
      %get3A_887 = arith.index_cast %get3A_886 : i32 to index
      %get3A_888 = arith.constant 64 : index
      %get3A_889 = tpu.vector_load %arg8[%get3A_887, %get3A_888] {strides = array<i32>} : memref<2x128xi32, #tpu.memory_space<vmem>>, vector<1x16xi32>,
      %get3A_890 = vector.shape_cast %get3A_889 : vector<1x16xi32> to vector<16xi32>
      %ne3A_891 = arith.constant 0 : i32
      %ne3A_892 = vector.broadcast %ne3A_891 : i32 to vector<16xi32>
      %ne3A_893 = arith.cmpi ne, %get3A_890, %ne3A_892 : vector<16xi32>
      %get3A_894 = arith.constant 1 : i32
      %get3A_895 = arith.index_cast %get3A_894 : i32 to index
      %get3A_896 = arith.constant 80 : index
      %get3A_897 = tpu.vector_load %arg8[%get3A_895, %get3A_896] {strides = array<i32>} : memref<2x128xi32, #tpu.memory_space<vmem>>, vector<1x16xi32>,
      %get3A_898 = vector.shape_cast %get3A_897 : vector<1x16xi32> to vector<16xi32>
      %ne3A_899 = arith.constant 0 : i32
      %ne3A_900 = vector.broadcast %ne3A_899 : i32 to vector<16xi32>
      %ne3A_901 = arith.cmpi ne, %get3A_898, %ne3A_900 : vector<16xi32>
      %get3A_902 = arith.constant 1 : i32
      %get3A_903 = arith.index_cast %get3A_902 : i32 to index
      %get3A_904 = arith.constant 96 : index
      %get3A_905 = tpu.vector_load %arg8[%get3A_903, %get3A_904] {strides = array<i32>} : memref<2x128xi32, #tpu.memory_space<vmem>>, vector<1x16xi32>,
      %get3A_906 = vector.shape_cast %get3A_905 : vector<1x16xi32> to vector<16xi32>
      %ne3A_907 = arith.constant 0 : i32
      %ne3A_908 = vector.broadcast %ne3A_907 : i32 to vector<16xi32>
      %ne3A_909 = arith.cmpi ne, %get3A_906, %ne3A_908 : vector<16xi32>
      %get3A_910 = arith.constant 1 : i32
      %get3A_911 = arith.index_cast %get3A_910 : i32 to index
      %get3A_912 = arith.constant 112 : index
      %get3A_913 = tpu.vector_load %arg8[%get3A_911, %get3A_912] {strides = array<i32>} : memref<2x128xi32, #tpu.memory_space<vmem>>, vector<1x16xi32>,
      %get3A_914 = vector.shape_cast %get3A_913 : vector<1x16xi32> to vector<16xi32>
      %ne3A_915 = arith.constant 0 : i32
      %ne3A_916 = vector.broadcast %ne3A_915 : i32 to vector<16xi32>
      %ne3A_917 = arith.cmpi ne, %get3A_914, %ne3A_916 : vector<16xi32>
      %parallel_loop3A_918 = arith.constant 0 : i32
      %parallel_loop3A_919 = arith.constant 128 : i32
      %parallel_loop3A_920 = arith.constant 1 : i32
      scf.for %parallel_loop3A_1238 = %parallel_loop3A_918 to %parallel_loop3A_919 step %parallel_loop3A_920  : i32 {
        %parallel_loop3A_1239 = arith.constant 16 : i32
        %parallel_loop3A_1240 = arith.muli %parallel_loop3A_1238, %parallel_loop3A_1239 : i32
        %parallel_loop3A_1241 = tpu.assume_multiple %parallel_loop3A_1240, 16 : i32
        %parallel_loop3A_1242 = arith.index_cast %parallel_loop3A_1241 : i32 to index
        %parallel_loop3A_1243 = tpu.vector_load %arg5[%parallel_loop3A_1242] {strides = array<i32>} : memref<2048xf32, #tpu.memory_space<vmem>>, vector<16xf32>,
        %parallel_loop3A_1244 = vector.shape_cast %parallel_loop3A_1243 : vector<16xf32> to vector<16xf32>
        %parallel_loop3A_1245 = arith.index_cast %parallel_loop3A_1241 : i32 to index
        %parallel_loop3A_1246 = tpu.vector_load %arg6[%parallel_loop3A_1245] {strides = array<i32>} : memref<2048xf32, #tpu.memory_space<vmem>>, vector<16xf32>,
        %parallel_loop3A_1247 = vector.shape_cast %parallel_loop3A_1246 : vector<16xf32> to vector<16xf32>
        %parallel_loop3A_1248 = arith.select %ne3A_797, %parallel_loop3A_1247, %parallel_loop3A_1244 : vector<16xi1>, vector<16xf32>
        %parallel_loop3A_1249 = arith.constant 0 : i32
        %parallel_loop3A_1250 = arith.index_cast %parallel_loop3A_1249 : i32 to index
        %parallel_loop3A_1251 = arith.index_cast %parallel_loop3A_1241 : i32 to index
        %parallel_loop3A_1252 = tpu.vector_load %arg9[%parallel_loop3A_1250, %parallel_loop3A_1251] {strides = array<i32>} : memref<16x2048xf32, #tpu.memory_space<vmem>>, vector<1x16xf32>,
        %parallel_loop3A_1253 = vector.shape_cast %parallel_loop3A_1252 : vector<1x16xf32> to vector<16xf32>
        %parallel_loop3A_1254 = vector.shape_cast %parallel_loop3A_1248 : vector<16xf32> to vector<1x16xf32>
        tpu.vector_store %arg9[%parallel_loop3A_1250, %parallel_loop3A_1251], %parallel_loop3A_1254 {strides = array<i32>} : memref<16x2048xf32, #tpu.memory_space<vmem>>, vector<1x16xf32>,
        %parallel_loop3A_1255 = arith.select %ne3A_805, %parallel_loop3A_1247, %parallel_loop3A_1244 : vector<16xi1>, vector<16xf32>
        %parallel_loop3A_1256 = arith.constant 1 : i32
        %parallel_loop3A_1257 = arith.index_cast %parallel_loop3A_1256 : i32 to index
        %parallel_loop3A_1258 = arith.index_cast %parallel_loop3A_1241 : i32 to index
        %parallel_loop3A_1259 = tpu.vector_load %arg9[%parallel_loop3A_1257, %parallel_loop3A_1258] {strides = array<i32>} : memref<16x2048xf32, #tpu.memory_space<vmem>>, vector<1x16xf32>,
        %parallel_loop3A_1260 = vector.shape_cast %parallel_loop3A_1259 : vector<1x16xf32> to vector<16xf32>
        %parallel_loop3A_1261 = vector.shape_cast %parallel_loop3A_1255 : vector<16xf32> to vector<1x16xf32>
        tpu.vector_store %arg9[%parallel_loop3A_1257, %parallel_loop3A_1258], %parallel_loop3A_1261 {strides = array<i32>} : memref<16x2048xf32, #tpu.memory_space<vmem>>, vector<1x16xf32>,
        %parallel_loop3A_1262 = arith.select %ne3A_813, %parallel_loop3A_1247, %parallel_loop3A_1244 : vector<16xi1>, vector<16xf32>
        %parallel_loop3A_1263 = arith.constant 2 : i32
        %parallel_loop3A_1264 = arith.index_cast %parallel_loop3A_1263 : i32 to index
        %parallel_loop3A_1265 = arith.index_cast %parallel_loop3A_1241 : i32 to index
        %parallel_loop3A_1266 = tpu.vector_load %arg9[%parallel_loop3A_1264, %parallel_loop3A_1265] {strides = array<i32>} : memref<16x2048xf32, #tpu.memory_space<vmem>>, vector<1x16xf32>,
        %parallel_loop3A_1267 = vector.shape_cast %parallel_loop3A_1266 : vector<1x16xf32> to vector<16xf32>
        %parallel_loop3A_1268 = vector.shape_cast %parallel_loop3A_1262 : vector<16xf32> to vector<1x16xf32>
        tpu.vector_store %arg9[%parallel_loop3A_1264, %parallel_loop3A_1265], %parallel_loop3A_1268 {strides = array<i32>} : memref<16x2048xf32, #tpu.memory_space<vmem>>, vector<1x16xf32>,
        %parallel_loop3A_1269 = arith.select %ne3A_821, %parallel_loop3A_1247, %parallel_loop3A_1244 : vector<16xi1>, vector<16xf32>
        %parallel_loop3A_1270 = arith.constant 3 : i32
        %parallel_loop3A_1271 = arith.index_cast %parallel_loop3A_1270 : i32 to index
        %parallel_loop3A_1272 = arith.index_cast %parallel_loop3A_1241 : i32 to index
        %parallel_loop3A_1273 = tpu.vector_load %arg9[%parallel_loop3A_1271, %parallel_loop3A_1272] {strides = array<i32>} : memref<16x2048xf32, #tpu.memory_space<vmem>>, vector<1x16xf32>,
        %parallel_loop3A_1274 = vector.shape_cast %parallel_loop3A_1273 : vector<1x16xf32> to vector<16xf32>
        %parallel_loop3A_1275 = vector.shape_cast %parallel_loop3A_1269 : vector<16xf32> to vector<1x16xf32>
        tpu.vector_store %arg9[%parallel_loop3A_1271, %parallel_loop3A_1272], %parallel_loop3A_1275 {strides = array<i32>} : memref<16x2048xf32, #tpu.memory_space<vmem>>, vector<1x16xf32>,
        %parallel_loop3A_1276 = arith.select %ne3A_829, %parallel_loop3A_1247, %parallel_loop3A_1244 : vector<16xi1>, vector<16xf32>
        %parallel_loop3A_1277 = arith.constant 4 : i32
        %parallel_loop3A_1278 = arith.index_cast %parallel_loop3A_1277 : i32 to index
        %parallel_loop3A_1279 = arith.index_cast %parallel_loop3A_1241 : i32 to index
        %parallel_loop3A_1280 = tpu.vector_load %arg9[%parallel_loop3A_1278, %parallel_loop3A_1279] {strides = array<i32>} : memref<16x2048xf32, #tpu.memory_space<vmem>>, vector<1x16xf32>,
        %parallel_loop3A_1281 = vector.shape_cast %parallel_loop3A_1280 : vector<1x16xf32> to vector<16xf32>
        %parallel_loop3A_1282 = vector.shape_cast %parallel_loop3A_1276 : vector<16xf32> to vector<1x16xf32>
        tpu.vector_store %arg9[%parallel_loop3A_1278, %parallel_loop3A_1279], %parallel_loop3A_1282 {strides = array<i32>} : memref<16x2048xf32, #tpu.memory_space<vmem>>, vector<1x16xf32>,
        %parallel_loop3A_1283 = arith.select %ne3A_837, %parallel_loop3A_1247, %parallel_loop3A_1244 : vector<16xi1>, vector<16xf32>
        %parallel_loop3A_1284 = arith.constant 5 : i32
        %parallel_loop3A_1285 = arith.index_cast %parallel_loop3A_1284 : i32 to index
        %parallel_loop3A_1286 = arith.index_cast %parallel_loop3A_1241 : i32 to index
        %parallel_loop3A_1287 = tpu.vector_load %arg9[%parallel_loop3A_1285, %parallel_loop3A_1286] {strides = array<i32>} : memref<16x2048xf32, #tpu.memory_space<vmem>>, vector<1x16xf32>,
        %parallel_loop3A_1288 = vector.shape_cast %parallel_loop3A_1287 : vector<1x16xf32> to vector<16xf32>
        %parallel_loop3A_1289 = vector.shape_cast %parallel_loop3A_1283 : vector<16xf32> to vector<1x16xf32>
        tpu.vector_store %arg9[%parallel_loop3A_1285, %parallel_loop3A_1286], %parallel_loop3A_1289 {strides = array<i32>} : memref<16x2048xf32, #tpu.memory_space<vmem>>, vector<1x16xf32>,
        %parallel_loop3A_1290 = arith.select %ne3A_845, %parallel_loop3A_1247, %parallel_loop3A_1244 : vector<16xi1>, vector<16xf32>
        %parallel_loop3A_1291 = arith.constant 6 : i32
        %parallel_loop3A_1292 = arith.index_cast %parallel_loop3A_1291 : i32 to index
        %parallel_loop3A_1293 = arith.index_cast %parallel_loop3A_1241 : i32 to index
        %parallel_loop3A_1294 = tpu.vector_load %arg9[%parallel_loop3A_1292, %parallel_loop3A_1293] {strides = array<i32>} : memref<16x2048xf32, #tpu.memory_space<vmem>>, vector<1x16xf32>,
        %parallel_loop3A_1295 = vector.shape_cast %parallel_loop3A_1294 : vector<1x16xf32> to vector<16xf32>
        %parallel_loop3A_1296 = vector.shape_cast %parallel_loop3A_1290 : vector<16xf32> to vector<1x16xf32>
        tpu.vector_store %arg9[%parallel_loop3A_1292, %parallel_loop3A_1293], %parallel_loop3A_1296 {strides = array<i32>} : memref<16x2048xf32, #tpu.memory_space<vmem>>, vector<1x16xf32>,
        %parallel_loop3A_1297 = arith.select %ne3A_853, %parallel_loop3A_1247, %parallel_loop3A_1244 : vector<16xi1>, vector<16xf32>
        %parallel_loop3A_1298 = arith.constant 7 : i32
        %parallel_loop3A_1299 = arith.index_cast %parallel_loop3A_1298 : i32 to index
        %parallel_loop3A_1300 = arith.index_cast %parallel_loop3A_1241 : i32 to index
        %parallel_loop3A_1301 = tpu.vector_load %arg9[%parallel_loop3A_1299, %parallel_loop3A_1300] {strides = array<i32>} : memref<16x2048xf32, #tpu.memory_space<vmem>>, vector<1x16xf32>,
        %parallel_loop3A_1302 = vector.shape_cast %parallel_loop3A_1301 : vector<1x16xf32> to vector<16xf32>
        %parallel_loop3A_1303 = vector.shape_cast %parallel_loop3A_1297 : vector<16xf32> to vector<1x16xf32>
        tpu.vector_store %arg9[%parallel_loop3A_1299, %parallel_loop3A_1300], %parallel_loop3A_1303 {strides = array<i32>} : memref<16x2048xf32, #tpu.memory_space<vmem>>, vector<1x16xf32>,
        %parallel_loop3A_1304 = arith.select %ne3A_861, %parallel_loop3A_1247, %parallel_loop3A_1244 : vector<16xi1>, vector<16xf32>
        %parallel_loop3A_1305 = arith.constant 8 : i32
        %parallel_loop3A_1306 = arith.index_cast %parallel_loop3A_1305 : i32 to index
        %parallel_loop3A_1307 = arith.index_cast %parallel_loop3A_1241 : i32 to index
        %parallel_loop3A_1308 = tpu.vector_load %arg9[%parallel_loop3A_1306, %parallel_loop3A_1307] {strides = array<i32>} : memref<16x2048xf32, #tpu.memory_space<vmem>>, vector<1x16xf32>,
        %parallel_loop3A_1309 = vector.shape_cast %parallel_loop3A_1308 : vector<1x16xf32> to vector<16xf32>
        %parallel_loop3A_1310 = vector.shape_cast %parallel_loop3A_1304 : vector<16xf32> to vector<1x16xf32>
        tpu.vector_store %arg9[%parallel_loop3A_1306, %parallel_loop3A_1307], %parallel_loop3A_1310 {strides = array<i32>} : memref<16x2048xf32, #tpu.memory_space<vmem>>, vector<1x16xf32>,
        %parallel_loop3A_1311 = arith.select %ne3A_869, %parallel_loop3A_1247, %parallel_loop3A_1244 : vector<16xi1>, vector<16xf32>
        %parallel_loop3A_1312 = arith.constant 9 : i32
        %parallel_loop3A_1313 = arith.index_cast %parallel_loop3A_1312 : i32 to index
        %parallel_loop3A_1314 = arith.index_cast %parallel_loop3A_1241 : i32 to index
        %parallel_loop3A_1315 = tpu.vector_load %arg9[%parallel_loop3A_1313, %parallel_loop3A_1314] {strides = array<i32>} : memref<16x2048xf32, #tpu.memory_space<vmem>>, vector<1x16xf32>,
        %parallel_loop3A_1316 = vector.shape_cast %parallel_loop3A_1315 : vector<1x16xf32> to vector<16xf32>
        %parallel_loop3A_1317 = vector.shape_cast %parallel_loop3A_1311 : vector<16xf32> to vector<1x16xf32>
        tpu.vector_store %arg9[%parallel_loop3A_1313, %parallel_loop3A_1314], %parallel_loop3A_1317 {strides = array<i32>} : memref<16x2048xf32, #tpu.memory_space<vmem>>, vector<1x16xf32>,
        %parallel_loop3A_1318 = arith.select %ne3A_877, %parallel_loop3A_1247, %parallel_loop3A_1244 : vector<16xi1>, vector<16xf32>
        %parallel_loop3A_1319 = arith.constant 10 : i32
        %parallel_loop3A_1320 = arith.index_cast %parallel_loop3A_1319 : i32 to index
        %parallel_loop3A_1321 = arith.index_cast %parallel_loop3A_1241 : i32 to index
        %parallel_loop3A_1322 = tpu.vector_load %arg9[%parallel_loop3A_1320, %parallel_loop3A_1321] {strides = array<i32>} : memref<16x2048xf32, #tpu.memory_space<vmem>>, vector<1x16xf32>,
        %parallel_loop3A_1323 = vector.shape_cast %parallel_loop3A_1322 : vector<1x16xf32> to vector<16xf32>
        %parallel_loop3A_1324 = vector.shape_cast %parallel_loop3A_1318 : vector<16xf32> to vector<1x16xf32>
        tpu.vector_store %arg9[%parallel_loop3A_1320, %parallel_loop3A_1321], %parallel_loop3A_1324 {strides = array<i32>} : memref<16x2048xf32, #tpu.memory_space<vmem>>, vector<1x16xf32>,
        %parallel_loop3A_1325 = arith.select %ne3A_885, %parallel_loop3A_1247, %parallel_loop3A_1244 : vector<16xi1>, vector<16xf32>
        %parallel_loop3A_1326 = arith.constant 11 : i32
        %parallel_loop3A_1327 = arith.index_cast %parallel_loop3A_1326 : i32 to index
        %parallel_loop3A_1328 = arith.index_cast %parallel_loop3A_1241 : i32 to index
        %parallel_loop3A_1329 = tpu.vector_load %arg9[%parallel_loop3A_1327, %parallel_loop3A_1328] {strides = array<i32>} : memref<16x2048xf32, #tpu.memory_space<vmem>>, vector<1x16xf32>,
        %parallel_loop3A_1330 = vector.shape_cast %parallel_loop3A_1329 : vector<1x16xf32> to vector<16xf32>
        %parallel_loop3A_1331 = vector.shape_cast %parallel_loop3A_1325 : vector<16xf32> to vector<1x16xf32>
        tpu.vector_store %arg9[%parallel_loop3A_1327, %parallel_loop3A_1328], %parallel_loop3A_1331 {strides = array<i32>} : memref<16x2048xf32, #tpu.memory_space<vmem>>, vector<1x16xf32>,
        %parallel_loop3A_1332 = arith.select %ne3A_893, %parallel_loop3A_1247, %parallel_loop3A_1244 : vector<16xi1>, vector<16xf32>
        %parallel_loop3A_1333 = arith.constant 12 : i32
        %parallel_loop3A_1334 = arith.index_cast %parallel_loop3A_1333 : i32 to index
        %parallel_loop3A_1335 = arith.index_cast %parallel_loop3A_1241 : i32 to index
        %parallel_loop3A_1336 = tpu.vector_load %arg9[%parallel_loop3A_1334, %parallel_loop3A_1335] {strides = array<i32>} : memref<16x2048xf32, #tpu.memory_space<vmem>>, vector<1x16xf32>,
        %parallel_loop3A_1337 = vector.shape_cast %parallel_loop3A_1336 : vector<1x16xf32> to vector<16xf32>
        %parallel_loop3A_1338 = vector.shape_cast %parallel_loop3A_1332 : vector<16xf32> to vector<1x16xf32>
        tpu.vector_store %arg9[%parallel_loop3A_1334, %parallel_loop3A_1335], %parallel_loop3A_1338 {strides = array<i32>} : memref<16x2048xf32, #tpu.memory_space<vmem>>, vector<1x16xf32>,
        %parallel_loop3A_1339 = arith.select %ne3A_901, %parallel_loop3A_1247, %parallel_loop3A_1244 : vector<16xi1>, vector<16xf32>
        %parallel_loop3A_1340 = arith.constant 13 : i32
        %parallel_loop3A_1341 = arith.index_cast %parallel_loop3A_1340 : i32 to index
        %parallel_loop3A_1342 = arith.index_cast %parallel_loop3A_1241 : i32 to index
        %parallel_loop3A_1343 = tpu.vector_load %arg9[%parallel_loop3A_1341, %parallel_loop3A_1342] {strides = array<i32>} : memref<16x2048xf32, #tpu.memory_space<vmem>>, vector<1x16xf32>,
        %parallel_loop3A_1344 = vector.shape_cast %parallel_loop3A_1343 : vector<1x16xf32> to vector<16xf32>
        %parallel_loop3A_1345 = vector.shape_cast %parallel_loop3A_1339 : vector<16xf32> to vector<1x16xf32>
        tpu.vector_store %arg9[%parallel_loop3A_1341, %parallel_loop3A_1342], %parallel_loop3A_1345 {strides = array<i32>} : memref<16x2048xf32, #tpu.memory_space<vmem>>, vector<1x16xf32>,
        %parallel_loop3A_1346 = arith.select %ne3A_909, %parallel_loop3A_1247, %parallel_loop3A_1244 : vector<16xi1>, vector<16xf32>
        %parallel_loop3A_1347 = arith.constant 14 : i32
        %parallel_loop3A_1348 = arith.index_cast %parallel_loop3A_1347 : i32 to index
        %parallel_loop3A_1349 = arith.index_cast %parallel_loop3A_1241 : i32 to index
        %parallel_loop3A_1350 = tpu.vector_load %arg9[%parallel_loop3A_1348, %parallel_loop3A_1349] {strides = array<i32>} : memref<16x2048xf32, #tpu.memory_space<vmem>>, vector<1x16xf32>,
        %parallel_loop3A_1351 = vector.shape_cast %parallel_loop3A_1350 : vector<1x16xf32> to vector<16xf32>
        %parallel_loop3A_1352 = vector.shape_cast %parallel_loop3A_1346 : vector<16xf32> to vector<1x16xf32>
        tpu.vector_store %arg9[%parallel_loop3A_1348, %parallel_loop3A_1349], %parallel_loop3A_1352 {strides = array<i32>} : memref<16x2048xf32, #tpu.memory_space<vmem>>, vector<1x16xf32>,
        %parallel_loop3A_1353 = arith.select %ne3A_917, %parallel_loop3A_1247, %parallel_loop3A_1244 : vector<16xi1>, vector<16xf32>
        %parallel_loop3A_1354 = arith.constant 15 : i32
        %parallel_loop3A_1355 = arith.index_cast %parallel_loop3A_1354 : i32 to index
        %parallel_loop3A_1356 = arith.index_cast %parallel_loop3A_1241 : i32 to index
        %parallel_loop3A_1357 = tpu.vector_load %arg9[%parallel_loop3A_1355, %parallel_loop3A_1356] {strides = array<i32>} : memref<16x2048xf32, #tpu.memory_space<vmem>>, vector<1x16xf32>,
        %parallel_loop3A_1358 = vector.shape_cast %parallel_loop3A_1357 : vector<1x16xf32> to vector<16xf32>
        %parallel_loop3A_1359 = vector.shape_cast %parallel_loop3A_1353 : vector<16xf32> to vector<1x16xf32>
        tpu.vector_store %arg9[%parallel_loop3A_1355, %parallel_loop3A_1356], %parallel_loop3A_1359 {strides = array<i32>} : memref<16x2048xf32, #tpu.memory_space<vmem>>, vector<1x16xf32>,
      } {sc.loop_unroll_factor = 4 : i64, sc.parallel_access}
      %add3A_921 = arith.addi %mul3A_2, %multiple_of3A_619 : i32
      %multiple_of3A_922 = tpu.assume_multiple %add3A_921, 8 : i32
      %dma_start3A_923 = arith.constant 0 : i32
      %dma_start3A_924 = tpu.memref_slice %arg4[%multiple_of3A_922, %dma_start3A_923] : memref<32768x2048xf32, #tpu.memory_space<hbm>> -> memref<16x2048xf32, #tpu.memory_space<hbm>>
      %dma_start3A_925 = arith.constant 0 : i32
      %dma_start3A_926 = tpu.memref_slice %arg4[%multiple_of3A_922, %dma_start3A_925] : memref<32768x2048xf32, #tpu.memory_space<hbm>> -> memref<16x2048xf32, #tpu.memory_space<hbm>>
      tpu.enqueue_dma source(%arg9 : memref<16x2048xf32, #tpu.memory_space<vmem>>) target(%dma_start3A_926 : memref<16x2048xf32, #tpu.memory_space<hbm>>) target_semaphore(%arg11 : memref<!tpu.dma_semaphore, #tpu.memory_space<semaphore_mem>>)
      %dma_wait3A_927 = arith.constant 0 : i32
      %dma_wait3A_928 = tpu.memref_slice %arg4[%mul3A_2, %dma_wait3A_927] : memref<32768x2048xf32, #tpu.memory_space<hbm>> -> memref<16x2048xf32, #tpu.memory_space<hbm>>
      %dma_wait3A_929 = arith.constant 0 : i32
      %dma_wait3A_930 = tpu.memref_slice %arg4[%mul3A_2, %dma_wait3A_929] : memref<32768x2048xf32, #tpu.memory_space<hbm>> -> memref<16x2048xf32, #tpu.memory_space<hbm>>
      tpu.wait_dma2 semaphore(%arg12 : memref<!tpu.dma_semaphore, #tpu.memory_space<semaphore_mem>>) src(%arg10 : memref<16x2048xf32, #tpu.memory_space<vmem>>) dst(%dma_wait3A_930 : memref<16x2048xf32, #tpu.memory_space<hbm>>)
      %add3A_931 = arith.constant 16 : i32
      %add3A_932 = arith.addi %multiple_of3A_619, %add3A_931 : i32
      %get3A_933 = arith.index_cast %add3A_932 : i32 to index
      %get3A_934 = tpu.vector_load %arg7[%get3A_933] {strides = array<i32>} : memref<1024xi32, #tpu.memory_space<vmem>>, vector<16xi32>,
      %get3A_935 = vector.shape_cast %get3A_934 : vector<16xi32> to vector<16xi32>
      %mul3A_936 = arith.constant 0 : i32
      %mul3A_937 = vector.broadcast %mul3A_936 : i32 to vector<16xi32>
      %mul3A_938 = arith.muli %get3A_935, %mul3A_937 : vector<16xi32>
      %slice3A_939 = vector.extract_strided_slice %get3A_935 {offsets = [0], sizes = [1], strides = [1]} : vector<16xi32> to vector<1xi32>
      %squeeze3A_940 = vector.extract %slice3A_939[0] : i32 from vector<1xi32>
      %add3A_941 = vector.broadcast %squeeze3A_940 : i32 to vector<16xi32>
      %add3A_942 = arith.addi %mul3A_938, %add3A_941 : vector<16xi32>
      %swap3A_943 = arith.constant 0 : i32
      %swap3A_944 = arith.index_cast %swap3A_943 : i32 to index
      %swap3A_945 = arith.constant 0 : index
      %swap3A_946 = tpu.vector_load %arg8[%swap3A_944, %swap3A_945] {strides = array<i32>} : memref<2x128xi32, #tpu.memory_space<vmem>>, vector<1x16xi32>,
      %swap3A_947 = vector.shape_cast %swap3A_946 : vector<1x16xi32> to vector<16xi32>
      %swap3A_948 = vector.shape_cast %add3A_942 : vector<16xi32> to vector<1x16xi32>
      tpu.vector_store %arg8[%swap3A_944, %swap3A_945], %swap3A_948 {strides = array<i32>} : memref<2x128xi32, #tpu.memory_space<vmem>>, vector<1x16xi32>,
      %slice3A_949 = vector.extract_strided_slice %get3A_935 {offsets = [1], sizes = [1], strides = [1]} : vector<16xi32> to vector<1xi32>
      %squeeze3A_950 = vector.extract %slice3A_949[0] : i32 from vector<1xi32>
      %add3A_951 = vector.broadcast %squeeze3A_950 : i32 to vector<16xi32>
      %add3A_952 = arith.addi %mul3A_938, %add3A_951 : vector<16xi32>
      %swap3A_953 = arith.constant 0 : i32
      %swap3A_954 = arith.index_cast %swap3A_953 : i32 to index
      %swap3A_955 = arith.constant 16 : index
      %swap3A_956 = tpu.vector_load %arg8[%swap3A_954, %swap3A_955] {strides = array<i32>} : memref<2x128xi32, #tpu.memory_space<vmem>>, vector<1x16xi32>,
      %swap3A_957 = vector.shape_cast %swap3A_956 : vector<1x16xi32> to vector<16xi32>
      %swap3A_958 = vector.shape_cast %add3A_952 : vector<16xi32> to vector<1x16xi32>
      tpu.vector_store %arg8[%swap3A_954, %swap3A_955], %swap3A_958 {strides = array<i32>} : memref<2x128xi32, #tpu.memory_space<vmem>>, vector<1x16xi32>,
      %slice3A_959 = vector.extract_strided_slice %get3A_935 {offsets = [2], sizes = [1], strides = [1]} : vector<16xi32> to vector<1xi32>
      %squeeze3A_960 = vector.extract %slice3A_959[0] : i32 from vector<1xi32>
      %add3A_961 = vector.broadcast %squeeze3A_960 : i32 to vector<16xi32>
      %add3A_962 = arith.addi %mul3A_938, %add3A_961 : vector<16xi32>
      %swap3A_963 = arith.constant 0 : i32
      %swap3A_964 = arith.index_cast %swap3A_963 : i32 to index
      %swap3A_965 = arith.constant 32 : index
      %swap3A_966 = tpu.vector_load %arg8[%swap3A_964, %swap3A_965] {strides = array<i32>} : memref<2x128xi32, #tpu.memory_space<vmem>>, vector<1x16xi32>,
      %swap3A_967 = vector.shape_cast %swap3A_966 : vector<1x16xi32> to vector<16xi32>
      %swap3A_968 = vector.shape_cast %add3A_962 : vector<16xi32> to vector<1x16xi32>
      tpu.vector_store %arg8[%swap3A_964, %swap3A_965], %swap3A_968 {strides = array<i32>} : memref<2x128xi32, #tpu.memory_space<vmem>>, vector<1x16xi32>,
      %slice3A_969 = vector.extract_strided_slice %get3A_935 {offsets = [3], sizes = [1], strides = [1]} : vector<16xi32> to vector<1xi32>
      %squeeze3A_970 = vector.extract %slice3A_969[0] : i32 from vector<1xi32>
      %add3A_971 = vector.broadcast %squeeze3A_970 : i32 to vector<16xi32>
      %add3A_972 = arith.addi %mul3A_938, %add3A_971 : vector<16xi32>
      %swap3A_973 = arith.constant 0 : i32
      %swap3A_974 = arith.index_cast %swap3A_973 : i32 to index
      %swap3A_975 = arith.constant 48 : index
      %swap3A_976 = tpu.vector_load %arg8[%swap3A_974, %swap3A_975] {strides = array<i32>} : memref<2x128xi32, #tpu.memory_space<vmem>>, vector<1x16xi32>,
      %swap3A_977 = vector.shape_cast %swap3A_976 : vector<1x16xi32> to vector<16xi32>
      %swap3A_978 = vector.shape_cast %add3A_972 : vector<16xi32> to vector<1x16xi32>
      tpu.vector_store %arg8[%swap3A_974, %swap3A_975], %swap3A_978 {strides = array<i32>} : memref<2x128xi32, #tpu.memory_space<vmem>>, vector<1x16xi32>,
      %slice3A_979 = vector.extract_strided_slice %get3A_935 {offsets = [4], sizes = [1], strides = [1]} : vector<16xi32> to vector<1xi32>
      %squeeze3A_980 = vector.extract %slice3A_979[0] : i32 from vector<1xi32>
      %add3A_981 = vector.broadcast %squeeze3A_980 : i32 to vector<16xi32>
      %add3A_982 = arith.addi %mul3A_938, %add3A_981 : vector<16xi32>
      %swap3A_983 = arith.constant 0 : i32
      %swap3A_984 = arith.index_cast %swap3A_983 : i32 to index
      %swap3A_985 = arith.constant 64 : index
      %swap3A_986 = tpu.vector_load %arg8[%swap3A_984, %swap3A_985] {strides = array<i32>} : memref<2x128xi32, #tpu.memory_space<vmem>>, vector<1x16xi32>,
      %swap3A_987 = vector.shape_cast %swap3A_986 : vector<1x16xi32> to vector<16xi32>
      %swap3A_988 = vector.shape_cast %add3A_982 : vector<16xi32> to vector<1x16xi32>
      tpu.vector_store %arg8[%swap3A_984, %swap3A_985], %swap3A_988 {strides = array<i32>} : memref<2x128xi32, #tpu.memory_space<vmem>>, vector<1x16xi32>,
      %slice3A_989 = vector.extract_strided_slice %get3A_935 {offsets = [5], sizes = [1], strides = [1]} : vector<16xi32> to vector<1xi32>
      %squeeze3A_990 = vector.extract %slice3A_989[0] : i32 from vector<1xi32>
      %add3A_991 = vector.broadcast %squeeze3A_990 : i32 to vector<16xi32>
      %add3A_992 = arith.addi %mul3A_938, %add3A_991 : vector<16xi32>
      %swap3A_993 = arith.constant 0 : i32
      %swap3A_994 = arith.index_cast %swap3A_993 : i32 to index
      %swap3A_995 = arith.constant 80 : index
      %swap3A_996 = tpu.vector_load %arg8[%swap3A_994, %swap3A_995] {strides = array<i32>} : memref<2x128xi32, #tpu.memory_space<vmem>>, vector<1x16xi32>,
      %swap3A_997 = vector.shape_cast %swap3A_996 : vector<1x16xi32> to vector<16xi32>
      %swap3A_998 = vector.shape_cast %add3A_992 : vector<16xi32> to vector<1x16xi32>
      tpu.vector_store %arg8[%swap3A_994, %swap3A_995], %swap3A_998 {strides = array<i32>} : memref<2x128xi32, #tpu.memory_space<vmem>>, vector<1x16xi32>,
      %slice3A_999 = vector.extract_strided_slice %get3A_935 {offsets = [6], sizes = [1], strides = [1]} : vector<16xi32> to vector<1xi32>
      %squeeze3A_1000 = vector.extract %slice3A_999[0] : i32 from vector<1xi32>
      %add3A_1001 = vector.broadcast %squeeze3A_1000 : i32 to vector<16xi32>
      %add3A_1002 = arith.addi %mul3A_938, %add3A_1001 : vector<16xi32>
      %swap3A_1003 = arith.constant 0 : i32
      %swap3A_1004 = arith.index_cast %swap3A_1003 : i32 to index
      %swap3A_1005 = arith.constant 96 : index
      %swap3A_1006 = tpu.vector_load %arg8[%swap3A_1004, %swap3A_1005] {strides = array<i32>} : memref<2x128xi32, #tpu.memory_space<vmem>>, vector<1x16xi32>,
      %swap3A_1007 = vector.shape_cast %swap3A_1006 : vector<1x16xi32> to vector<16xi32>
      %swap3A_1008 = vector.shape_cast %add3A_1002 : vector<16xi32> to vector<1x16xi32>
      tpu.vector_store %arg8[%swap3A_1004, %swap3A_1005], %swap3A_1008 {strides = array<i32>} : memref<2x128xi32, #tpu.memory_space<vmem>>, vector<1x16xi32>,
      %slice3A_1009 = vector.extract_strided_slice %get3A_935 {offsets = [7], sizes = [1], strides = [1]} : vector<16xi32> to vector<1xi32>
      %squeeze3A_1010 = vector.extract %slice3A_1009[0] : i32 from vector<1xi32>
      %add3A_1011 = vector.broadcast %squeeze3A_1010 : i32 to vector<16xi32>
      %add3A_1012 = arith.addi %mul3A_938, %add3A_1011 : vector<16xi32>
      %swap3A_1013 = arith.constant 0 : i32
      %swap3A_1014 = arith.index_cast %swap3A_1013 : i32 to index
      %swap3A_1015 = arith.constant 112 : index
      %swap3A_1016 = tpu.vector_load %arg8[%swap3A_1014, %swap3A_1015] {strides = array<i32>} : memref<2x128xi32, #tpu.memory_space<vmem>>, vector<1x16xi32>,
      %swap3A_1017 = vector.shape_cast %swap3A_1016 : vector<1x16xi32> to vector<16xi32>
      %swap3A_1018 = vector.shape_cast %add3A_1012 : vector<16xi32> to vector<1x16xi32>
      tpu.vector_store %arg8[%swap3A_1014, %swap3A_1015], %swap3A_1018 {strides = array<i32>} : memref<2x128xi32, #tpu.memory_space<vmem>>, vector<1x16xi32>,
      %slice3A_1019 = vector.extract_strided_slice %get3A_935 {offsets = [8], sizes = [1], strides = [1]} : vector<16xi32> to vector<1xi32>
      %squeeze3A_1020 = vector.extract %slice3A_1019[0] : i32 from vector<1xi32>
      %add3A_1021 = vector.broadcast %squeeze3A_1020 : i32 to vector<16xi32>
      %add3A_1022 = arith.addi %mul3A_938, %add3A_1021 : vector<16xi32>
      %swap3A_1023 = arith.constant 1 : i32
      %swap3A_1024 = arith.index_cast %swap3A_1023 : i32 to index
      %swap3A_1025 = arith.constant 0 : index
      %swap3A_1026 = tpu.vector_load %arg8[%swap3A_1024, %swap3A_1025] {strides = array<i32>} : memref<2x128xi32, #tpu.memory_space<vmem>>, vector<1x16xi32>,
      %swap3A_1027 = vector.shape_cast %swap3A_1026 : vector<1x16xi32> to vector<16xi32>
      %swap3A_1028 = vector.shape_cast %add3A_1022 : vector<16xi32> to vector<1x16xi32>
      tpu.vector_store %arg8[%swap3A_1024, %swap3A_1025], %swap3A_1028 {strides = array<i32>} : memref<2x128xi32, #tpu.memory_space<vmem>>, vector<1x16xi32>,
      %slice3A_1029 = vector.extract_strided_slice %get3A_935 {offsets = [9], sizes = [1], strides = [1]} : vector<16xi32> to vector<1xi32>
      %squeeze3A_1030 = vector.extract %slice3A_1029[0] : i32 from vector<1xi32>
      %add3A_1031 = vector.broadcast %squeeze3A_1030 : i32 to vector<16xi32>
      %add3A_1032 = arith.addi %mul3A_938, %add3A_1031 : vector<16xi32>
      %swap3A_1033 = arith.constant 1 : i32
      %swap3A_1034 = arith.index_cast %swap3A_1033 : i32 to index
      %swap3A_1035 = arith.constant 16 : index
      %swap3A_1036 = tpu.vector_load %arg8[%swap3A_1034, %swap3A_1035] {strides = array<i32>} : memref<2x128xi32, #tpu.memory_space<vmem>>, vector<1x16xi32>,
      %swap3A_1037 = vector.shape_cast %swap3A_1036 : vector<1x16xi32> to vector<16xi32>
      %swap3A_1038 = vector.shape_cast %add3A_1032 : vector<16xi32> to vector<1x16xi32>
      tpu.vector_store %arg8[%swap3A_1034, %swap3A_1035], %swap3A_1038 {strides = array<i32>} : memref<2x128xi32, #tpu.memory_space<vmem>>, vector<1x16xi32>,
      %slice3A_1039 = vector.extract_strided_slice %get3A_935 {offsets = [10], sizes = [1], strides = [1]} : vector<16xi32> to vector<1xi32>
      %squeeze3A_1040 = vector.extract %slice3A_1039[0] : i32 from vector<1xi32>
      %add3A_1041 = vector.broadcast %squeeze3A_1040 : i32 to vector<16xi32>
      %add3A_1042 = arith.addi %mul3A_938, %add3A_1041 : vector<16xi32>
      %swap3A_1043 = arith.constant 1 : i32
      %swap3A_1044 = arith.index_cast %swap3A_1043 : i32 to index
      %swap3A_1045 = arith.constant 32 : index
      %swap3A_1046 = tpu.vector_load %arg8[%swap3A_1044, %swap3A_1045] {strides = array<i32>} : memref<2x128xi32, #tpu.memory_space<vmem>>, vector<1x16xi32>,
      %swap3A_1047 = vector.shape_cast %swap3A_1046 : vector<1x16xi32> to vector<16xi32>
      %swap3A_1048 = vector.shape_cast %add3A_1042 : vector<16xi32> to vector<1x16xi32>
      tpu.vector_store %arg8[%swap3A_1044, %swap3A_1045], %swap3A_1048 {strides = array<i32>} : memref<2x128xi32, #tpu.memory_space<vmem>>, vector<1x16xi32>,
      %slice3A_1049 = vector.extract_strided_slice %get3A_935 {offsets = [11], sizes = [1], strides = [1]} : vector<16xi32> to vector<1xi32>
      %squeeze3A_1050 = vector.extract %slice3A_1049[0] : i32 from vector<1xi32>
      %add3A_1051 = vector.broadcast %squeeze3A_1050 : i32 to vector<16xi32>
      %add3A_1052 = arith.addi %mul3A_938, %add3A_1051 : vector<16xi32>
      %swap3A_1053 = arith.constant 1 : i32
      %swap3A_1054 = arith.index_cast %swap3A_1053 : i32 to index
      %swap3A_1055 = arith.constant 48 : index
      %swap3A_1056 = tpu.vector_load %arg8[%swap3A_1054, %swap3A_1055] {strides = array<i32>} : memref<2x128xi32, #tpu.memory_space<vmem>>, vector<1x16xi32>,
      %swap3A_1057 = vector.shape_cast %swap3A_1056 : vector<1x16xi32> to vector<16xi32>
      %swap3A_1058 = vector.shape_cast %add3A_1052 : vector<16xi32> to vector<1x16xi32>
      tpu.vector_store %arg8[%swap3A_1054, %swap3A_1055], %swap3A_1058 {strides = array<i32>} : memref<2x128xi32, #tpu.memory_space<vmem>>, vector<1x16xi32>,
      %slice3A_1059 = vector.extract_strided_slice %get3A_935 {offsets = [12], sizes = [1], strides = [1]} : vector<16xi32> to vector<1xi32>
      %squeeze3A_1060 = vector.extract %slice3A_1059[0] : i32 from vector<1xi32>
      %add3A_1061 = vector.broadcast %squeeze3A_1060 : i32 to vector<16xi32>
      %add3A_1062 = arith.addi %mul3A_938, %add3A_1061 : vector<16xi32>
      %swap3A_1063 = arith.constant 1 : i32
      %swap3A_1064 = arith.index_cast %swap3A_1063 : i32 to index
      %swap3A_1065 = arith.constant 64 : index
      %swap3A_1066 = tpu.vector_load %arg8[%swap3A_1064, %swap3A_1065] {strides = array<i32>} : memref<2x128xi32, #tpu.memory_space<vmem>>, vector<1x16xi32>,
      %swap3A_1067 = vector.shape_cast %swap3A_1066 : vector<1x16xi32> to vector<16xi32>
      %swap3A_1068 = vector.shape_cast %add3A_1062 : vector<16xi32> to vector<1x16xi32>
      tpu.vector_store %arg8[%swap3A_1064, %swap3A_1065], %swap3A_1068 {strides = array<i32>} : memref<2x128xi32, #tpu.memory_space<vmem>>, vector<1x16xi32>,
      %slice3A_1069 = vector.extract_strided_slice %get3A_935 {offsets = [13], sizes = [1], strides = [1]} : vector<16xi32> to vector<1xi32>
      %squeeze3A_1070 = vector.extract %slice3A_1069[0] : i32 from vector<1xi32>
      %add3A_1071 = vector.broadcast %squeeze3A_1070 : i32 to vector<16xi32>
      %add3A_1072 = arith.addi %mul3A_938, %add3A_1071 : vector<16xi32>
      %swap3A_1073 = arith.constant 1 : i32
      %swap3A_1074 = arith.index_cast %swap3A_1073 : i32 to index
      %swap3A_1075 = arith.constant 80 : index
      %swap3A_1076 = tpu.vector_load %arg8[%swap3A_1074, %swap3A_1075] {strides = array<i32>} : memref<2x128xi32, #tpu.memory_space<vmem>>, vector<1x16xi32>,
      %swap3A_1077 = vector.shape_cast %swap3A_1076 : vector<1x16xi32> to vector<16xi32>
      %swap3A_1078 = vector.shape_cast %add3A_1072 : vector<16xi32> to vector<1x16xi32>
      tpu.vector_store %arg8[%swap3A_1074, %swap3A_1075], %swap3A_1078 {strides = array<i32>} : memref<2x128xi32, #tpu.memory_space<vmem>>, vector<1x16xi32>,
      %slice3A_1079 = vector.extract_strided_slice %get3A_935 {offsets = [14], sizes = [1], strides = [1]} : vector<16xi32> to vector<1xi32>
      %squeeze3A_1080 = vector.extract %slice3A_1079[0] : i32 from vector<1xi32>
      %add3A_1081 = vector.broadcast %squeeze3A_1080 : i32 to vector<16xi32>
      %add3A_1082 = arith.addi %mul3A_938, %add3A_1081 : vector<16xi32>
      %swap3A_1083 = arith.constant 1 : i32
      %swap3A_1084 = arith.index_cast %swap3A_1083 : i32 to index
      %swap3A_1085 = arith.constant 96 : index
      %swap3A_1086 = tpu.vector_load %arg8[%swap3A_1084, %swap3A_1085] {strides = array<i32>} : memref<2x128xi32, #tpu.memory_space<vmem>>, vector<1x16xi32>,
      %swap3A_1087 = vector.shape_cast %swap3A_1086 : vector<1x16xi32> to vector<16xi32>
      %swap3A_1088 = vector.shape_cast %add3A_1082 : vector<16xi32> to vector<1x16xi32>
      tpu.vector_store %arg8[%swap3A_1084, %swap3A_1085], %swap3A_1088 {strides = array<i32>} : memref<2x128xi32, #tpu.memory_space<vmem>>, vector<1x16xi32>,
      %slice3A_1089 = vector.extract_strided_slice %get3A_935 {offsets = [15], sizes = [1], strides = [1]} : vector<16xi32> to vector<1xi32>
      %squeeze3A_1090 = vector.extract %slice3A_1089[0] : i32 from vector<1xi32>
      %add3A_1091 = vector.broadcast %squeeze3A_1090 : i32 to vector<16xi32>
      %add3A_1092 = arith.addi %mul3A_938, %add3A_1091 : vector<16xi32>
      %swap3A_1093 = arith.constant 1 : i32
      %swap3A_1094 = arith.index_cast %swap3A_1093 : i32 to index
      %swap3A_1095 = arith.constant 112 : index
      %swap3A_1096 = tpu.vector_load %arg8[%swap3A_1094, %swap3A_1095] {strides = array<i32>} : memref<2x128xi32, #tpu.memory_space<vmem>>, vector<1x16xi32>,
      %swap3A_1097 = vector.shape_cast %swap3A_1096 : vector<1x16xi32> to vector<16xi32>
      %swap3A_1098 = vector.shape_cast %add3A_1092 : vector<16xi32> to vector<1x16xi32>
      tpu.vector_store %arg8[%swap3A_1094, %swap3A_1095], %swap3A_1098 {strides = array<i32>} : memref<2x128xi32, #tpu.memory_space<vmem>>, vector<1x16xi32>,
      %get3A_1099 = arith.constant 0 : i32
      %get3A_1100 = arith.index_cast %get3A_1099 : i32 to index
      %get3A_1101 = arith.constant 0 : index
      %get3A_1102 = tpu.vector_load %arg8[%get3A_1100, %get3A_1101] {strides = array<i32>} : memref<2x128xi32, #tpu.memory_space<vmem>>, vector<1x16xi32>,
      %get3A_1103 = vector.shape_cast %get3A_1102 : vector<1x16xi32> to vector<16xi32>
      %ne3A_1104 = arith.constant 0 : i32
      %ne3A_1105 = vector.broadcast %ne3A_1104 : i32 to vector<16xi32>
      %ne3A_1106 = arith.cmpi ne, %get3A_1103, %ne3A_1105 : vector<16xi32>
      %get3A_1107 = arith.constant 0 : i32
      %get3A_1108 = arith.index_cast %get3A_1107 : i32 to index
      %get3A_1109 = arith.constant 16 : index
      %get3A_1110 = tpu.vector_load %arg8[%get3A_1108, %get3A_1109] {strides = array<i32>} : memref<2x128xi32, #tpu.memory_space<vmem>>, vector<1x16xi32>,
      %get3A_1111 = vector.shape_cast %get3A_1110 : vector<1x16xi32> to vector<16xi32>
      %ne3A_1112 = arith.constant 0 : i32
      %ne3A_1113 = vector.broadcast %ne3A_1112 : i32 to vector<16xi32>
      %ne3A_1114 = arith.cmpi ne, %get3A_1111, %ne3A_1113 : vector<16xi32>
      %get3A_1115 = arith.constant 0 : i32
      %get3A_1116 = arith.index_cast %get3A_1115 : i32 to index
      %get3A_1117 = arith.constant 32 : index
      %get3A_1118 = tpu.vector_load %arg8[%get3A_1116, %get3A_1117] {strides = array<i32>} : memref<2x128xi32, #tpu.memory_space<vmem>>, vector<1x16xi32>,
      %get3A_1119 = vector.shape_cast %get3A_1118 : vector<1x16xi32> to vector<16xi32>
      %ne3A_1120 = arith.constant 0 : i32
      %ne3A_1121 = vector.broadcast %ne3A_1120 : i32 to vector<16xi32>
      %ne3A_1122 = arith.cmpi ne, %get3A_1119, %ne3A_1121 : vector<16xi32>
      %get3A_1123 = arith.constant 0 : i32
      %get3A_1124 = arith.index_cast %get3A_1123 : i32 to index
      %get3A_1125 = arith.constant 48 : index
      %get3A_1126 = tpu.vector_load %arg8[%get3A_1124, %get3A_1125] {strides = array<i32>} : memref<2x128xi32, #tpu.memory_space<vmem>>, vector<1x16xi32>,
      %get3A_1127 = vector.shape_cast %get3A_1126 : vector<1x16xi32> to vector<16xi32>
      %ne3A_1128 = arith.constant 0 : i32
      %ne3A_1129 = vector.broadcast %ne3A_1128 : i32 to vector<16xi32>
      %ne3A_1130 = arith.cmpi ne, %get3A_1127, %ne3A_1129 : vector<16xi32>
      %get3A_1131 = arith.constant 0 : i32
      %get3A_1132 = arith.index_cast %get3A_1131 : i32 to index
      %get3A_1133 = arith.constant 64 : index
      %get3A_1134 = tpu.vector_load %arg8[%get3A_1132, %get3A_1133] {strides = array<i32>} : memref<2x128xi32, #tpu.memory_space<vmem>>, vector<1x16xi32>,
      %get3A_1135 = vector.shape_cast %get3A_1134 : vector<1x16xi32> to vector<16xi32>
      %ne3A_1136 = arith.constant 0 : i32
      %ne3A_1137 = vector.broadcast %ne3A_1136 : i32 to vector<16xi32>
      %ne3A_1138 = arith.cmpi ne, %get3A_1135, %ne3A_1137 : vector<16xi32>
      %get3A_1139 = arith.constant 0 : i32
      %get3A_1140 = arith.index_cast %get3A_1139 : i32 to index
      %get3A_1141 = arith.constant 80 : index
      %get3A_1142 = tpu.vector_load %arg8[%get3A_1140, %get3A_1141] {strides = array<i32>} : memref<2x128xi32, #tpu.memory_space<vmem>>, vector<1x16xi32>,
      %get3A_1143 = vector.shape_cast %get3A_1142 : vector<1x16xi32> to vector<16xi32>
      %ne3A_1144 = arith.constant 0 : i32
      %ne3A_1145 = vector.broadcast %ne3A_1144 : i32 to vector<16xi32>
      %ne3A_1146 = arith.cmpi ne, %get3A_1143, %ne3A_1145 : vector<16xi32>
      %get3A_1147 = arith.constant 0 : i32
      %get3A_1148 = arith.index_cast %get3A_1147 : i32 to index
      %get3A_1149 = arith.constant 96 : index
      %get3A_1150 = tpu.vector_load %arg8[%get3A_1148, %get3A_1149] {strides = array<i32>} : memref<2x128xi32, #tpu.memory_space<vmem>>, vector<1x16xi32>,
      %get3A_1151 = vector.shape_cast %get3A_1150 : vector<1x16xi32> to vector<16xi32>
      %ne3A_1152 = arith.constant 0 : i32
      %ne3A_1153 = vector.broadcast %ne3A_1152 : i32 to vector<16xi32>
      %ne3A_1154 = arith.cmpi ne, %get3A_1151, %ne3A_1153 : vector<16xi32>
      %get3A_1155 = arith.constant 0 : i32
      %get3A_1156 = arith.index_cast %get3A_1155 : i32 to index
      %get3A_1157 = arith.constant 112 : index
      %get3A_1158 = tpu.vector_load %arg8[%get3A_1156, %get3A_1157] {strides = array<i32>} : memref<2x128xi32, #tpu.memory_space<vmem>>, vector<1x16xi32>,
      %get3A_1159 = vector.shape_cast %get3A_1158 : vector<1x16xi32> to vector<16xi32>
      %ne3A_1160 = arith.constant 0 : i32
      %ne3A_1161 = vector.broadcast %ne3A_1160 : i32 to vector<16xi32>
      %ne3A_1162 = arith.cmpi ne, %get3A_1159, %ne3A_1161 : vector<16xi32>
      %get3A_1163 = arith.constant 1 : i32
      %get3A_1164 = arith.index_cast %get3A_1163 : i32 to index
      %get3A_1165 = arith.constant 0 : index
      %get3A_1166 = tpu.vector_load %arg8[%get3A_1164, %get3A_1165] {strides = array<i32>} : memref<2x128xi32, #tpu.memory_space<vmem>>, vector<1x16xi32>,
      %get3A_1167 = vector.shape_cast %get3A_1166 : vector<1x16xi32> to vector<16xi32>
      %ne3A_1168 = arith.constant 0 : i32
      %ne3A_1169 = vector.broadcast %ne3A_1168 : i32 to vector<16xi32>
      %ne3A_1170 = arith.cmpi ne, %get3A_1167, %ne3A_1169 : vector<16xi32>
      %get3A_1171 = arith.constant 1 : i32
      %get3A_1172 = arith.index_cast %get3A_1171 : i32 to index
      %get3A_1173 = arith.constant 16 : index
      %get3A_1174 = tpu.vector_load %arg8[%get3A_1172, %get3A_1173] {strides = array<i32>} : memref<2x128xi32, #tpu.memory_space<vmem>>, vector<1x16xi32>,
      %get3A_1175 = vector.shape_cast %get3A_1174 : vector<1x16xi32> to vector<16xi32>
      %ne3A_1176 = arith.constant 0 : i32
      %ne3A_1177 = vector.broadcast %ne3A_1176 : i32 to vector<16xi32>
      %ne3A_1178 = arith.cmpi ne, %get3A_1175, %ne3A_1177 : vector<16xi32>
      %get3A_1179 = arith.constant 1 : i32
      %get3A_1180 = arith.index_cast %get3A_1179 : i32 to index
      %get3A_1181 = arith.constant 32 : index
      %get3A_1182 = tpu.vector_load %arg8[%get3A_1180, %get3A_1181] {strides = array<i32>} : memref<2x128xi32, #tpu.memory_space<vmem>>, vector<1x16xi32>,
      %get3A_1183 = vector.shape_cast %get3A_1182 : vector<1x16xi32> to vector<16xi32>
      %ne3A_1184 = arith.constant 0 : i32
      %ne3A_1185 = vector.broadcast %ne3A_1184 : i32 to vector<16xi32>
      %ne3A_1186 = arith.cmpi ne, %get3A_1183, %ne3A_1185 : vector<16xi32>
      %get3A_1187 = arith.constant 1 : i32
      %get3A_1188 = arith.index_cast %get3A_1187 : i32 to index
      %get3A_1189 = arith.constant 48 : index
      %get3A_1190 = tpu.vector_load %arg8[%get3A_1188, %get3A_1189] {strides = array<i32>} : memref<2x128xi32, #tpu.memory_space<vmem>>, vector<1x16xi32>,
      %get3A_1191 = vector.shape_cast %get3A_1190 : vector<1x16xi32> to vector<16xi32>
      %ne3A_1192 = arith.constant 0 : i32
      %ne3A_1193 = vector.broadcast %ne3A_1192 : i32 to vector<16xi32>
      %ne3A_1194 = arith.cmpi ne, %get3A_1191, %ne3A_1193 : vector<16xi32>
      %get3A_1195 = arith.constant 1 : i32
      %get3A_1196 = arith.index_cast %get3A_1195 : i32 to index
      %get3A_1197 = arith.constant 64 : index
      %get3A_1198 = tpu.vector_load %arg8[%get3A_1196, %get3A_1197] {strides = array<i32>} : memref<2x128xi32, #tpu.memory_space<vmem>>, vector<1x16xi32>,
      %get3A_1199 = vector.shape_cast %get3A_1198 : vector<1x16xi32> to vector<16xi32>
      %ne3A_1200 = arith.constant 0 : i32
      %ne3A_1201 = vector.broadcast %ne3A_1200 : i32 to vector<16xi32>
      %ne3A_1202 = arith.cmpi ne, %get3A_1199, %ne3A_1201 : vector<16xi32>
      %get3A_1203 = arith.constant 1 : i32
      %get3A_1204 = arith.index_cast %get3A_1203 : i32 to index
      %get3A_1205 = arith.constant 80 : index
      %get3A_1206 = tpu.vector_load %arg8[%get3A_1204, %get3A_1205] {strides = array<i32>} : memref<2x128xi32, #tpu.memory_space<vmem>>, vector<1x16xi32>,
      %get3A_1207 = vector.shape_cast %get3A_1206 : vector<1x16xi32> to vector<16xi32>
      %ne3A_1208 = arith.constant 0 : i32
      %ne3A_1209 = vector.broadcast %ne3A_1208 : i32 to vector<16xi32>
      %ne3A_1210 = arith.cmpi ne, %get3A_1207, %ne3A_1209 : vector<16xi32>
      %get3A_1211 = arith.constant 1 : i32
      %get3A_1212 = arith.index_cast %get3A_1211 : i32 to index
      %get3A_1213 = arith.constant 96 : index
      %get3A_1214 = tpu.vector_load %arg8[%get3A_1212, %get3A_1213] {strides = array<i32>} : memref<2x128xi32, #tpu.memory_space<vmem>>, vector<1x16xi32>,
      %get3A_1215 = vector.shape_cast %get3A_1214 : vector<1x16xi32> to vector<16xi32>
      %ne3A_1216 = arith.constant 0 : i32
      %ne3A_1217 = vector.broadcast %ne3A_1216 : i32 to vector<16xi32>
      %ne3A_1218 = arith.cmpi ne, %get3A_1215, %ne3A_1217 : vector<16xi32>
      %get3A_1219 = arith.constant 1 : i32
      %get3A_1220 = arith.index_cast %get3A_1219 : i32 to index
      %get3A_1221 = arith.constant 112 : index
      %get3A_1222 = tpu.vector_load %arg8[%get3A_1220, %get3A_1221] {strides = array<i32>} : memref<2x128xi32, #tpu.memory_space<vmem>>, vector<1x16xi32>,
      %get3A_1223 = vector.shape_cast %get3A_1222 : vector<1x16xi32> to vector<16xi32>
      %ne3A_1224 = arith.constant 0 : i32
      %ne3A_1225 = vector.broadcast %ne3A_1224 : i32 to vector<16xi32>
      %ne3A_1226 = arith.cmpi ne, %get3A_1223, %ne3A_1225 : vector<16xi32>
      %parallel_loop3A_1227 = arith.constant 0 : i32
      %parallel_loop3A_1228 = arith.constant 128 : i32
      %parallel_loop3A_1229 = arith.constant 1 : i32
      scf.for %parallel_loop3A_1238 = %parallel_loop3A_1227 to %parallel_loop3A_1228 step %parallel_loop3A_1229  : i32 {
        %parallel_loop3A_1239 = arith.constant 16 : i32
        %parallel_loop3A_1240 = arith.muli %parallel_loop3A_1238, %parallel_loop3A_1239 : i32
        %parallel_loop3A_1241 = tpu.assume_multiple %parallel_loop3A_1240, 16 : i32
        %parallel_loop3A_1242 = arith.index_cast %parallel_loop3A_1241 : i32 to index
        %parallel_loop3A_1243 = tpu.vector_load %arg5[%parallel_loop3A_1242] {strides = array<i32>} : memref<2048xf32, #tpu.memory_space<vmem>>, vector<16xf32>,
        %parallel_loop3A_1244 = vector.shape_cast %parallel_loop3A_1243 : vector<16xf32> to vector<16xf32>
        %parallel_loop3A_1245 = arith.index_cast %parallel_loop3A_1241 : i32 to index
        %parallel_loop3A_1246 = tpu.vector_load %arg6[%parallel_loop3A_1245] {strides = array<i32>} : memref<2048xf32, #tpu.memory_space<vmem>>, vector<16xf32>,
        %parallel_loop3A_1247 = vector.shape_cast %parallel_loop3A_1246 : vector<16xf32> to vector<16xf32>
        %parallel_loop3A_1248 = arith.select %ne3A_1106, %parallel_loop3A_1247, %parallel_loop3A_1244 : vector<16xi1>, vector<16xf32>
        %parallel_loop3A_1249 = arith.constant 0 : i32
        %parallel_loop3A_1250 = arith.index_cast %parallel_loop3A_1249 : i32 to index
        %parallel_loop3A_1251 = arith.index_cast %parallel_loop3A_1241 : i32 to index
        %parallel_loop3A_1252 = tpu.vector_load %arg10[%parallel_loop3A_1250, %parallel_loop3A_1251] {strides = array<i32>} : memref<16x2048xf32, #tpu.memory_space<vmem>>, vector<1x16xf32>,
        %parallel_loop3A_1253 = vector.shape_cast %parallel_loop3A_1252 : vector<1x16xf32> to vector<16xf32>
        %parallel_loop3A_1254 = vector.shape_cast %parallel_loop3A_1248 : vector<16xf32> to vector<1x16xf32>
        tpu.vector_store %arg10[%parallel_loop3A_1250, %parallel_loop3A_1251], %parallel_loop3A_1254 {strides = array<i32>} : memref<16x2048xf32, #tpu.memory_space<vmem>>, vector<1x16xf32>,
        %parallel_loop3A_1255 = arith.select %ne3A_1114, %parallel_loop3A_1247, %parallel_loop3A_1244 : vector<16xi1>, vector<16xf32>
        %parallel_loop3A_1256 = arith.constant 1 : i32
        %parallel_loop3A_1257 = arith.index_cast %parallel_loop3A_1256 : i32 to index
        %parallel_loop3A_1258 = arith.index_cast %parallel_loop3A_1241 : i32 to index
        %parallel_loop3A_1259 = tpu.vector_load %arg10[%parallel_loop3A_1257, %parallel_loop3A_1258] {strides = array<i32>} : memref<16x2048xf32, #tpu.memory_space<vmem>>, vector<1x16xf32>,
        %parallel_loop3A_1260 = vector.shape_cast %parallel_loop3A_1259 : vector<1x16xf32> to vector<16xf32>
        %parallel_loop3A_1261 = vector.shape_cast %parallel_loop3A_1255 : vector<16xf32> to vector<1x16xf32>
        tpu.vector_store %arg10[%parallel_loop3A_1257, %parallel_loop3A_1258], %parallel_loop3A_1261 {strides = array<i32>} : memref<16x2048xf32, #tpu.memory_space<vmem>>, vector<1x16xf32>,
        %parallel_loop3A_1262 = arith.select %ne3A_1122, %parallel_loop3A_1247, %parallel_loop3A_1244 : vector<16xi1>, vector<16xf32>
        %parallel_loop3A_1263 = arith.constant 2 : i32
        %parallel_loop3A_1264 = arith.index_cast %parallel_loop3A_1263 : i32 to index
        %parallel_loop3A_1265 = arith.index_cast %parallel_loop3A_1241 : i32 to index
        %parallel_loop3A_1266 = tpu.vector_load %arg10[%parallel_loop3A_1264, %parallel_loop3A_1265] {strides = array<i32>} : memref<16x2048xf32, #tpu.memory_space<vmem>>, vector<1x16xf32>,
        %parallel_loop3A_1267 = vector.shape_cast %parallel_loop3A_1266 : vector<1x16xf32> to vector<16xf32>
        %parallel_loop3A_1268 = vector.shape_cast %parallel_loop3A_1262 : vector<16xf32> to vector<1x16xf32>
        tpu.vector_store %arg10[%parallel_loop3A_1264, %parallel_loop3A_1265], %parallel_loop3A_1268 {strides = array<i32>} : memref<16x2048xf32, #tpu.memory_space<vmem>>, vector<1x16xf32>,
        %parallel_loop3A_1269 = arith.select %ne3A_1130, %parallel_loop3A_1247, %parallel_loop3A_1244 : vector<16xi1>, vector<16xf32>
        %parallel_loop3A_1270 = arith.constant 3 : i32
        %parallel_loop3A_1271 = arith.index_cast %parallel_loop3A_1270 : i32 to index
        %parallel_loop3A_1272 = arith.index_cast %parallel_loop3A_1241 : i32 to index
        %parallel_loop3A_1273 = tpu.vector_load %arg10[%parallel_loop3A_1271, %parallel_loop3A_1272] {strides = array<i32>} : memref<16x2048xf32, #tpu.memory_space<vmem>>, vector<1x16xf32>,
        %parallel_loop3A_1274 = vector.shape_cast %parallel_loop3A_1273 : vector<1x16xf32> to vector<16xf32>
        %parallel_loop3A_1275 = vector.shape_cast %parallel_loop3A_1269 : vector<16xf32> to vector<1x16xf32>
        tpu.vector_store %arg10[%parallel_loop3A_1271, %parallel_loop3A_1272], %parallel_loop3A_1275 {strides = array<i32>} : memref<16x2048xf32, #tpu.memory_space<vmem>>, vector<1x16xf32>,
        %parallel_loop3A_1276 = arith.select %ne3A_1138, %parallel_loop3A_1247, %parallel_loop3A_1244 : vector<16xi1>, vector<16xf32>
        %parallel_loop3A_1277 = arith.constant 4 : i32
        %parallel_loop3A_1278 = arith.index_cast %parallel_loop3A_1277 : i32 to index
        %parallel_loop3A_1279 = arith.index_cast %parallel_loop3A_1241 : i32 to index
        %parallel_loop3A_1280 = tpu.vector_load %arg10[%parallel_loop3A_1278, %parallel_loop3A_1279] {strides = array<i32>} : memref<16x2048xf32, #tpu.memory_space<vmem>>, vector<1x16xf32>,
        %parallel_loop3A_1281 = vector.shape_cast %parallel_loop3A_1280 : vector<1x16xf32> to vector<16xf32>
        %parallel_loop3A_1282 = vector.shape_cast %parallel_loop3A_1276 : vector<16xf32> to vector<1x16xf32>
        tpu.vector_store %arg10[%parallel_loop3A_1278, %parallel_loop3A_1279], %parallel_loop3A_1282 {strides = array<i32>} : memref<16x2048xf32, #tpu.memory_space<vmem>>, vector<1x16xf32>,
        %parallel_loop3A_1283 = arith.select %ne3A_1146, %parallel_loop3A_1247, %parallel_loop3A_1244 : vector<16xi1>, vector<16xf32>
        %parallel_loop3A_1284 = arith.constant 5 : i32
        %parallel_loop3A_1285 = arith.index_cast %parallel_loop3A_1284 : i32 to index
        %parallel_loop3A_1286 = arith.index_cast %parallel_loop3A_1241 : i32 to index
        %parallel_loop3A_1287 = tpu.vector_load %arg10[%parallel_loop3A_1285, %parallel_loop3A_1286] {strides = array<i32>} : memref<16x2048xf32, #tpu.memory_space<vmem>>, vector<1x16xf32>,
        %parallel_loop3A_1288 = vector.shape_cast %parallel_loop3A_1287 : vector<1x16xf32> to vector<16xf32>
        %parallel_loop3A_1289 = vector.shape_cast %parallel_loop3A_1283 : vector<16xf32> to vector<1x16xf32>
        tpu.vector_store %arg10[%parallel_loop3A_1285, %parallel_loop3A_1286], %parallel_loop3A_1289 {strides = array<i32>} : memref<16x2048xf32, #tpu.memory_space<vmem>>, vector<1x16xf32>,
        %parallel_loop3A_1290 = arith.select %ne3A_1154, %parallel_loop3A_1247, %parallel_loop3A_1244 : vector<16xi1>, vector<16xf32>
        %parallel_loop3A_1291 = arith.constant 6 : i32
        %parallel_loop3A_1292 = arith.index_cast %parallel_loop3A_1291 : i32 to index
        %parallel_loop3A_1293 = arith.index_cast %parallel_loop3A_1241 : i32 to index
        %parallel_loop3A_1294 = tpu.vector_load %arg10[%parallel_loop3A_1292, %parallel_loop3A_1293] {strides = array<i32>} : memref<16x2048xf32, #tpu.memory_space<vmem>>, vector<1x16xf32>,
        %parallel_loop3A_1295 = vector.shape_cast %parallel_loop3A_1294 : vector<1x16xf32> to vector<16xf32>
        %parallel_loop3A_1296 = vector.shape_cast %parallel_loop3A_1290 : vector<16xf32> to vector<1x16xf32>
        tpu.vector_store %arg10[%parallel_loop3A_1292, %parallel_loop3A_1293], %parallel_loop3A_1296 {strides = array<i32>} : memref<16x2048xf32, #tpu.memory_space<vmem>>, vector<1x16xf32>,
        %parallel_loop3A_1297 = arith.select %ne3A_1162, %parallel_loop3A_1247, %parallel_loop3A_1244 : vector<16xi1>, vector<16xf32>
        %parallel_loop3A_1298 = arith.constant 7 : i32
        %parallel_loop3A_1299 = arith.index_cast %parallel_loop3A_1298 : i32 to index
        %parallel_loop3A_1300 = arith.index_cast %parallel_loop3A_1241 : i32 to index
        %parallel_loop3A_1301 = tpu.vector_load %arg10[%parallel_loop3A_1299, %parallel_loop3A_1300] {strides = array<i32>} : memref<16x2048xf32, #tpu.memory_space<vmem>>, vector<1x16xf32>,
        %parallel_loop3A_1302 = vector.shape_cast %parallel_loop3A_1301 : vector<1x16xf32> to vector<16xf32>
        %parallel_loop3A_1303 = vector.shape_cast %parallel_loop3A_1297 : vector<16xf32> to vector<1x16xf32>
        tpu.vector_store %arg10[%parallel_loop3A_1299, %parallel_loop3A_1300], %parallel_loop3A_1303 {strides = array<i32>} : memref<16x2048xf32, #tpu.memory_space<vmem>>, vector<1x16xf32>,
        %parallel_loop3A_1304 = arith.select %ne3A_1170, %parallel_loop3A_1247, %parallel_loop3A_1244 : vector<16xi1>, vector<16xf32>
        %parallel_loop3A_1305 = arith.constant 8 : i32
        %parallel_loop3A_1306 = arith.index_cast %parallel_loop3A_1305 : i32 to index
        %parallel_loop3A_1307 = arith.index_cast %parallel_loop3A_1241 : i32 to index
        %parallel_loop3A_1308 = tpu.vector_load %arg10[%parallel_loop3A_1306, %parallel_loop3A_1307] {strides = array<i32>} : memref<16x2048xf32, #tpu.memory_space<vmem>>, vector<1x16xf32>,
        %parallel_loop3A_1309 = vector.shape_cast %parallel_loop3A_1308 : vector<1x16xf32> to vector<16xf32>
        %parallel_loop3A_1310 = vector.shape_cast %parallel_loop3A_1304 : vector<16xf32> to vector<1x16xf32>
        tpu.vector_store %arg10[%parallel_loop3A_1306, %parallel_loop3A_1307], %parallel_loop3A_1310 {strides = array<i32>} : memref<16x2048xf32, #tpu.memory_space<vmem>>, vector<1x16xf32>,
        %parallel_loop3A_1311 = arith.select %ne3A_1178, %parallel_loop3A_1247, %parallel_loop3A_1244 : vector<16xi1>, vector<16xf32>
        %parallel_loop3A_1312 = arith.constant 9 : i32
        %parallel_loop3A_1313 = arith.index_cast %parallel_loop3A_1312 : i32 to index
        %parallel_loop3A_1314 = arith.index_cast %parallel_loop3A_1241 : i32 to index
        %parallel_loop3A_1315 = tpu.vector_load %arg10[%parallel_loop3A_1313, %parallel_loop3A_1314] {strides = array<i32>} : memref<16x2048xf32, #tpu.memory_space<vmem>>, vector<1x16xf32>,
        %parallel_loop3A_1316 = vector.shape_cast %parallel_loop3A_1315 : vector<1x16xf32> to vector<16xf32>
        %parallel_loop3A_1317 = vector.shape_cast %parallel_loop3A_1311 : vector<16xf32> to vector<1x16xf32>
        tpu.vector_store %arg10[%parallel_loop3A_1313, %parallel_loop3A_1314], %parallel_loop3A_1317 {strides = array<i32>} : memref<16x2048xf32, #tpu.memory_space<vmem>>, vector<1x16xf32>,
        %parallel_loop3A_1318 = arith.select %ne3A_1186, %parallel_loop3A_1247, %parallel_loop3A_1244 : vector<16xi1>, vector<16xf32>
        %parallel_loop3A_1319 = arith.constant 10 : i32
        %parallel_loop3A_1320 = arith.index_cast %parallel_loop3A_1319 : i32 to index
        %parallel_loop3A_1321 = arith.index_cast %parallel_loop3A_1241 : i32 to index
        %parallel_loop3A_1322 = tpu.vector_load %arg10[%parallel_loop3A_1320, %parallel_loop3A_1321] {strides = array<i32>} : memref<16x2048xf32, #tpu.memory_space<vmem>>, vector<1x16xf32>,
        %parallel_loop3A_1323 = vector.shape_cast %parallel_loop3A_1322 : vector<1x16xf32> to vector<16xf32>
        %parallel_loop3A_1324 = vector.shape_cast %parallel_loop3A_1318 : vector<16xf32> to vector<1x16xf32>
        tpu.vector_store %arg10[%parallel_loop3A_1320, %parallel_loop3A_1321], %parallel_loop3A_1324 {strides = array<i32>} : memref<16x2048xf32, #tpu.memory_space<vmem>>, vector<1x16xf32>,
        %parallel_loop3A_1325 = arith.select %ne3A_1194, %parallel_loop3A_1247, %parallel_loop3A_1244 : vector<16xi1>, vector<16xf32>
        %parallel_loop3A_1326 = arith.constant 11 : i32
        %parallel_loop3A_1327 = arith.index_cast %parallel_loop3A_1326 : i32 to index
        %parallel_loop3A_1328 = arith.index_cast %parallel_loop3A_1241 : i32 to index
        %parallel_loop3A_1329 = tpu.vector_load %arg10[%parallel_loop3A_1327, %parallel_loop3A_1328] {strides = array<i32>} : memref<16x2048xf32, #tpu.memory_space<vmem>>, vector<1x16xf32>,
        %parallel_loop3A_1330 = vector.shape_cast %parallel_loop3A_1329 : vector<1x16xf32> to vector<16xf32>
        %parallel_loop3A_1331 = vector.shape_cast %parallel_loop3A_1325 : vector<16xf32> to vector<1x16xf32>
        tpu.vector_store %arg10[%parallel_loop3A_1327, %parallel_loop3A_1328], %parallel_loop3A_1331 {strides = array<i32>} : memref<16x2048xf32, #tpu.memory_space<vmem>>, vector<1x16xf32>,
        %parallel_loop3A_1332 = arith.select %ne3A_1202, %parallel_loop3A_1247, %parallel_loop3A_1244 : vector<16xi1>, vector<16xf32>
        %parallel_loop3A_1333 = arith.constant 12 : i32
        %parallel_loop3A_1334 = arith.index_cast %parallel_loop3A_1333 : i32 to index
        %parallel_loop3A_1335 = arith.index_cast %parallel_loop3A_1241 : i32 to index
        %parallel_loop3A_1336 = tpu.vector_load %arg10[%parallel_loop3A_1334, %parallel_loop3A_1335] {strides = array<i32>} : memref<16x2048xf32, #tpu.memory_space<vmem>>, vector<1x16xf32>,
        %parallel_loop3A_1337 = vector.shape_cast %parallel_loop3A_1336 : vector<1x16xf32> to vector<16xf32>
        %parallel_loop3A_1338 = vector.shape_cast %parallel_loop3A_1332 : vector<16xf32> to vector<1x16xf32>
        tpu.vector_store %arg10[%parallel_loop3A_1334, %parallel_loop3A_1335], %parallel_loop3A_1338 {strides = array<i32>} : memref<16x2048xf32, #tpu.memory_space<vmem>>, vector<1x16xf32>,
        %parallel_loop3A_1339 = arith.select %ne3A_1210, %parallel_loop3A_1247, %parallel_loop3A_1244 : vector<16xi1>, vector<16xf32>
        %parallel_loop3A_1340 = arith.constant 13 : i32
        %parallel_loop3A_1341 = arith.index_cast %parallel_loop3A_1340 : i32 to index
        %parallel_loop3A_1342 = arith.index_cast %parallel_loop3A_1241 : i32 to index
        %parallel_loop3A_1343 = tpu.vector_load %arg10[%parallel_loop3A_1341, %parallel_loop3A_1342] {strides = array<i32>} : memref<16x2048xf32, #tpu.memory_space<vmem>>, vector<1x16xf32>,
        %parallel_loop3A_1344 = vector.shape_cast %parallel_loop3A_1343 : vector<1x16xf32> to vector<16xf32>
        %parallel_loop3A_1345 = vector.shape_cast %parallel_loop3A_1339 : vector<16xf32> to vector<1x16xf32>
        tpu.vector_store %arg10[%parallel_loop3A_1341, %parallel_loop3A_1342], %parallel_loop3A_1345 {strides = array<i32>} : memref<16x2048xf32, #tpu.memory_space<vmem>>, vector<1x16xf32>,
        %parallel_loop3A_1346 = arith.select %ne3A_1218, %parallel_loop3A_1247, %parallel_loop3A_1244 : vector<16xi1>, vector<16xf32>
        %parallel_loop3A_1347 = arith.constant 14 : i32
        %parallel_loop3A_1348 = arith.index_cast %parallel_loop3A_1347 : i32 to index
        %parallel_loop3A_1349 = arith.index_cast %parallel_loop3A_1241 : i32 to index
        %parallel_loop3A_1350 = tpu.vector_load %arg10[%parallel_loop3A_1348, %parallel_loop3A_1349] {strides = array<i32>} : memref<16x2048xf32, #tpu.memory_space<vmem>>, vector<1x16xf32>,
        %parallel_loop3A_1351 = vector.shape_cast %parallel_loop3A_1350 : vector<1x16xf32> to vector<16xf32>
        %parallel_loop3A_1352 = vector.shape_cast %parallel_loop3A_1346 : vector<16xf32> to vector<1x16xf32>
        tpu.vector_store %arg10[%parallel_loop3A_1348, %parallel_loop3A_1349], %parallel_loop3A_1352 {strides = array<i32>} : memref<16x2048xf32, #tpu.memory_space<vmem>>, vector<1x16xf32>,
        %parallel_loop3A_1353 = arith.select %ne3A_1226, %parallel_loop3A_1247, %parallel_loop3A_1244 : vector<16xi1>, vector<16xf32>
        %parallel_loop3A_1354 = arith.constant 15 : i32
        %parallel_loop3A_1355 = arith.index_cast %parallel_loop3A_1354 : i32 to index
        %parallel_loop3A_1356 = arith.index_cast %parallel_loop3A_1241 : i32 to index
        %parallel_loop3A_1357 = tpu.vector_load %arg10[%parallel_loop3A_1355, %parallel_loop3A_1356] {strides = array<i32>} : memref<16x2048xf32, #tpu.memory_space<vmem>>, vector<1x16xf32>,
        %parallel_loop3A_1358 = vector.shape_cast %parallel_loop3A_1357 : vector<1x16xf32> to vector<16xf32>
        %parallel_loop3A_1359 = vector.shape_cast %parallel_loop3A_1353 : vector<16xf32> to vector<1x16xf32>
        tpu.vector_store %arg10[%parallel_loop3A_1355, %parallel_loop3A_1356], %parallel_loop3A_1359 {strides = array<i32>} : memref<16x2048xf32, #tpu.memory_space<vmem>>, vector<1x16xf32>,
      } {sc.loop_unroll_factor = 4 : i64, sc.parallel_access}
      %add3A_1230 = arith.constant 16 : i32
      %add3A_1231 = arith.addi %multiple_of3A_619, %add3A_1230 : i32
      %add3A_1232 = arith.addi %mul3A_2, %add3A_1231 : i32
      %multiple_of3A_1233 = tpu.assume_multiple %add3A_1232, 8 : i32
      %dma_start3A_1234 = arith.constant 0 : i32
      %dma_start3A_1235 = tpu.memref_slice %arg4[%multiple_of3A_1233, %dma_start3A_1234] : memref<32768x2048xf32, #tpu.memory_space<hbm>> -> memref<16x2048xf32, #tpu.memory_space<hbm>>
      %dma_start3A_1236 = arith.constant 0 : i32
      %dma_start3A_1237 = tpu.memref_slice %arg4[%multiple_of3A_1233, %dma_start3A_1236] : memref<32768x2048xf32, #tpu.memory_space<hbm>> -> memref<16x2048xf32, #tpu.memory_space<hbm>>
      tpu.enqueue_dma source(%arg10 : memref<16x2048xf32, #tpu.memory_space<vmem>>) target(%dma_start3A_1237 : memref<16x2048xf32, #tpu.memory_space<hbm>>) target_semaphore(%arg12 : memref<!tpu.dma_semaphore, #tpu.memory_space<semaphore_mem>>)
    }
    %scan3A_608 = arith.constant 31 : i32
    %dma_wait3A = arith.constant 0 : i32
    %dma_wait3A_609 = tpu.memref_slice %arg4[%mul3A_2, %dma_wait3A] : memref<32768x2048xf32, #tpu.memory_space<hbm>> -> memref<16x2048xf32, #tpu.memory_space<hbm>>
    %dma_wait3A_610 = arith.constant 0 : i32
    %dma_wait3A_611 = tpu.memref_slice %arg4[%mul3A_2, %dma_wait3A_610] : memref<32768x2048xf32, #tpu.memory_space<hbm>> -> memref<16x2048xf32, #tpu.memory_space<hbm>>
    tpu.wait_dma2 semaphore(%arg11 : memref<!tpu.dma_semaphore, #tpu.memory_space<semaphore_mem>>) src(%arg9 : memref<16x2048xf32, #tpu.memory_space<vmem>>) dst(%dma_wait3A_611 : memref<16x2048xf32, #tpu.memory_space<hbm>>)
    %dma_wait3A_612 = arith.constant 0 : i32
    %dma_wait3A_613 = tpu.memref_slice %arg4[%mul3A_2, %dma_wait3A_612] : memref<32768x2048xf32, #tpu.memory_space<hbm>> -> memref<16x2048xf32, #tpu.memory_space<hbm>>
    %dma_wait3A_614 = arith.constant 0 : i32
    %dma_wait3A_615 = tpu.memref_slice %arg4[%mul3A_2, %dma_wait3A_614] : memref<32768x2048xf32, #tpu.memory_space<hbm>> -> memref<16x2048xf32, #tpu.memory_space<hbm>>
    tpu.wait_dma2 semaphore(%arg12 : memref<!tpu.dma_semaphore, #tpu.memory_space<semaphore_mem>>) src(%arg10 : memref<16x2048xf32, #tpu.memory_space<vmem>>) dst(%dma_wait3A_615 : memref<16x2048xf32, #tpu.memory_space<hbm>>)
    return
  }
}

</mosaic_0001>

<sc_bundles>
// kernel: kernel.3.cloned.1.call-start
scs
__scs_entry_jumppad:
0x0: {  	(pc) =	sbr.rel $0x88, $3  }
0x1: {  	(tag) =	ssettag $0x0;
	lr =	simm.s32 $0x1  }
0x2: {  	[smem:$0x3F9F] =	sst lr;
	_ =	strace $0xD0000000  }
0x3: {  	_ = 	snop  }
0x4: {  	_ = 	snop  }
0x5: {  	_ = 	snop  }
0x6: {  	_ = 	snop  }
0x7: {  	_ = 	snop  }
__scs_overlays_trampoline_lowered:
0x8: {  	[smem:$0x3FAE] =	sst s0  }
0x9: {  	[smem:$0x3FAF] =	sst s1  }
0xa: {  	[smem:$0x3FB0] =	sst s2  }
0xb: {  	[smem:$0x3FB1] =	sst s3  }
0xc: {  	[smem:$0x3FB2] =	sst s4  }
0xd: {  	[smem:$0x3FB3] =	sst s5  }
0xe: {  	[smem:$0x3FB4] =	sst s6  }
0xf: {  	[smem:$0x3FB5] =	sst s7  }
0x10: {  	[smem:$0x3FB6] =	sst s8  }
0x11: {  	[smem:$0x3FB7] =	sst s9;
	s0 =	simm.s32 @!p0 $0x0  }
0x12: {  	s1 =	sld [smem:$0x3F9D];
	s0 =	simm.s32 @p0 $0x1  }
0x13: {  	[smem:$0x3FB8] =	sst s0;
	s0 =	simm.s32 @!p1 $0x0  }
0x14: {  	s2 =	sld [smem:$0x3F9C];
	s0 =	simm.s32 @p1 $0x1  }
0x15: {  	[smem:$0x3FB9] =	sst s0;
	s0 =	simm.s32 @!p2 $0x0  }
0x16: {  	s3 =	sld [smem:$0x3FDB];
	s0 =	simm.s32 @p2 $0x1  }
0x17: {  	s4 =	simm.s32 $0x1BF5;
	[smem:$0x3FBB] =	sst s0  }
0x18: {  	s0 =	sld [smem:$0x3F9E];
	_ =	swait.ge [sflag:s4], $0x0  }
0x19: {  	s7 =	sld [smem:$0x3F9F]  }
0x1a: {  	s8 =	sadd.s32 $0xFFFFE003, lr  }
0x1b: {  	s9 =	sadd.s32 $0xFFFFFEF7, lr;
	s5 =	simm.s32 $0xFFFFFFFF;
	p2 =	slt.u32 s8, $0xFFFFF086  }
0x1c: {  	p1 =	slt.u32 s9, $0xF7A;
	s5 =	simm.s32 @!p2 $0x0  }
0x1d: {  	s5 =	simm.s32 @p1 $0x1;
	p0 =	seq.s32 s7, s2  }
0x1e: {  	s7 =	smul.u32 @!p0 $0xF7A, s2;
	p2 =	seq.s32 @!p0 s5, $0x0  }
0x1f: {  	s9 =	smul.u32 $0xF7A, s1;
	s8 =	simm.s32 @!p0 $0x1BF5;
	p2 =	por !p2, p0  }
0x20: {  	[sflag:s8] =	ssyncset.s32 @!p0 $0xFFFFF086;
	s6 =	sadd.s32 @!p0 s3, s7;
	s7 =	simm.s32 @!p0 $0x108  }
0x21: {  	s3 =	sadd.s32 s3, s9;
	s6 =	sadd.s32 @!p0 $0x88, s6;
	s7 =	simm.s32 @p2 $0x1082  }
0x22: {  	[simem:s7], [sflag:s8] =	dma.local @!p0 [hbm:s6], $0xF7A  }
0x23: {  	s9 =	sor.u32 $0xD0000000, s2;
	s6 =	simm.s32 $0x108;
	_ =	swait.ge @!p0 [sflag:s8], $0x0  }
0x24: {  	s3 =	sadd.s32 $0x88, s3;
	s6 =	simm.s32 @!p1 $0x1082;
	[sflag:s4] =	ssyncset.s32 $0xFFFFF086  }
0x25: {  	[simem:s6], [sflag:s4] =	dma.local [hbm:s3], $0xF7A  }
0x26: {  	[smem:$0x3F9F] =	sst s1;
	(tag) =	ssettag s2;
	_ =	strace s9  }
0x27: {  	s1 =	sld [smem:$0x3FAF]  }
0x28: {  	s2 =	sld [smem:$0x3FB0]  }
0x29: {  	s4 =	sld [smem:$0x3FB2]  }
0x2a: {  	p0 =	seq.s32 s5, $0x0;
	s5 =	sld [smem:$0x3FB3]  }
0x2b: {  	s6 =	sld [smem:$0x3FB4]  }
0x2c: {  	s7 =	sld [smem:$0x3FB5]  }
0x2d: {  	s3 =	simm.s32 $0x108;
	s8 =	sld [smem:$0x3FB6]  }
0x2e: {  	s3 =	simm.s32 @!p0 $0x1082;
	s9 =	sld [smem:$0x3FB7]  }
0x2f: {  	lr =	sadd.s32 s0, s3;
	s0 =	sld [smem:$0x3FAE]  }
0x30: {  	s3 =	sld [smem:$0x3FB1]  }
0x31: {  	[smem:$0x3FBA] =	sst s10  }
0x32: {  	s10 =	sld [smem:$0x3FB8];
	_ =	sdelay $0x3  }
0x33: {  	p0 =	seq.s32 s10, $0x1;
	s10 =	sld [smem:$0x3FBA];
	_ =	sdelay $0x3  }
0x34: {  	[smem:$0x3FBA] =	sst s10  }
0x35: {  	s10 =	sld [smem:$0x3FB9];
	_ =	sdelay $0x3  }
0x36: {  	p1 =	seq.s32 s10, $0x1;
	s10 =	sld [smem:$0x3FBA];
	_ =	sdelay $0x3  }
0x37: {  	[smem:$0x3FBA] =	sst s10  }
0x38: {  	s10 =	sld [smem:$0x3FBB]  }
0x39: {  	_ = 	snop;
	(pc) =	sbr.ind lr, $3  }
0x3a: {  	_ = 	snop  }
0x3b: {  	_ = 	snop  }
0x3c: {  	p2 =	seq.s32 s10, $0x1;
	s10 =	sld [smem:$0x3FBA]  }
0x3d: {  	_ =	shalt  }
0x3e: {  	_ =	shalt  }
0x3f: {  	_ =	shalt  }
0x40: {  	_ =	shalt  }
0x41: {  	_ =	shalt  }
0x42: {  	_ =	shalt  }
0x43: {  	_ =	shalt  }
0x44: {  	_ =	shalt  }
0x45: {  	_ =	shalt  }
0x46: {  	_ =	shalt  }
0x47: {  	_ =	shalt  }
0x48: {  	_ =	shalt  }
0x49: {  	_ =	shalt  }
0x4a: {  	_ =	shalt  }
0x4b: {  	_ =	shalt  }
0x4c: {  	_ =	shalt  }
0x4d: {  	_ =	shalt  }
0x4e: {  	_ =	shalt  }
0x4f: {  	_ =	shalt  }
0x50: {  	_ =	shalt  }
0x51: {  	_ =	shalt  }
0x52: {  	_ =	shalt  }
0x53: {  	_ =	shalt  }
0x54: {  	_ =	shalt  }
0x55: {  	_ =	shalt  }
0x56: {  	_ =	shalt  }
0x57: {  	_ =	shalt  }
0x58: {  	_ =	shalt  }
0x59: {  	_ =	shalt  }
0x5a: {  	_ =	shalt  }
0x5b: {  	_ =	shalt  }
0x5c: {  	_ =	shalt  }
0x5d: {  	_ =	shalt  }
0x5e: {  	_ =	shalt  }
0x5f: {  	_ =	shalt  }
0x60: {  	_ =	shalt  }
0x61: {  	_ =	shalt  }
0x62: {  	_ =	shalt  }
0x63: {  	_ =	shalt  }
0x64: {  	_ =	shalt  }
0x65: {  	_ =	shalt  }
0x66: {  	_ =	shalt  }
0x67: {  	_ =	shalt  }
0x68: {  	_ =	shalt  }
0x69: {  	_ =	shalt  }
0x6a: {  	_ =	shalt  }
0x6b: {  	_ =	shalt  }
0x6c: {  	_ =	shalt  }
0x6d: {  	_ =	shalt  }
0x6e: {  	_ =	shalt  }
0x6f: {  	_ =	shalt  }
0x70: {  	_ =	shalt  }
0x71: {  	_ =	shalt  }
0x72: {  	_ =	shalt  }
0x73: {  	_ =	shalt  }
0x74: {  	_ =	shalt  }
0x75: {  	_ =	shalt  }
0x76: {  	_ =	shalt  }
0x77: {  	_ =	shalt  }
0x78: {  	_ =	shalt  }
0x79: {  	_ =	shalt  }
0x7a: {  	_ =	shalt  }
0x7b: {  	_ =	shalt  }
0x7c: {  	_ =	shalt  }
0x7d: {  	_ =	shalt  }
0x7e: {  	_ =	shalt  }
0x7f: {  	_ =	shalt  }
0x80: {  	_ =	shalt  }
0x81: {  	_ =	shalt  }
0x82: {  	_ =	shalt  }
0x83: {  	_ =	shalt  }
0x84: {  	_ =	shalt  }
0x85: {  	_ =	shalt  }
0x86: {  	_ =	shalt  }
0x87: {  	_ =	shalt  }
.Lfunc_end0:
.L_simem_size_0:
called_computation_lowered:
.L_overlay_start_0:
0x88: {  	s2 =	sld [smem:$0x3FD9]  }
0x89: {  	s3 =	sld [smem:$0x3FFE];
	_ =	sdelay $0x1  }
0x8a: {  	s1 =	srdreg.scid  }
0x8b: {  	s0 =	sand.u32 $0x1, s1  }
0x8c: {  	s17 =	sshll.u32 s0, $0xA;
	s2 =	sadd.s32 s3, s2  }
0x8d: {  	s2 =	sadd.s32 s2, s17  }
0x8e: {  	[smem:$0x3FC6] =	sst s2  }
0x8f: {  	_ = 	snop  }
0x90: {  	s2 =	sld [smem:$0x3FC8]  }
0x91: {  	s18 =	sld [smem:$0x3FD0];
	(tm) =	ssettm $0x1  }
0x92: {  	s4 =	sld [smem:$0x3FFB];
	_ =	sdelay $0x3  }
0x93: {  	_ =	strace s4  }
0x94: {  	s4 =	sld [smem:$0x3FFC];
	_ =	sdelay $0x3  }
0x95: {  	_ =	strace s4  }
0x96: {  	s4 =	sld [smem:$0x3FFD];
	_ =	sdelay $0x3  }
0x97: {  	_ =	strace s4  }
0x98: {  	_ =	strace $0x8FFFFFFF  }
0x99: {  	s19 =	sld [smem:$0x3FDB];
	_ =	sdelay $0x1  }
0x9a: {  	s5 =	simm.s32 $_scs_section_size  }
0x9b: {  	s6 =	simm.s32 $_size__tile_overlayer_lowered;
	s7 =	simm.s32 $_tile_overlayer_lowered  }
0x9c: {  	s22 =	simm.s32 $0x1BFF;
	s21 =	sshll.u32 s7, $0x1;
	s4 =	sadd.s32 s5, s19  }
0x9d: {  	s8 =	simm.s32 $0x0;
	s20 =	sshll.u32 s6, $0x1;
	s6 =	sadd.s32 s21, s4  }
0x9e: {  	[timem:s8], [sflag:s22] =	dma.local [hbm:s6], s20  }
0x9f: {  	_ =	swait.ge [sflag:s22], s20  }
0xa0: {  	s5 =	ssub.s32 $0x0, s20;
	[sflag:s22] =	ssyncset.done $0x0  }
0xa1: {  	[sflag:s22] =	ssyncadd.s32 s5;
	_ =	sdelay $0x1  }
0xa2: {  	s23 =	simm.s32 $0x1B8B  }
0xa3: {  	_ =	swait.ge [sflag:s23], $0x1  }
0xa4: {  	[sflag:s23] =	ssyncset.done $0x0  }
0xa5: {  	s25 =	simm.s32 $0x1B8E;
	s24 =	sld [smem:$0x3FFE];
	[sflag:s23] =	ssyncadd.s32 $0xFFFFFFFF  }
0xa6: {  	s26 =	simm.s32 $execute0_lowered;
	[smem:$0x3FD2] =	sst s25  }
0xa7: {  	s6 =	sshll.u32 s26, $0x1;
	_ =	strace $0x80000046;
	[dreg:$0x1] =	wrdreg $0xFFFFFFFF  }
0xa8: {  	s28 =	simm.s32 $_size_execute0_lowered;
	s4 =	sadd.s32 s4, s6;
	[dreg:$0x0] =	wrdreg $0x0  }
0xa9: {  	s6 =	sshll.u32 s28, $0x1;
	[dreg:$0x2] =	wrdreg s4  }
0xaa: {  	[dreg:$0x3] =	wrdreg s6  }
0xab: {  	[dreg:$0x4] =	wrdreg $0xC0  }
0xac: {  	_ =	task [dreg:s8], $0x5FFFF  }
0xad: {  	[dreg:$0x1] =	wrdreg $0xFFFFFFFF  }
0xae: {  	[dreg:$0x0] =	wrdreg $0x60  }
0xaf: {  	[dreg:$0x2] =	wrdreg s24  }
0xb0: {  	[dreg:$0x3] =	wrdreg s2  }
0xb1: {  	[dreg:$0x4] =	wrdreg s18  }
0xb2: {  	[dreg:$0x5] =	wrdreg $0x9  }
0xb3: {  	_ =	task.clear_ibuf [dreg:s8], $0x6FFFF;
	_ =	strace $0x90000046  }
0xb4: {  	s29 =	simm.s32 $0x9;
	_ =	strace $0x80000048  }
0xb5: {  	_ =	swait.ge [sflag:s29], $0x1  }
0xb6: {  	[sflag:s29] =	ssyncadd.s32 $0xFFFFFFFF  }
0xb7: {  	_ =	strace $0x90000048  }
0xb8: {  	_ =	sfence  }
0xb9: {  	s30 =	sld [smem:$0x0];
	_ =	sdelay $0x2  }
0xba: {  	s31 =	sshll.u32 s1, $0xD;
	s1 =	sshrl.u32 s1, $0x2  }
0xbb: {  	s3 =	sand.u32 $0x4000, s31;
	s1 =	sadd.s32 s1, s30  }
0xbc: {  	s0 =	sor.u32 s3, s0;
	s1 =	sshll.u32 s1, $0x11  }
0xbd: {  	s0 =	sor.u32 s1, s0  }
0xbe: {  	s0 =	sadd.s32 $0x8F2B, s0  }
0xbf: {  	[sflag:s0] =	ssyncadd.remote.s32 $0x1  }
0xc0: {  	_ =	sfence.sel $0xFFFF  }
0xc1: {  	[dreg:$0x0] =	wrdreg $0xFFFFFFFF;
	(pc) =	sbr.abs _section_cstart, $3  }
0xc2: {  	[dreg:$0x1] =	wrdreg $0xFFFFFFFF  }
0xc3: {  	_ =	task.clear_ibuf [dreg:s8], $0x2FFFF;
	_ =	strace $0x9FFFFFFF  }
0xc4: {  	(tm) =	ssettm $0x7FFFFFFF  }
0xc5: {  	_ =	shalt  }
tec
execute0_lowered:
.L_overlay_start_1:
0x0: {  	(tag) =	ssettag $0x1  }
0x1: {  	s0 =	rddreg [dreg:$0x0]  }
0x2: {  	s4 =	rddreg [dreg:$0x1]  }
0x3: {  	s5 =	rddreg [dreg:$0x2]  }
0x4: {  	s1 =	srdreg.scid;
	s2 =	stileid.u32;
	s6 =	simm.s32 $0x0  }
0x5: {  	s1 =	sand.u32 $0x1, s1;
	s2 =	sshll.u32 s2, $0xB;
	[smem:$0x7FF] =	sst s6  }
0x6: {  	s28 =	sadd.s32 $0x10, s4;
	s3 =	sshll.u32 s1, $0xA;
	s1 =	ssub.s32 $0x2, s1  }
0x7: {  	_ =	strace $0x80000047;
	s3 =	sor.u32 s3, s2;
	s26 =	sshrl.u32 s1, $0x1  }
0x8: {  	s2 =	sshrl.u32 s3, $0x3;
	[smem:$0x7F8] =	sst s3;
	s3 =	sshll.u32 s3, $0x8  }
0x9: {  	[smem:$0x7F9] =	sst s28;
	s1 =	ssub.s32 s1, s26;
	s29 =	sadd.s32 s5, s3  }
0xa: {  	s0 =	sadd.s32 s2, s0;
	s31 =	smax.u32 s1, $0x1;
	[smem:$0x7FB] =	sst s29  }
0xb: {  	s0 =	sadd.s32 $0x400, s0;
	[smem:$0x7FD] =	sst s31  }
0xc: {  	s30 =	sadd.s32 $0x1000, s29;
	[smem:$0x7FA] =	sst s0  }
0xd: {  	s2 =	simm.s32 $0x0;
	[smem:$0x7FC] =	sst s30  }
.LBB2_1:
0xe: {  	[smem:$0x7F7] =	sst s2  }
0xf: {  	s0 =	rddreg [dreg:$0x1];
	s13 =	simm.s32 $0x0  }
0x10: {  	s1 =	simm.s32 $0x80;
	s15 =	simm.s32 $0x100;
	s3 =	simm.s32 $0x3  }
0x11: {  	[tilespmem:s13], [sflag:$0x3] =	stream.strided.gather [hbm4b:s0+s1], $0x800, s15, s1, $0x38;
	[tilespmem:$0x11500] =	vst v63  }
0x12: {  	_ =	swait.ge [sflag:s3], $0x800  }
0x13: {  	s16 =	sld [smem:$0x7F9]  }
0x14: {  	[sflag:s3] =	ssyncset.done $0x0  }
0x15: {  	s18 =	simm.s32 $0x800;
	[sflag:s3] =	ssyncadd.s32 $0xFFFFF800  }
0x16: {  	[tilespmem:s18], [sflag:$0x3] =	stream.strided.gather [hbm4b:s16+s1], $0x800, s15, s1, $0x38;
	[tilespmem:$0x11500] =	vst v63  }
0x17: {  	_ =	swait.ge [sflag:s3], $0x800  }
0x18: {  	s17 =	sld [smem:$0x7FA]  }
0x19: {  	[sflag:s3] =	ssyncset.done $0x0  }
0x1a: {  	s19 =	simm.s32 $0x1000;
	[sflag:s3] =	ssyncadd.s32 $0xFFFFF800  }
0x1b: {  	[tilespmem:s19], [sflag:$0x3] =	stream.linear.gather [hbm4b:s17+s13], $0x400, $0x38;
	[tilespmem:$0x11500] =	vst v63  }
0x1c: {  	_ =	swait.ge [sflag:s3], $0x400  }
0x1d: {  	[sflag:s3] =	ssyncset.done $0x0  }
0x1e: {  	[sflag:s3] =	ssyncadd.s32 $0xFFFFFC00  }
0x1f: {  	v0 =	vld [tilespmem:$0x1000];
	_ =	sdelay $0x4  }
0x20: {  	v1 =	vbroadcast v0, $0x0  }
0x21: {  	v2 =	vbroadcast v0, $0x1  }
0x22: {  	v3 =	vbroadcast v0, $0x2;
	[tilespmem:$0x1400] =	vst v1  }
0x23: {  	v4 =	vbroadcast v0, $0x3;
	[tilespmem:$0x1410] =	vst v2  }
0x24: {  	v5 =	vbroadcast v0, $0x4;
	[tilespmem:$0x1420] =	vst v3  }
0x25: {  	v6 =	vbroadcast v0, $0x5;
	[tilespmem:$0x1430] =	vst v4  }
0x26: {  	v7 =	vbroadcast v0, $0x6;
	[tilespmem:$0x1440] =	vst v5  }
0x27: {  	v8 =	vbroadcast v0, $0x7;
	[tilespmem:$0x1450] =	vst v6  }
0x28: {  	v9 =	vbroadcast v0, $0x8;
	[tilespmem:$0x1460] =	vst v7  }
0x29: {  	v10 =	vbroadcast v0, $0x9;
	[tilespmem:$0x1470] =	vst v8  }
0x2a: {  	v11 =	vbroadcast v0, $0xA;
	[tilespmem:$0x1480] =	vst v9  }
0x2b: {  	v12 =	vbroadcast v0, $0xB;
	[tilespmem:$0x1490] =	vst v10  }
0x2c: {  	v13 =	vbroadcast v0, $0xC;
	[tilespmem:$0x14A0] =	vst v11  }
0x2d: {  	v14 =	vbroadcast v0, $0xD;
	[tilespmem:$0x14B0] =	vst v12  }
0x2e: {  	v15 =	vbroadcast v0, $0xE;
	[tilespmem:$0x14C0] =	vst v13  }
0x2f: {  	s22 =	sand.u32 $0x40, s13;
	v0 =	vbroadcast v0, $0xF;
	[tilespmem:$0x14D0] =	vst v14  }
0x30: {  	s7 =	sand.u32 $0x780, s13;
	s10 =	sor.u32 $0x30, s22;
	[tilespmem:$0x14E0] =	vst v15  }
0x31: {  	s20 =	sor.u32 s7, s10;
	[tilespmem:$0x14F0] =	vst v0  }
0x32: {  	v16 =	vld [tilespmem:s20+$0x0]  }
0x33: {  	v17 =	vld [tilespmem:s20+$0x800];
	_ =	sdelay $0x2  }
0x34: {  	s11 =	sand.u32 $0x3C00, s13  }
0x35: {  	p0 =	por $0x0, $0x0;
	s0 =	sadd.s32 $0x1500, s11;
	s1 =	simm.s32 $0x1;
	vm0 =	veq.s32 v1, $0x0  }
0x36: {  	s21 =	sor.u32 s10, s0;
	s1 =	simm.s32 @!p0 $0x0;
	vm1 =	veq.s32 v2, $0x0;
	v1 =	vsel vm0, v16, v17  }
0x37: {  	s1 =	sshll.u32 s1, $0x6;
	vm2 =	veq.s32 v3, $0x0;
	[tilespmem:s21+$0x0] =	vst v1;
	v1 =	vsel vm1, v16, v17  }
0x38: {  	s1 =	sadd.s32 $0x0, s1;
	vm3 =	veq.s32 v4, $0x0;
	[tilespmem:s21+$0x80] =	vst v1;
	v1 =	vsel vm2, v16, v17  }
0x39: {  	s23 =	sadd.s32 $0x30, s1;
	vm4 =	veq.s32 v5, $0x0;
	[tilespmem:s21+$0x100] =	vst v1;
	v1 =	vsel vm3, v16, v17  }
0x3a: {  	s24 =	sor.u32 $0x200, s23;
	vm5 =	veq.s32 v6, $0x0;
	[tilespmem:s21+$0x180] =	vst v1;
	v1 =	vsel vm4, v16, v17  }
0x3b: {  	s25 =	sor.u32 $0x280, s23;
	vm6 =	veq.s32 v7, $0x0;
	[tilespmem:s24+$0x1500] =	vst v1;
	v1 =	vsel vm5, v16, v17  }
0x3c: {  	s4 =	sor.u32 $0x300, s23;
	vm7 =	veq.s32 v8, $0x0;
	[tilespmem:s25+$0x1500] =	vst v1;
	v1 =	vsel vm6, v16, v17  }
0x3d: {  	s2 =	sadd.s32 $0x5500, s11;
	s9 =	sor.u32 $0x10, s22;
	s3 =	sor.u32 $0x380, s23;
	vm8 =	veq.s32 v9, $0x0;
	[tilespmem:s4+$0x1500] =	vst v1;
	v1 =	vsel vm7, v16, v17  }
0x3e: {  	s6 =	sadd.s32 $0x5580, s11;
	s26 =	sor.u32 s10, s2;
	s5 =	sor.u32 s7, s9;
	vm9 =	veq.s32 v10, $0x0;
	[tilespmem:s3+$0x1500] =	vst v1;
	v1 =	vsel vm8, v16, v17  }
0x3f: {  	s8 =	sadd.s32 $0x5600, s11;
	s28 =	sor.u32 s10, s6;
	vm10 =	veq.s32 v11, $0x0;
	v2 =	vld [tilespmem:s5+$0x0];
	[tilespmem:s26+$0x0] =	vst v1;
	v1 =	vsel vm9, v16, v17  }
0x40: {  	s12 =	sor.u32 s10, s8;
	vm11 =	veq.s32 v12, $0x0;
	v3 =	vld [tilespmem:s5+$0x800];
	s4 =	sadd.s32 $0x5680, s11;
	[tilespmem:s28+$0x0] =	vst v1;
	v1 =	vsel vm10, v16, v17  }
0x41: {  	vm12 =	veq.s32 v13, $0x0;
	s3 =	sadd.s32 $0x5700, s11;
	s29 =	sor.u32 s10, s4;
	[tilespmem:s12+$0x0] =	vst v1;
	v1 =	vsel vm11, v16, v17  }
0x42: {  	vm13 =	veq.s32 v14, $0x0;
	s5 =	sadd.s32 $0x5780, s11;
	s30 =	sor.u32 s10, s3;
	[tilespmem:s29+$0x0] =	vst v1;
	v1 =	vsel vm12, v16, v17  }
0x43: {  	s15 =	sadd.s32 $0x5800, s11;
	vm14 =	veq.s32 v15, $0x0;
	s31 =	sor.u32 s10, s5;
	[tilespmem:s30+$0x0] =	vst v1;
	v1 =	vsel vm13, v16, v17  }
0x44: {  	vm15 =	veq.s32 v0, $0x0;
	v0 =	vsel vm14, v16, v17;
	s12 =	sor.u32 s10, s15;
	[tilespmem:s31+$0x0] =	vst v1  }
0x45: {  	s14 =	sor.u32 s9, s0;
	s16 =	sadd.s32 $0x5880, s11;
	v1 =	vsel vm0, v2, v3;
	[tilespmem:s12+$0x0] =	vst v0  }
0x46: {  	s10 =	sor.u32 s10, s16;
	v0 =	vsel vm15, v16, v17;
	[tilespmem:s14+$0x0] =	vst v1  }
0x47: {  	v1 =	vsel vm2, v2, v3;
	[tilespmem:s10+$0x0] =	vst v0  }
0x48: {  	v0 =	vsel vm1, v2, v3;
	[tilespmem:s14+$0x100] =	vst v1  }
0x49: {  	s17 =	sadd.s32 $0x10, s1;
	[tilespmem:s14+$0x80] =	vst v0;
	v0 =	vsel vm3, v2, v3  }
0x4a: {  	s19 =	sor.u32 $0x200, s17;
	v1 =	vsel vm4, v2, v3;
	[tilespmem:s14+$0x180] =	vst v0  }
0x4b: {  	s20 =	sor.u32 $0x280, s17;
	v0 =	vsel vm5, v2, v3;
	[tilespmem:s19+$0x1500] =	vst v1  }
0x4c: {  	s21 =	sor.u32 $0x300, s17;
	v1 =	vsel vm6, v2, v3;
	[tilespmem:s20+$0x1500] =	vst v0  }
0x4d: {  	s23 =	sor.u32 $0x380, s17;
	s10 =	sor.u32 $0x20, s22;
	v0 =	vsel vm7, v2, v3;
	[tilespmem:s21+$0x1500] =	vst v1  }
0x4e: {  	s24 =	sor.u32 s9, s2;
	s7 =	sor.u32 s7, s10;
	v1 =	vsel vm8, v2, v3;
	[tilespmem:s23+$0x1500] =	vst v0  }
0x4f: {  	s25 =	sor.u32 s9, s6;
	v5 =	vld [tilespmem:s7+$0x800];
	v0 =	vsel vm9, v2, v3;
	[tilespmem:s24+$0x0] =	vst v1  }
0x50: {  	v4 =	vsel vm10, v2, v3;
	s26 =	sor.u32 s9, s8;
	v1 =	vld [tilespmem:s7+$0x0];
	[tilespmem:s25+$0x0] =	vst v0  }
0x51: {  	s28 =	sor.u32 s9, s4;
	v0 =	vsel vm11, v2, v3;
	[tilespmem:s26+$0x0] =	vst v4  }
0x52: {  	s29 =	sor.u32 s9, s3;
	v4 =	vsel vm12, v2, v3;
	[tilespmem:s28+$0x0] =	vst v0  }
0x53: {  	s30 =	sor.u32 s9, s5;
	v0 =	vsel vm13, v2, v3;
	[tilespmem:s29+$0x0] =	vst v4  }
0x54: {  	s31 =	sor.u32 s9, s15;
	v4 =	vsel vm14, v2, v3;
	[tilespmem:s30+$0x0] =	vst v0  }
0x55: {  	s14 =	sor.u32 s10, s0;
	v0 =	vsel vm15, v2, v3;
	v2 =	vsel vm0, v1, v5;
	[tilespmem:s31+$0x0] =	vst v4  }
0x56: {  	s12 =	sor.u32 s9, s16;
	[tilespmem:s14+$0x0] =	vst v2  }
0x57: {  	v2 =	vsel vm2, v1, v5;
	[tilespmem:s12+$0x0] =	vst v0  }
0x58: {  	v0 =	vsel vm1, v1, v5;
	[tilespmem:s14+$0x100] =	vst v2  }
0x59: {  	s17 =	sadd.s32 $0x20, s1;
	[tilespmem:s14+$0x80] =	vst v0;
	v0 =	vsel vm3, v1, v5  }
0x5a: {  	s19 =	sor.u32 $0x200, s17;
	v2 =	vsel vm4, v1, v5;
	[tilespmem:s14+$0x180] =	vst v0  }
0x5b: {  	s20 =	sor.u32 $0x280, s17;
	v0 =	vsel vm5, v1, v5;
	[tilespmem:s19+$0x1500] =	vst v2  }
0x5c: {  	s21 =	sor.u32 $0x300, s17;
	v2 =	vsel vm6, v1, v5;
	[tilespmem:s20+$0x1500] =	vst v0  }
0x5d: {  	s7 =	sor.u32 $0x380, s17;
	v0 =	vsel vm7, v1, v5;
	[tilespmem:s21+$0x1500] =	vst v2  }
0x5e: {  	s23 =	sor.u32 s10, s2;
	v2 =	vsel vm8, v1, v5;
	[tilespmem:s7+$0x1500] =	vst v0  }
0x5f: {  	s24 =	sor.u32 s10, s6;
	v3 =	vsel vm9, v1, v5;
	[tilespmem:s23+$0x0] =	vst v2  }
0x60: {  	s25 =	sor.u32 s10, s8;
	v4 =	vld [tilespmem:s18+$0x0];
	v2 =	vsel vm10, v1, v5;
	[tilespmem:s24+$0x0] =	vst v3  }
0x61: {  	s26 =	sor.u32 s10, s4;
	v0 =	vld [tilespmem:s13+$0x0];
	v3 =	vsel vm11, v1, v5;
	[tilespmem:s25+$0x0] =	vst v2  }
0x62: {  	s28 =	sor.u32 s10, s3;
	v2 =	vsel vm12, v1, v5;
	[tilespmem:s26+$0x0] =	vst v3  }
0x63: {  	s29 =	sor.u32 s10, s5;
	v3 =	vsel vm13, v1, v5;
	[tilespmem:s28+$0x0] =	vst v2  }
0x64: {  	s30 =	sor.u32 s10, s15;
	v2 =	vsel vm14, v1, v5;
	[tilespmem:s29+$0x0] =	vst v3  }
0x65: {  	s31 =	sor.u32 s10, s16;
	v1 =	vsel vm15, v1, v5;
	[tilespmem:s30+$0x0] =	vst v2  }
0x66: {  	s0 =	sor.u32 s22, s0;
	v2 =	vsel vm0, v0, v4;
	[tilespmem:s31+$0x0] =	vst v1  }
0x67: {  	s11 =	sor.u32 $0x300, s1;
	[tilespmem:s0+$0x0] =	vst v2;
	v1 =	vsel vm1, v0, v4  }
0x68: {  	s17 =	sor.u32 $0x200, s1;
	s5 =	sor.u32 s22, s5;
	s10 =	sor.u32 s22, s6;
	[tilespmem:s0+$0x80] =	vst v1;
	v1 =	vsel vm2, v0, v4  }
0x69: {  	s6 =	sor.u32 s22, s16;
	s12 =	sor.u32 s22, s4;
	s14 =	sor.u32 s22, s8;
	[tilespmem:s0+$0x100] =	vst v1;
	v1 =	vsel vm3, v0, v4  }
0x6a: {  	s19 =	sor.u32 $0x280, s1;
	s21 =	simm.s32 $0x0;
	s7 =	sor.u32 $0x380, s1;
	[tilespmem:s0+$0x180] =	vst v1;
	v1 =	vsel vm4, v0, v4  }
0x6b: {  	s13 =	sor.u32 s22, s2;
	s23 =	simm.s32 $0x0;
	s24 =	simm.s32 $0x0;
	[tilespmem:s17+$0x1500] =	vst v1;
	v1 =	vsel vm5, v0, v4  }
0x6c: {  	s25 =	sor.u32 s22, s3;
	s0 =	sor.u32 s22, s15;
	s22 =	simm.s32 $0x40;
	[tilespmem:s19+$0x1500] =	vst v1;
	v1 =	vsel vm6, v0, v4  }
.LBB2_2:
0x6d: {  	s2 =	sand.u32 $0x40, s22  }
0x6e: {  	[tilespmem:s11+$0x1500] =	vst v1;
	v1 =	vsel vm7, v0, v4;
	s1 =	sand.u32 $0x780, s22;
	s16 =	sor.u32 $0x30, s2  }
0x6f: {  	[tilespmem:s7+$0x1500] =	vst v1;
	v1 =	vsel vm8, v0, v4;
	s4 =	sor.u32 s1, s16  }
0x70: {  	v2 =	vsel vm9, v0, v4;
	s28 =	sor.u32 $0x10, s2;
	[tilespmem:s13+$0x0] =	vst v1;
	v1 =	vld [tilespmem:s4+$0x0]  }
0x71: {  	s3 =	sor.u32 s1, s28;
	[tilespmem:s10+$0x0] =	vst v2;
	v2 =	vsel vm10, v0, v4;
	v3 =	vld [tilespmem:s4+$0x800]  }
0x72: {  	s26 =	sor.u32 $0x20, s2;
	v6 =	vld [tilespmem:s3+$0x0];
	[tilespmem:s14+$0x0] =	vst v2;
	v2 =	vsel vm11, v0, v4  }
0x73: {  	s1 =	sor.u32 s1, s26;
	v7 =	vld [tilespmem:s3+$0x800];
	[tilespmem:s12+$0x0] =	vst v2;
	v2 =	vsel vm12, v0, v4  }
0x74: {  	v5 =	vsel vm13, v0, v4;
	s23 =	sadd.s32 $0x200, s23;
	[tilespmem:s25+$0x0] =	vst v2;
	v2 =	vld [tilespmem:s1+$0x0]  }
0x75: {  	p0 =	por !p0, !p0;
	s8 =	sand.u32 $0x3C00, s23;
	[tilespmem:s5+$0x0] =	vst v5;
	v5 =	vld [tilespmem:s1+$0x800];
	s1 =	simm.s32 $0x1  }
0x76: {  	s10 =	sadd.s32 $0x1500, s8;
	s1 =	simm.s32 @!p0 $0x0  }
0x77: {  	v8 =	vsel vm14, v0, v4;
	s11 =	sor.u32 s2, s10;
	s3 =	sor.u32 s28, s10;
	s13 =	sshll.u32 s1, $0x6  }
0x78: {  	v0 =	vsel vm15, v0, v4;
	[dreg:$0x8] =	wrdreg s11;
	s12 =	sor.u32 s16, s10;
	[tilespmem:s0+$0x0] =	vst v8;
	s0 =	sadd.s32 s13, s23  }
0x79: {  	v4 =	vsel vm0, v1, v3;
	[tilespmem:s6+$0x0] =	vst v0;
	s1 =	sor.u32 s26, s10;
	s6 =	sadd.s32 $0x5700, s8;
	s14 =	sadd.s32 $0x10, s0  }
0x7a: {  	v63 =	vsel vm1, v6, v7;
	[tilespmem:s12+$0x0] =	vst v4;
	s15 =	sadd.s32 $0x20, s0;
	s17 =	sadd.s32 $0x30, s0;
	s9 =	sor.u32 $0x200, s14  }
0x7b: {  	v9 =	vsel vm2, v6, v7;
	[tilespmem:s3+$0x80] =	vst v63;
	s19 =	sor.u32 $0x280, s14;
	s20 =	sor.u32 $0x200, s17;
	[smem:$0x7EE] =	sst s9  }
0x7c: {  	v10 =	vsel vm3, v6, v7;
	[tilespmem:s3+$0x100] =	vst v9;
	s25 =	sor.u32 $0x300, s14;
	s4 =	sor.u32 $0x380, s14;
	[smem:$0x7EF] =	sst s19  }
0x7d: {  	v0 =	vsel vm1, v1, v3;
	[tilespmem:s3+$0x180] =	vst v10;
	s29 =	sor.u32 $0x280, s17;
	s30 =	sor.u32 $0x200, s15;
	[smem:$0x7F0] =	sst s25  }
0x7e: {  	[tilespmem:s12+$0x80] =	vst v0;
	v0 =	vsel vm2, v1, v3;
	s31 =	sor.u32 $0x280, s15;
	s5 =	sor.u32 $0x300, s17;
	[smem:$0x7F1] =	sst s4  }
0x7f: {  	[tilespmem:s12+$0x100] =	vst v0;
	v0 =	vsel vm3, v1, v3;
	s7 =	sor.u32 $0x380, s17;
	s17 =	sadd.s32 $0x5600, s8;
	[dreg:$0x19] =	wrdreg s30  }
0x80: {  	[tilespmem:s12+$0x180] =	vst v0;
	v0 =	vsel vm4, v1, v3;
	s10 =	sor.u32 $0x300, s15;
	s12 =	sor.u32 $0x380, s15;
	[dreg:$0x15] =	wrdreg s31  }
0x81: {  	s14 =	sor.u32 $0x200, s0;
	[tilespmem:s20+$0x1500] =	vst v0;
	v0 =	vsel vm5, v1, v3;
	s20 =	sadd.s32 $0x5500, s8;
	[smem:$0x7F2] =	sst s10  }
0x82: {  	s19 =	sadd.s32 $0x5580, s8;
	[smem:$0x7F3] =	sst s12;
	s13 =	sor.u32 s16, s17;
	[tilespmem:s29+$0x1500] =	vst v0;
	v0 =	vsel vm6, v1, v3  }
0x83: {  	[dreg:$0x13] =	wrdreg s14;
	s25 =	sor.u32 $0x280, s0;
	s30 =	sor.u32 s16, s6;
	[tilespmem:s5+$0x1500] =	vst v0;
	v0 =	vsel vm7, v1, v3  }
0x84: {  	s14 =	sor.u32 s2, s17;
	s9 =	sor.u32 s16, s20;
	s11 =	sor.u32 s16, s19;
	[tilespmem:s7+$0x1500] =	vst v0;
	v0 =	vsel vm8, v1, v3  }
0x85: {  	s29 =	sadd.s32 $0x5680, s8;
	[dreg:$0x1b] =	wrdreg s25;
	s10 =	sor.u32 s2, s19;
	[tilespmem:s9+$0x0] =	vst v0;
	v0 =	vsel vm9, v1, v3  }
0x86: {  	s25 =	sor.u32 s2, s6;
	s15 =	sor.u32 s16, s29;
	s5 =	sadd.s32 $0x5780, s8;
	[tilespmem:s11+$0x0] =	vst v0;
	v0 =	vsel vm10, v1, v3  }
0x87: {  	v11 =	vsel vm4, v6, v7;
	v12 =	vsel vm5, v6, v7;
	s12 =	sor.u32 s2, s29;
	s31 =	sor.u32 s16, s5;
	s7 =	sor.u32 $0x380, s0;
	[tilespmem:s13+$0x0] =	vst v0;
	v0 =	vsel vm11, v1, v3  }
0x88: {  	v13 =	vsel vm6, v6, v7;
	v14 =	vsel vm7, v6, v7;
	s9 =	sor.u32 s2, s5;
	s11 =	sor.u32 $0x300, s0;
	s0 =	sadd.s32 $0x5880, s8;
	[tilespmem:s15+$0x0] =	vst v0;
	v0 =	vsel vm12, v1, v3  }
0x89: {  	v15 =	vsel vm8, v6, v7;
	v16 =	vsel vm9, v6, v7;
	[smem:$0x7F5] =	sst s9;
	s9 =	smov.u32 s18;
	s15 =	sadd.s32 $0x5800, s8;
	[tilespmem:s30+$0x0] =	vst v0;
	v0 =	vsel vm13, v1, v3  }
0x8a: {  	v17 =	vsel vm10, v6, v7;
	v18 =	vsel vm11, v6, v7;
	s18 =	sor.u32 s28, s6;
	s6 =	sor.u32 s26, s6;
	s4 =	sor.u32 s16, s15;
	[tilespmem:s31+$0x0] =	vst v0;
	v0 =	vsel vm14, v1, v3  }
0x8b: {  	v19 =	vsel vm12, v6, v7;
	v20 =	vsel vm13, v6, v7;
	v4 =	vsel vm0, v6, v7;
	s8 =	sor.u32 s16, s0;
	s16 =	sor.u32 s2, s15;
	[tilespmem:s4+$0x0] =	vst v0;
	s4 =	sld [smem:$0x7EE]  }
0x8c: {  	v21 =	vsel vm14, v6, v7;
	v6 =	vsel vm15, v6, v7;
	[tilespmem:s3+$0x0] =	vst v4;
	v7 =	vsel vm0, v2, v5;
	s13 =	sor.u32 s2, s20;
	s2 =	sor.u32 s2, s0;
	[smem:$0x7F6] =	sst s16  }
0x8d: {  	[tilespmem:s1+$0x0] =	vst v7;
	s30 =	sor.u32 s28, s17;
	s3 =	sor.u32 s28, s15;
	[smem:$0x7F4] =	sst s2  }
0x8e: {  	v22 =	vsel vm1, v2, v5;
	s17 =	sor.u32 s26, s17;
	s15 =	sor.u32 s26, s15;
	[tilespmem:s4+$0x1500] =	vst v11;
	s4 =	sld [smem:$0x7EF]  }
0x8f: {  	[tilespmem:s1+$0x80] =	vst v22;
	s2 =	sor.u32 s28, s20;
	s16 =	sor.u32 s28, s19;
	s31 =	sor.u32 s28, s29;
	v0 =	vsel vm15, v1, v3  }
0x90: {  	s20 =	sor.u32 s26, s20;
	s19 =	sor.u32 s26, s19;
	s29 =	sor.u32 s26, s29;
	[tilespmem:s8+$0x0] =	vst v0  }
0x91: {  	v23 =	vsel vm2, v2, v5;
	s8 =	sor.u32 s28, s5;
	s28 =	sor.u32 s28, s0;
	[tilespmem:s4+$0x1500] =	vst v12;
	s4 =	sld [smem:$0x7F0]  }
0x92: {  	v24 =	vsel vm3, v2, v5;
	[tilespmem:s1+$0x100] =	vst v23;
	s5 =	sor.u32 s26, s5;
	s0 =	sor.u32 s26, s0;
	s26 =	sld [smem:$0x7F1]  }
0x93: {  	[tilespmem:s1+$0x180] =	vst v24  }
0x94: {  	[tilespmem:s4+$0x1500] =	vst v13  }
0x95: {  	[tilespmem:s26+$0x1500] =	vst v14  }
0x96: {  	[tilespmem:s2+$0x0] =	vst v15  }
0x97: {  	[tilespmem:s16+$0x0] =	vst v16  }
0x98: {  	v25 =	vsel vm4, v2, v5;
	s16 =	rddreg [dreg:$0x19];
	[tilespmem:s30+$0x0] =	vst v17  }
0x99: {  	[tilespmem:s16+$0x1500] =	vst v25  }
0x9a: {  	[tilespmem:s31+$0x0] =	vst v18  }
0x9b: {  	[tilespmem:s18+$0x0] =	vst v19  }
0x9c: {  	s26 =	sld [smem:$0x7F2];
	[tilespmem:s8+$0x0] =	vst v20  }
0x9d: {  	s18 =	rddreg [dreg:$0x15];
	[tilespmem:s3+$0x0] =	vst v21  }
0x9e: {  	v26 =	vsel vm5, v2, v5;
	[tilespmem:s28+$0x0] =	vst v6;
	s28 =	sld [smem:$0x7F3]  }
0x9f: {  	v27 =	vsel vm6, v2, v5;
	[tilespmem:s18+$0x1500] =	vst v26  }
0xa0: {  	s24 =	sadd.s32 $0x40, s24;
	v28 =	vsel vm7, v2, v5;
	[tilespmem:s26+$0x1500] =	vst v27  }
0xa1: {  	v29 =	vsel vm8, v2, v5;
	v0 =	vld [tilespmem:s24+$0x0];
	s18 =	sadd.s32 $0x40, s9;
	[tilespmem:s28+$0x1500] =	vst v28  }
0xa2: {  	v30 =	vsel vm9, v2, v5;
	v4 =	vld [tilespmem:s18+$0x0];
	[tilespmem:s20+$0x0] =	vst v29  }
0xa3: {  	v31 =	vsel vm10, v2, v5;
	[tilespmem:s19+$0x0] =	vst v30  }
0xa4: {  	v32 =	vsel vm11, v2, v5;
	[tilespmem:s17+$0x0] =	vst v31  }
0xa5: {  	v1 =	vsel vm12, v2, v5;
	[tilespmem:s29+$0x0] =	vst v32  }
0xa6: {  	v3 =	vsel vm13, v2, v5;
	[tilespmem:s6+$0x0] =	vst v1  }
0xa7: {  	s29 =	rddreg [dreg:$0x8];
	v1 =	vsel vm0, v0, v4;
	[tilespmem:s5+$0x0] =	vst v3  }
0xa8: {  	v33 =	vsel vm14, v2, v5;
	[tilespmem:s29+$0x0] =	vst v1  }
0xa9: {  	s21 =	sadd.s32 $0x4, s21;
	v1 =	vsel vm1, v0, v4;
	[tilespmem:s15+$0x0] =	vst v33  }
0xaa: {  	p1 =	slt.u32 s21, $0x7C;
	v2 =	vsel vm15, v2, v5;
	[tilespmem:s29+$0x80] =	vst v1  }
.Ltmp0:
0xab: {  	s30 =	rddreg [dreg:$0x13];
	v1 =	vsel vm2, v0, v4;
	[tilespmem:s0+$0x0] =	vst v2;
	(pc) =	sbr.rel @p1 .LBB2_2-.Ltmp0, $4  }
0xac: {  	s31 =	rddreg [dreg:$0x1b];
	[tilespmem:s29+$0x100] =	vst v1;
	v1 =	vsel vm3, v0, v4  }
0xad: {  	s6 =	sld [smem:$0x7F4];
	[tilespmem:s29+$0x180] =	vst v1;
	v1 =	vsel vm4, v0, v4  }
0xae: {  	s5 =	sld [smem:$0x7F5];
	[tilespmem:s30+$0x1500] =	vst v1;
	v1 =	vsel vm5, v0, v4  }
0xaf: {  	s22 =	sadd.s32 $0x40, s22;
	s0 =	sld [smem:$0x7F6];
	[tilespmem:s31+$0x1500] =	vst v1;
	v1 =	vsel vm6, v0, v4  }
0xb0: {  	[tilespmem:s11+$0x1500] =	vst v1;
	v1 =	vsel vm7, v0, v4  }
0xb1: {  	[tilespmem:s7+$0x1500] =	vst v1;
	v1 =	vsel vm8, v0, v4  }
0xb2: {  	[tilespmem:s13+$0x0] =	vst v1;
	v1 =	vsel vm9, v0, v4  }
0xb3: {  	[tilespmem:s10+$0x0] =	vst v1;
	v1 =	vsel vm10, v0, v4  }
0xb4: {  	[tilespmem:s14+$0x0] =	vst v1;
	v1 =	vsel vm11, v0, v4  }
0xb5: {  	[tilespmem:s12+$0x0] =	vst v1;
	v1 =	vsel vm12, v0, v4  }
0xb6: {  	[tilespmem:s25+$0x0] =	vst v1;
	v1 =	vsel vm13, v0, v4  }
0xb7: {  	[tilespmem:s5+$0x0] =	vst v1;
	v1 =	vsel vm14, v0, v4  }
0xb8: {  	v0 =	vsel vm15, v0, v4;
	[tilespmem:s0+$0x0] =	vst v1  }
0xb9: {  	[tilespmem:s6+$0x0] =	vst v0  }
0xba: {  	s0 =	sld [smem:$0x7FB];
	_ =	sdelay $0x1  }
0xbb: {  	s18 =	simm.s32 $0x0;
	s1 =	simm.s32 $0x1500  }
0xbc: {  	[hbm4b:s0+s18] =	stream.linear.scatter [tilespmem:s1], [sflag:$0x1], $0x8000, $0x38;
	[tilespmem:$0x11500] =	vst v63  }
0xbd: {  	v0 =	vld [tilespmem:$0x1010];
	_ =	sdelay $0x4  }
0xbe: {  	v1 =	vbroadcast v0, $0x0  }
0xbf: {  	v2 =	vbroadcast v0, $0x1  }
0xc0: {  	v3 =	vbroadcast v0, $0x2;
	[tilespmem:$0x1400] =	vst v1  }
0xc1: {  	v4 =	vbroadcast v0, $0x3;
	[tilespmem:$0x1410] =	vst v2  }
0xc2: {  	v5 =	vbroadcast v0, $0x4;
	[tilespmem:$0x1420] =	vst v3  }
0xc3: {  	v6 =	vbroadcast v0, $0x5;
	[tilespmem:$0x1430] =	vst v4  }
0xc4: {  	v7 =	vbroadcast v0, $0x6;
	[tilespmem:$0x1440] =	vst v5  }
0xc5: {  	v8 =	vbroadcast v0, $0x7;
	[tilespmem:$0x1450] =	vst v6  }
0xc6: {  	v9 =	vbroadcast v0, $0x8;
	[tilespmem:$0x1460] =	vst v7  }
0xc7: {  	v10 =	vbroadcast v0, $0x9;
	[tilespmem:$0x1470] =	vst v8  }
0xc8: {  	v11 =	vbroadcast v0, $0xA;
	[tilespmem:$0x1480] =	vst v9  }
0xc9: {  	v12 =	vbroadcast v0, $0xB;
	[tilespmem:$0x1490] =	vst v10  }
0xca: {  	v13 =	vbroadcast v0, $0xC;
	[tilespmem:$0x14A0] =	vst v11  }
0xcb: {  	v14 =	vbroadcast v0, $0xD;
	[tilespmem:$0x14B0] =	vst v12  }
0xcc: {  	v15 =	vbroadcast v0, $0xE;
	[tilespmem:$0x14C0] =	vst v13  }
0xcd: {  	s23 =	sand.u32 $0x40, s18;
	v0 =	vbroadcast v0, $0xF;
	[tilespmem:$0x14D0] =	vst v14  }
0xce: {  	s7 =	sand.u32 $0x780, s18;
	s15 =	sor.u32 $0x30, s23;
	[tilespmem:$0x14E0] =	vst v15  }
0xcf: {  	s19 =	sor.u32 s7, s15;
	[tilespmem:$0x14F0] =	vst v0  }
0xd0: {  	v16 =	vld [tilespmem:s19+$0x0]  }
0xd1: {  	v17 =	vld [tilespmem:s19+$0x800];
	_ =	sdelay $0x2  }
0xd2: {  	s20 =	sand.u32 $0x3C00, s18  }
0xd3: {  	p0 =	por $0x0, $0x0;
	s0 =	sadd.s32 $0x9500, s20;
	s1 =	simm.s32 $0x1;
	vm0 =	veq.s32 v1, $0x0  }
0xd4: {  	s1 =	simm.s32 @!p0 $0x0;
	s2 =	sor.u32 s15, s0;
	vm1 =	veq.s32 v2, $0x0;
	v1 =	vsel vm0, v16, v17  }
0xd5: {  	s1 =	sshll.u32 s1, $0x6;
	vm2 =	veq.s32 v3, $0x0;
	[tilespmem:s2+$0x0] =	vst v1;
	v1 =	vsel vm1, v16, v17  }
0xd6: {  	s1 =	sadd.s32 $0x0, s1;
	vm3 =	veq.s32 v4, $0x0;
	[tilespmem:s2+$0x80] =	vst v1;
	v1 =	vsel vm2, v16, v17  }
0xd7: {  	s3 =	sadd.s32 $0x30, s1;
	vm4 =	veq.s32 v5, $0x0;
	[tilespmem:s2+$0x100] =	vst v1;
	v1 =	vsel vm3, v16, v17  }
0xd8: {  	s21 =	sor.u32 $0x200, s3;
	vm5 =	veq.s32 v6, $0x0;
	[tilespmem:s2+$0x180] =	vst v1;
	v1 =	vsel vm4, v16, v17  }
0xd9: {  	s22 =	sor.u32 $0x280, s3;
	vm6 =	veq.s32 v7, $0x0;
	[tilespmem:s21+$0x9500] =	vst v1;
	v1 =	vsel vm5, v16, v17  }
0xda: {  	s4 =	sor.u32 $0x300, s3;
	vm7 =	veq.s32 v8, $0x0;
	[tilespmem:s22+$0x9500] =	vst v1;
	v1 =	vsel vm6, v16, v17  }
0xdb: {  	s9 =	sor.u32 $0x10, s23;
	s3 =	sor.u32 $0x380, s3;
	vm8 =	veq.s32 v9, $0x0;
	s2 =	sadd.s32 $0xD500, s20;
	[tilespmem:s4+$0x9500] =	vst v1;
	v1 =	vsel vm7, v16, v17  }
0xdc: {  	s25 =	sor.u32 s7, s9;
	s6 =	sadd.s32 $0xD580, s20;
	vm9 =	veq.s32 v10, $0x0;
	s24 =	sor.u32 s15, s2;
	[tilespmem:s3+$0x9500] =	vst v1;
	v1 =	vsel vm8, v16, v17  }
0xdd: {  	s8 =	sadd.s32 $0xD600, s20;
	s26 =	sor.u32 s15, s6;
	vm10 =	veq.s32 v11, $0x0;
	v2 =	vld [tilespmem:s25+$0x0];
	[tilespmem:s24+$0x0] =	vst v1;
	v1 =	vsel vm9, v16, v17  }
0xde: {  	s28 =	sor.u32 s15, s8;
	vm11 =	veq.s32 v12, $0x0;
	v3 =	vld [tilespmem:s25+$0x800];
	s4 =	sadd.s32 $0xD680, s20;
	[tilespmem:s26+$0x0] =	vst v1;
	v1 =	vsel vm10, v16, v17  }
0xdf: {  	vm12 =	veq.s32 v13, $0x0;
	s3 =	sadd.s32 $0xD700, s20;
	s29 =	sor.u32 s15, s4;
	[tilespmem:s28+$0x0] =	vst v1;
	v1 =	vsel vm11, v16, v17  }
0xe0: {  	s5 =	sadd.s32 $0xD780, s20;
	vm13 =	veq.s32 v14, $0x0;
	s30 =	sor.u32 s15, s3;
	[tilespmem:s29+$0x0] =	vst v1;
	v1 =	vsel vm12, v16, v17  }
0xe1: {  	s17 =	sadd.s32 $0xD800, s20;
	s31 =	sor.u32 s15, s5;
	vm14 =	veq.s32 v15, $0x0;
	[tilespmem:s30+$0x0] =	vst v1;
	v1 =	vsel vm13, v16, v17  }
0xe2: {  	s13 =	sor.u32 s15, s17;
	vm15 =	veq.s32 v0, $0x0;
	v0 =	vsel vm14, v16, v17;
	[tilespmem:s31+$0x0] =	vst v1  }
0xe3: {  	s16 =	sadd.s32 $0xD880, s20;
	s14 =	sor.u32 s9, s0;
	v1 =	vsel vm0, v2, v3;
	[tilespmem:s13+$0x0] =	vst v0  }
0xe4: {  	s10 =	sor.u32 s15, s16;
	v0 =	vsel vm15, v16, v17;
	[tilespmem:s14+$0x0] =	vst v1  }
0xe5: {  	v1 =	vsel vm2, v2, v3;
	[tilespmem:s10+$0x0] =	vst v0  }
0xe6: {  	v0 =	vsel vm1, v2, v3;
	[tilespmem:s14+$0x100] =	vst v1  }
0xe7: {  	s15 =	sadd.s32 $0x10, s1;
	[tilespmem:s14+$0x80] =	vst v0;
	v0 =	vsel vm3, v2, v3  }
0xe8: {  	s19 =	sor.u32 $0x200, s15;
	v1 =	vsel vm4, v2, v3;
	[tilespmem:s14+$0x180] =	vst v0  }
0xe9: {  	s20 =	sor.u32 $0x280, s15;
	v0 =	vsel vm5, v2, v3;
	[tilespmem:s19+$0x9500] =	vst v1  }
0xea: {  	s21 =	sor.u32 $0x300, s15;
	v1 =	vsel vm6, v2, v3;
	[tilespmem:s20+$0x9500] =	vst v0  }
0xeb: {  	s22 =	sor.u32 $0x380, s15;
	v0 =	vsel vm7, v2, v3;
	[tilespmem:s21+$0x9500] =	vst v1  }
0xec: {  	s24 =	sor.u32 s9, s2;
	s10 =	sor.u32 $0x20, s23;
	v1 =	vsel vm8, v2, v3;
	[tilespmem:s22+$0x9500] =	vst v0  }
0xed: {  	s25 =	sor.u32 s9, s6;
	s7 =	sor.u32 s7, s10;
	v0 =	vsel vm9, v2, v3;
	[tilespmem:s24+$0x0] =	vst v1  }
0xee: {  	s26 =	sor.u32 s9, s8;
	v4 =	vld [tilespmem:s7+$0x0];
	v1 =	vsel vm10, v2, v3;
	[tilespmem:s25+$0x0] =	vst v0  }
0xef: {  	v5 =	vsel vm11, v2, v3;
	s28 =	sor.u32 s9, s4;
	v0 =	vld [tilespmem:s7+$0x800];
	[tilespmem:s26+$0x0] =	vst v1  }
0xf0: {  	s29 =	sor.u32 s9, s3;
	v1 =	vsel vm12, v2, v3;
	[tilespmem:s28+$0x0] =	vst v5  }
0xf1: {  	s30 =	sor.u32 s9, s5;
	v5 =	vsel vm13, v2, v3;
	[tilespmem:s29+$0x0] =	vst v1  }
0xf2: {  	s31 =	sor.u32 s9, s17;
	v1 =	vsel vm14, v2, v3;
	[tilespmem:s30+$0x0] =	vst v5  }
0xf3: {  	s12 =	sor.u32 s9, s16;
	v2 =	vsel vm15, v2, v3;
	[tilespmem:s31+$0x0] =	vst v1  }
0xf4: {  	s13 =	sor.u32 s10, s0;
	v1 =	vsel vm0, v4, v0;
	[tilespmem:s12+$0x0] =	vst v2  }
0xf5: {  	v2 =	vsel vm1, v4, v0;
	[tilespmem:s13+$0x0] =	vst v1  }
0xf6: {  	v1 =	vsel vm2, v4, v0;
	[tilespmem:s13+$0x80] =	vst v2  }
0xf7: {  	s14 =	sadd.s32 $0x20, s1;
	v2 =	vsel vm3, v4, v0;
	[tilespmem:s13+$0x100] =	vst v1  }
0xf8: {  	s15 =	sor.u32 $0x200, s14;
	v1 =	vsel vm4, v4, v0;
	[tilespmem:s13+$0x180] =	vst v2  }
0xf9: {  	s19 =	sor.u32 $0x280, s14;
	v2 =	vsel vm5, v4, v0;
	[tilespmem:s15+$0x9500] =	vst v1  }
0xfa: {  	s20 =	sor.u32 $0x300, s14;
	v1 =	vsel vm6, v4, v0;
	[tilespmem:s19+$0x9500] =	vst v2  }
0xfb: {  	s7 =	sor.u32 $0x380, s14;
	v2 =	vsel vm7, v4, v0;
	[tilespmem:s20+$0x9500] =	vst v1  }
0xfc: {  	s21 =	sor.u32 s10, s2;
	s19 =	simm.s32 $0x800;
	v1 =	vsel vm8, v4, v0;
	[tilespmem:s7+$0x9500] =	vst v2  }
0xfd: {  	s22 =	sor.u32 s10, s6;
	v5 =	vld [tilespmem:s19+$0x0];
	v2 =	vsel vm9, v4, v0;
	[tilespmem:s21+$0x0] =	vst v1  }
0xfe: {  	s24 =	sor.u32 s10, s8;
	v3 =	vsel vm10, v4, v0;
	v1 =	vld [tilespmem:s18+$0x0];
	[tilespmem:s22+$0x0] =	vst v2  }
0xff: {  	s25 =	sor.u32 s10, s4;
	v2 =	vsel vm11, v4, v0;
	[tilespmem:s24+$0x0] =	vst v3  }
0x100: {  	s26 =	sor.u32 s10, s3;
	v3 =	vsel vm12, v4, v0;
	[tilespmem:s25+$0x0] =	vst v2  }
0x101: {  	s28 =	sor.u32 s10, s5;
	v2 =	vsel vm13, v4, v0;
	[tilespmem:s26+$0x0] =	vst v3  }
0x102: {  	s29 =	sor.u32 s10, s17;
	v3 =	vsel vm14, v4, v0;
	[tilespmem:s28+$0x0] =	vst v2  }
0x103: {  	s0 =	sor.u32 s23, s0;
	v2 =	vsel vm0, v1, v5;
	[tilespmem:s29+$0x0] =	vst v3  }
0x104: {  	s30 =	sor.u32 s10, s16;
	v0 =	vsel vm15, v4, v0;
	[tilespmem:s0+$0x0] =	vst v2  }
0x105: {  	[tilespmem:s30+$0x0] =	vst v0;
	v0 =	vsel vm1, v1, v5  }
0x106: {  	s11 =	sor.u32 s23, s6;
	s9 =	sor.u32 s23, s3;
	s14 =	sor.u32 s23, s8;
	[tilespmem:s0+$0x80] =	vst v0;
	v0 =	vsel vm2, v1, v5  }
0x107: {  	s8 =	sor.u32 s23, s5;
	s10 =	sor.u32 s23, s4;
	s31 =	sor.u32 $0x200, s1;
	[tilespmem:s0+$0x100] =	vst v0;
	v0 =	vsel vm3, v1, v5  }
0x108: {  	s12 =	sor.u32 $0x380, s1;
	s13 =	sor.u32 s23, s2;
	s15 =	sor.u32 $0x280, s1;
	[tilespmem:s0+$0x180] =	vst v0;
	v0 =	vsel vm4, v1, v5  }
0x109: {  	s7 =	sor.u32 $0x300, s1;
	s22 =	simm.s32 $0x0;
	s24 =	simm.s32 $0x0;
	[tilespmem:s31+$0x9500] =	vst v0;
	v0 =	vsel vm5, v1, v5  }
0x10a: {  	s25 =	sor.u32 s23, s16;
	s0 =	sor.u32 s23, s17;
	s23 =	simm.s32 $0x40;
	[tilespmem:s15+$0x9500] =	vst v0;
	v0 =	vsel vm6, v1, v5  }
.LBB2_4:
0x10b: {  	s2 =	sand.u32 $0x40, s23  }
0x10c: {  	[tilespmem:s7+$0x9500] =	vst v0;
	v0 =	vsel vm7, v1, v5;
	s1 =	sand.u32 $0x780, s23;
	s16 =	sor.u32 $0x30, s2  }
0x10d: {  	[tilespmem:s12+$0x9500] =	vst v0;
	v0 =	vsel vm8, v1, v5;
	s4 =	sor.u32 s1, s16  }
0x10e: {  	v2 =	vsel vm9, v1, v5;
	s28 =	sor.u32 $0x10, s2;
	[tilespmem:s13+$0x0] =	vst v0;
	v0 =	vld [tilespmem:s4+$0x0]  }
0x10f: {  	s3 =	sor.u32 s1, s28;
	[tilespmem:s11+$0x0] =	vst v2;
	v2 =	vsel vm10, v1, v5;
	v3 =	vld [tilespmem:s4+$0x800]  }
0x110: {  	s26 =	sor.u32 $0x20, s2;
	v6 =	vld [tilespmem:s3+$0x0];
	[tilespmem:s14+$0x0] =	vst v2;
	v2 =	vsel vm11, v1, v5  }
0x111: {  	s1 =	sor.u32 s1, s26;
	v7 =	vld [tilespmem:s3+$0x800];
	[tilespmem:s10+$0x0] =	vst v2;
	v2 =	vsel vm12, v1, v5  }
0x112: {  	[dreg:$0x7] =	wrdreg s19;
	v4 =	vsel vm13, v1, v5;
	s18 =	sadd.s32 $0x200, s18;
	[tilespmem:s9+$0x0] =	vst v2;
	v2 =	vld [tilespmem:s1+$0x0]  }
0x113: {  	v8 =	vsel vm14, v1, v5;
	p0 =	por !p0, !p0;
	s9 =	sand.u32 $0x3C00, s18;
	[tilespmem:s8+$0x0] =	vst v4;
	v4 =	vld [tilespmem:s1+$0x800];
	s1 =	simm.s32 $0x1  }
0x114: {  	[dreg:$0xa] =	wrdreg s18;
	v1 =	vsel vm15, v1, v5;
	s7 =	sadd.s32 $0x9500, s9;
	[tilespmem:s0+$0x0] =	vst v8;
	s1 =	simm.s32 @!p0 $0x0  }
0x115: {  	s8 =	sor.u32 s2, s7;
	v5 =	vsel vm0, v0, v3;
	s5 =	sor.u32 s16, s7;
	[tilespmem:s25+$0x0] =	vst v1;
	s10 =	sshll.u32 s1, $0x6  }
0x116: {  	s3 =	sor.u32 s28, s7;
	v63 =	vsel vm1, v6, v7;
	[dreg:$0x9] =	wrdreg s8;
	[tilespmem:s5+$0x0] =	vst v5;
	s0 =	sadd.s32 s10, s18  }
0x117: {  	v9 =	vsel vm2, v6, v7;
	s1 =	sor.u32 s26, s7;
	[tilespmem:s3+$0x80] =	vst v63;
	s11 =	sadd.s32 $0x10, s0;
	s8 =	sor.u32 $0x200, s0  }
0x118: {  	v10 =	vsel vm3, v6, v7;
	[tilespmem:s3+$0x100] =	vst v9;
	s6 =	sadd.s32 $0x20, s0;
	s13 =	sor.u32 $0x200, s11;
	[dreg:$0x14] =	wrdreg s8  }
0x119: {  	v11 =	vsel vm4, v6, v7;
	v12 =	vsel vm5, v6, v7;
	v1 =	vsel vm1, v0, v3;
	[tilespmem:s3+$0x180] =	vst v10;
	s12 =	sadd.s32 $0x30, s0;
	s14 =	sor.u32 $0x280, s11;
	[smem:$0x7E7] =	sst s13  }
0x11a: {  	v13 =	vsel vm6, v6, v7;
	v14 =	vsel vm7, v6, v7;
	v5 =	vsel vm0, v6, v7;
	[tilespmem:s5+$0x80] =	vst v1;
	s15 =	sor.u32 $0x200, s12;
	s17 =	sor.u32 $0x300, s11;
	[smem:$0x7E8] =	sst s14  }
0x11b: {  	v15 =	vsel vm8, v6, v7;
	v16 =	vsel vm9, v6, v7;
	v1 =	vsel vm2, v0, v3;
	[tilespmem:s3+$0x0] =	vst v5;
	s4 =	sor.u32 $0x380, s11;
	s18 =	sor.u32 $0x280, s12;
	[smem:$0x7E9] =	sst s17  }
0x11c: {  	v17 =	vsel vm10, v6, v7;
	v18 =	vsel vm11, v6, v7;
	[tilespmem:s5+$0x100] =	vst v1;
	v1 =	vsel vm3, v0, v3;
	s19 =	sor.u32 $0x200, s6;
	s20 =	sor.u32 $0x280, s6;
	[smem:$0x7EA] =	sst s4  }
0x11d: {  	v19 =	vsel vm12, v6, v7;
	v20 =	vsel vm13, v6, v7;
	[tilespmem:s5+$0x180] =	vst v1;
	v1 =	vsel vm4, v0, v3;
	s21 =	sor.u32 $0x300, s12;
	s25 =	sor.u32 $0x380, s12;
	[dreg:$0x1a] =	wrdreg s19  }
0x11e: {  	v21 =	vsel vm14, v6, v7;
	v6 =	vsel vm15, v6, v7;
	s30 =	sor.u32 $0x300, s6;
	v7 =	vsel vm0, v2, v4;
	s6 =	sor.u32 $0x380, s6;
	[tilespmem:s15+$0x9500] =	vst v1;
	[dreg:$0x16] =	wrdreg s20  }
0x11f: {  	v22 =	vsel vm1, v2, v4;
	s5 =	sadd.s32 $0xD700, s9;
	s11 =	sor.u32 $0x280, s0;
	[smem:$0x7EB] =	sst s30;
	[tilespmem:s1+$0x0] =	vst v7  }
0x120: {  	v23 =	vsel vm2, v2, v4;
	s20 =	sadd.s32 $0xD500, s9;
	s19 =	sadd.s32 $0xD580, s9;
	[smem:$0x7EC] =	sst s6;
	[tilespmem:s1+$0x80] =	vst v22  }
0x121: {  	v1 =	vsel vm5, v0, v3;
	s17 =	sadd.s32 $0xD600, s9;
	[dreg:$0x1c] =	wrdreg s11;
	s15 =	sadd.s32 $0xD780, s9;
	[tilespmem:s1+$0x100] =	vst v23  }
0x122: {  	s12 =	sor.u32 s16, s5;
	s30 =	sadd.s32 $0xD880, s9;
	[tilespmem:s18+$0x9500] =	vst v1;
	v1 =	vsel vm6, v0, v3;
	s29 =	sor.u32 s16, s20  }
0x123: {  	s31 =	sor.u32 s16, s19;
	s7 =	sor.u32 s16, s17;
	s4 =	sld [smem:$0x7E7];
	[tilespmem:s21+$0x9500] =	vst v1;
	v1 =	vsel vm7, v0, v3  }
0x124: {  	s18 =	sadd.s32 $0xD800, s9;
	s13 =	sor.u32 s16, s15;
	s11 =	sor.u32 s2, s19;
	[tilespmem:s25+$0x9500] =	vst v1;
	v1 =	vsel vm8, v0, v3  }
0x125: {  	s8 =	sor.u32 s2, s15;
	s6 =	sor.u32 s28, s15;
	s15 =	sor.u32 s26, s15;
	[tilespmem:s29+$0x0] =	vst v1  }
0x126: {  	s14 =	sor.u32 s16, s18;
	s21 =	sor.u32 s16, s30;
	s3 =	sor.u32 s28, s18;
	v1 =	vsel vm9, v0, v3;
	[tilespmem:s4+$0x9500] =	vst v11  }
0x127: {  	s25 =	sor.u32 s2, s18;
	s29 =	sadd.s32 $0xD680, s9;
	s4 =	sld [smem:$0x7E8];
	[tilespmem:s31+$0x0] =	vst v1;
	v1 =	vsel vm10, v0, v3  }
0x128: {  	s18 =	sor.u32 s26, s18;
	s9 =	sor.u32 s2, s5;
	s10 =	sor.u32 s16, s29;
	[tilespmem:s7+$0x0] =	vst v1;
	v1 =	vsel vm11, v0, v3  }
0x129: {  	[smem:$0x7ED] =	sst s25;
	s25 =	sor.u32 s2, s30;
	s16 =	sor.u32 s28, s19;
	[tilespmem:s10+$0x0] =	vst v1  }
0x12a: {  	s31 =	sor.u32 s28, s17;
	s19 =	sor.u32 s26, s19;
	s7 =	sor.u32 $0x300, s0;
	v1 =	vsel vm12, v0, v3;
	[tilespmem:s4+$0x9500] =	vst v12  }
0x12b: {  	s10 =	sor.u32 s2, s29;
	s4 =	sld [smem:$0x7E9];
	[tilespmem:s12+$0x0] =	vst v1;
	v1 =	vsel vm13, v0, v3;
	s12 =	sor.u32 $0x380, s0  }
0x12c: {  	s0 =	sor.u32 s28, s29;
	s29 =	sor.u32 s26, s29;
	[tilespmem:s13+$0x0] =	vst v1;
	v1 =	vsel vm14, v0, v3;
	s13 =	sor.u32 s2, s20  }
0x12d: {  	v0 =	vsel vm15, v0, v3;
	[tilespmem:s14+$0x0] =	vst v1;
	s14 =	sor.u32 s2, s17;
	s2 =	sor.u32 s28, s20;
	s20 =	sor.u32 s26, s20  }
0x12e: {  	v24 =	vsel vm3, v2, v4;
	s17 =	sor.u32 s26, s17;
	[tilespmem:s21+$0x0] =	vst v0;
	s21 =	sor.u32 s28, s5;
	s28 =	sor.u32 s28, s30  }
0x12f: {  	[tilespmem:s1+$0x180] =	vst v24;
	s5 =	sor.u32 s26, s5;
	s26 =	sor.u32 s26, s30;
	s30 =	sld [smem:$0x7EA]  }
0x130: {  	v25 =	vsel vm4, v2, v4;
	[tilespmem:s4+$0x9500] =	vst v13;
	s4 =	rddreg [dreg:$0x1a]  }
0x131: {  	[tilespmem:s4+$0x9500] =	vst v25  }
0x132: {  	[tilespmem:s30+$0x9500] =	vst v14  }
0x133: {  	[tilespmem:s2+$0x0] =	vst v15  }
0x134: {  	[tilespmem:s16+$0x0] =	vst v16  }
0x135: {  	[tilespmem:s31+$0x0] =	vst v17  }
0x136: {  	[tilespmem:s0+$0x0] =	vst v18  }
0x137: {  	[tilespmem:s21+$0x0] =	vst v19  }
0x138: {  	s16 =	sld [smem:$0x7EB];
	[tilespmem:s6+$0x0] =	vst v20  }
0x139: {  	v26 =	vsel vm5, v2, v4;
	s6 =	rddreg [dreg:$0x16];
	[tilespmem:s3+$0x0] =	vst v21  }
0x13a: {  	s21 =	sld [smem:$0x7EC];
	[tilespmem:s6+$0x9500] =	vst v26  }
0x13b: {  	v27 =	vsel vm6, v2, v4;
	[tilespmem:s28+$0x0] =	vst v6  }
0x13c: {  	v28 =	vsel vm7, v2, v4;
	[tilespmem:s16+$0x9500] =	vst v27  }
0x13d: {  	v29 =	vsel vm8, v2, v4;
	[tilespmem:s21+$0x9500] =	vst v28  }
0x13e: {  	s24 =	sadd.s32 $0x40, s24;
	v30 =	vsel vm9, v2, v4;
	s28 =	rddreg [dreg:$0x7];
	[tilespmem:s20+$0x0] =	vst v29  }
0x13f: {  	v31 =	vsel vm10, v2, v4;
	v1 =	vld [tilespmem:s24+$0x0];
	[tilespmem:s19+$0x0] =	vst v30;
	s19 =	sadd.s32 $0x40, s28  }
0x140: {  	v32 =	vsel vm11, v2, v4;
	v5 =	vld [tilespmem:s19+$0x0];
	[tilespmem:s17+$0x0] =	vst v31  }
0x141: {  	v3 =	vsel vm12, v2, v4;
	[tilespmem:s29+$0x0] =	vst v32  }
0x142: {  	v33 =	vsel vm13, v2, v4;
	[tilespmem:s5+$0x0] =	vst v3  }
0x143: {  	v34 =	vsel vm14, v2, v4;
	[tilespmem:s15+$0x0] =	vst v33  }
0x144: {  	v0 =	vsel vm15, v2, v4;
	[tilespmem:s18+$0x0] =	vst v34  }
0x145: {  	s22 =	sadd.s32 $0x4, s22;
	s29 =	rddreg [dreg:$0x9];
	v2 =	vsel vm0, v1, v5;
	[tilespmem:s26+$0x0] =	vst v0  }
0x146: {  	p1 =	slt.u32 s22, $0x7C;
	v0 =	vsel vm1, v1, v5;
	[tilespmem:s29+$0x0] =	vst v2  }
.Ltmp1:
0x147: {  	[tilespmem:s29+$0x80] =	vst v0;
	v0 =	vsel vm2, v1, v5;
	(pc) =	sbr.rel @p1 .LBB2_4-.Ltmp1, $4  }
0x148: {  	s30 =	rddreg [dreg:$0x14];
	[tilespmem:s29+$0x100] =	vst v0;
	v0 =	vsel vm3, v1, v5  }
0x149: {  	s31 =	rddreg [dreg:$0x1c];
	[tilespmem:s29+$0x180] =	vst v0;
	v0 =	vsel vm4, v1, v5  }
0x14a: {  	s0 =	sld [smem:$0x7ED];
	[tilespmem:s30+$0x9500] =	vst v0;
	v0 =	vsel vm5, v1, v5  }
0x14b: {  	s23 =	sadd.s32 $0x40, s23;
	s18 =	rddreg [dreg:$0xa];
	[tilespmem:s31+$0x9500] =	vst v0;
	v0 =	vsel vm6, v1, v5  }
0x14c: {  	[tilespmem:s7+$0x9500] =	vst v0;
	v55 =	vsel vm7, v1, v5  }
0x14d: {  	v56 =	vsel vm8, v1, v5;
	[tilespmem:s12+$0x9500] =	vst v55  }
0x14e: {  	v57 =	vsel vm9, v1, v5;
	[tilespmem:s13+$0x0] =	vst v56  }
0x14f: {  	v58 =	vsel vm10, v1, v5;
	[tilespmem:s11+$0x0] =	vst v57  }
0x150: {  	v59 =	vsel vm11, v1, v5;
	[tilespmem:s14+$0x0] =	vst v58  }
0x151: {  	v60 =	vsel vm12, v1, v5;
	[tilespmem:s10+$0x0] =	vst v59  }
0x152: {  	v61 =	vsel vm13, v1, v5;
	[tilespmem:s9+$0x0] =	vst v60  }
0x153: {  	v62 =	vsel vm14, v1, v5;
	[tilespmem:s8+$0x0] =	vst v61  }
0x154: {  	v63 =	vsel vm15, v1, v5;
	[tilespmem:s0+$0x0] =	vst v62  }
0x155: {  	[tilespmem:s25+$0x0] =	vst v63  }
0x156: {  	s1 =	sld [smem:$0x7FC];
	_ =	sdelay $0x1  }
0x157: {  	s31 =	simm.s32 $0x0;
	s2 =	simm.s32 $0x9500  }
0x158: {  	[hbm4b:s1+s31] =	stream.linear.scatter [tilespmem:s2], [sflag:$0x2], $0x8000, $0x38;
	[tilespmem:$0x11500] =	vst v63  }
0x159: {  	s1 =	simm.s32 $0x1  }
.LBB2_6:
0x15a: {  	s0 =	simm.s32 $0x1  }
0x15b: {  	_ =	swait.ge [sflag:s0], $0x8000  }
0x15c: {  	[sflag:s0] =	ssyncset.done $0x0  }
0x15d: {  	s18 =	sshll.u32 s1, $0x5;
	[sflag:s0] =	ssyncadd.s32 $0xFFFF8000  }
0x15e: {  	v0 =	vld [tilespmem:s18+$0x1000];
	_ =	sdelay $0x4  }
0x15f: {  	v1 =	vbroadcast v0, $0x0  }
0x160: {  	v2 =	vbroadcast v0, $0x1  }
0x161: {  	v3 =	vbroadcast v0, $0x2;
	[tilespmem:$0x1400] =	vst v1  }
0x162: {  	v4 =	vbroadcast v0, $0x3;
	[tilespmem:$0x1410] =	vst v2  }
0x163: {  	v5 =	vbroadcast v0, $0x4;
	[tilespmem:$0x1420] =	vst v3  }
0x164: {  	v6 =	vbroadcast v0, $0x5;
	[tilespmem:$0x1430] =	vst v4  }
0x165: {  	v7 =	vbroadcast v0, $0x6;
	[tilespmem:$0x1440] =	vst v5  }
0x166: {  	v8 =	vbroadcast v0, $0x7;
	[tilespmem:$0x1450] =	vst v6  }
0x167: {  	v9 =	vbroadcast v0, $0x8;
	[tilespmem:$0x1460] =	vst v7  }
0x168: {  	v10 =	vbroadcast v0, $0x9;
	[tilespmem:$0x1470] =	vst v8  }
0x169: {  	v11 =	vbroadcast v0, $0xA;
	[tilespmem:$0x1480] =	vst v9  }
0x16a: {  	v12 =	vbroadcast v0, $0xB;
	[tilespmem:$0x1490] =	vst v10  }
0x16b: {  	v13 =	vbroadcast v0, $0xC;
	[tilespmem:$0x14A0] =	vst v11  }
0x16c: {  	v14 =	vbroadcast v0, $0xD;
	[tilespmem:$0x14B0] =	vst v12  }
0x16d: {  	s15 =	simm.s32 $0x0;
	v15 =	vbroadcast v0, $0xE;
	[tilespmem:$0x14C0] =	vst v13  }
0x16e: {  	s25 =	sand.u32 $0x40, s15;
	v0 =	vbroadcast v0, $0xF;
	[tilespmem:$0x14D0] =	vst v14  }
0x16f: {  	[smem:$0x7E5] =	sst s1;
	s1 =	sand.u32 $0x780, s15;
	s13 =	sor.u32 $0x30, s25;
	[tilespmem:$0x14E0] =	vst v15  }
0x170: {  	[smem:$0x7E6] =	sst s18;
	s19 =	sor.u32 s1, s13;
	[tilespmem:$0x14F0] =	vst v0  }
0x171: {  	v16 =	vld [tilespmem:s19+$0x0]  }
0x172: {  	v17 =	vld [tilespmem:s19+$0x800]  }
0x173: {  	s11 =	sor.u32 $0x10, s25  }
0x174: {  	s26 =	sor.u32 s1, s11  }
0x175: {  	s4 =	sand.u32 $0x3C00, s15;
	v35 =	vld [tilespmem:s26+$0x0]  }
0x176: {  	s0 =	sadd.s32 $0x1500, s4;
	vm0 =	veq.s32 v1, $0x0;
	vm2 =	veq.s32 v3, $0x0;
	v3 =	vld [tilespmem:s26+$0x800]  }
0x177: {  	s3 =	sor.u32 s13, s0;
	vm1 =	veq.s32 v2, $0x0;
	v1 =	vsel vm0, v16, v17  }
0x178: {  	p0 =	por $0x0, $0x0;
	s2 =	simm.s32 $0x1;
	v26 =	vsel vm1, v16, v17;
	[tilespmem:s3+$0x0] =	vst v1  }
0x179: {  	s2 =	simm.s32 @!p0 $0x0;
	vm3 =	veq.s32 v4, $0x0;
	v27 =	vsel vm2, v16, v17;
	[tilespmem:s3+$0x80] =	vst v26  }
0x17a: {  	s2 =	sshll.u32 s2, $0x6;
	s6 =	sadd.s32 $0x5500, s4;
	s12 =	sadd.s32 $0x5580, s4;
	v28 =	vsel vm3, v16, v17;
	[tilespmem:s3+$0x100] =	vst v27  }
0x17b: {  	s8 =	sadd.s32 $0x5600, s4;
	s9 =	sadd.s32 $0x5680, s4;
	s18 =	sor.u32 s11, s0;
	v42 =	vsel vm0, v35, v3;
	[tilespmem:s3+$0x180] =	vst v28  }
0x17c: {  	s7 =	sadd.s32 $0x5700, s4;
	s10 =	sadd.s32 $0x5780, s4;
	s2 =	sadd.s32 $0x0, s2;
	v43 =	vsel vm1, v35, v3;
	[tilespmem:s18+$0x0] =	vst v42  }
0x17d: {  	s24 =	sor.u32 s13, s6;
	s28 =	sor.u32 s13, s12;
	s29 =	sor.u32 s13, s8;
	v44 =	vsel vm2, v35, v3;
	[tilespmem:s18+$0x80] =	vst v43  }
0x17e: {  	s30 =	sor.u32 s13, s9;
	s31 =	sor.u32 s13, s7;
	s5 =	sadd.s32 $0x30, s2;
	vm4 =	veq.s32 v5, $0x0;
	v45 =	vsel vm3, v35, v3;
	[tilespmem:s18+$0x100] =	vst v44  }
0x17f: {  	s14 =	sor.u32 s13, s10;
	s20 =	sor.u32 $0x200, s5;
	s21 =	sor.u32 $0x280, s5;
	vm5 =	veq.s32 v6, $0x0;
	v29 =	vsel vm4, v16, v17;
	[tilespmem:s18+$0x180] =	vst v45  }
0x180: {  	s22 =	sor.u32 $0x300, s5;
	vm6 =	veq.s32 v7, $0x0;
	v30 =	vsel vm5, v16, v17;
	s3 =	sadd.s32 $0x5800, s4;
	s4 =	sadd.s32 $0x5880, s4;
	[tilespmem:s20+$0x1500] =	vst v29  }
0x181: {  	vm7 =	veq.s32 v8, $0x0;
	v31 =	vsel vm6, v16, v17;
	s16 =	sor.u32 s13, s3;
	s17 =	sor.u32 s13, s4;
	s13 =	sor.u32 $0x20, s25;
	[tilespmem:s21+$0x1500] =	vst v30  }
0x182: {  	s23 =	sor.u32 $0x380, s5;
	vm8 =	veq.s32 v9, $0x0;
	v32 =	vsel vm7, v16, v17;
	s1 =	sor.u32 s1, s13;
	[tilespmem:s22+$0x1500] =	vst v31  }
0x183: {  	vm9 =	veq.s32 v10, $0x0;
	v33 =	vsel vm8, v16, v17;
	v52 =	vld [tilespmem:s1+$0x0];
	[tilespmem:s23+$0x1500] =	vst v32  }
0x184: {  	vm10 =	veq.s32 v11, $0x0;
	v34 =	vsel vm9, v16, v17;
	v53 =	vld [tilespmem:s1+$0x800];
	[tilespmem:s24+$0x0] =	vst v33  }
0x185: {  	vm11 =	veq.s32 v12, $0x0;
	v36 =	vsel vm10, v16, v17;
	[tilespmem:s28+$0x0] =	vst v34  }
0x186: {  	vm12 =	veq.s32 v13, $0x0;
	v37 =	vsel vm11, v16, v17;
	[tilespmem:s29+$0x0] =	vst v36  }
0x187: {  	vm13 =	veq.s32 v14, $0x0;
	s26 =	sor.u32 s11, s9;
	v38 =	vsel vm12, v16, v17;
	s22 =	sor.u32 s11, s6;
	s23 =	sor.u32 s11, s12;
	[tilespmem:s30+$0x0] =	vst v37  }
0x188: {  	v39 =	vsel vm13, v16, v17;
	s24 =	sor.u32 s11, s8;
	s28 =	sor.u32 s11, s7;
	s29 =	sor.u32 s11, s10;
	[tilespmem:s31+$0x0] =	vst v38  }
0x189: {  	s30 =	sor.u32 s11, s3;
	v54 =	vsel vm1, v52, v53;
	s31 =	sor.u32 s11, s4;
	s11 =	sor.u32 s13, s0;
	[tilespmem:s14+$0x0] =	vst v39  }
0x18a: {  	vm14 =	veq.s32 v15, $0x0;
	v55 =	vsel vm3, v52, v53;
	[tilespmem:s11+$0x80] =	vst v54  }
0x18b: {  	s19 =	sadd.s32 $0x10, s2;
	v40 =	vsel vm14, v16, v17;
	[tilespmem:s11+$0x180] =	vst v55  }
0x18c: {  	vm15 =	veq.s32 v0, $0x0;
	v46 =	vsel vm4, v35, v3;
	s14 =	sor.u32 $0x200, s19;
	[tilespmem:s16+$0x0] =	vst v40  }
0x18d: {  	v41 =	vsel vm15, v16, v17;
	[tilespmem:s14+$0x1500] =	vst v46  }
0x18e: {  	v47 =	vsel vm5, v35, v3;
	s20 =	sor.u32 $0x280, s19;
	[tilespmem:s17+$0x0] =	vst v41  }
0x18f: {  	v48 =	vsel vm6, v35, v3;
	s21 =	sor.u32 $0x300, s19;
	[tilespmem:s20+$0x1500] =	vst v47  }
0x190: {  	s5 =	sor.u32 $0x380, s19;
	v49 =	vsel vm7, v35, v3;
	[tilespmem:s21+$0x1500] =	vst v48  }
0x191: {  	v50 =	vsel vm8, v35, v3;
	[tilespmem:s5+$0x1500] =	vst v49  }
0x192: {  	v51 =	vsel vm9, v35, v3;
	[tilespmem:s22+$0x0] =	vst v50  }
0x193: {  	v4 =	vsel vm10, v35, v3;
	[tilespmem:s23+$0x0] =	vst v51  }
0x194: {  	v5 =	vsel vm11, v35, v3;
	[tilespmem:s24+$0x0] =	vst v4  }
0x195: {  	v4 =	vsel vm12, v35, v3;
	[tilespmem:s26+$0x0] =	vst v5  }
0x196: {  	v5 =	vsel vm13, v35, v3;
	[tilespmem:s28+$0x0] =	vst v4  }
0x197: {  	v2 =	vsel vm15, v35, v3;
	v4 =	vsel vm14, v35, v3;
	v3 =	vsel vm0, v52, v53;
	[tilespmem:s29+$0x0] =	vst v5  }
0x198: {  	[tilespmem:s11+$0x0] =	vst v3  }
0x199: {  	v3 =	vsel vm2, v52, v53;
	[tilespmem:s30+$0x0] =	vst v4  }
0x19a: {  	s14 =	sadd.s32 $0x20, s2;
	[tilespmem:s11+$0x100] =	vst v3  }
0x19b: {  	s16 =	sor.u32 $0x200, s14;
	v3 =	vsel vm4, v52, v53;
	[tilespmem:s31+$0x0] =	vst v2  }
0x19c: {  	v56 =	vsel vm5, v52, v53;
	s17 =	sor.u32 $0x280, s14;
	[tilespmem:s16+$0x1500] =	vst v3  }
0x19d: {  	s18 =	sor.u32 $0x300, s14;
	v3 =	vsel vm6, v52, v53;
	[tilespmem:s17+$0x1500] =	vst v56  }
0x19e: {  	v57 =	vsel vm7, v52, v53;
	s1 =	sor.u32 $0x380, s14;
	[tilespmem:s18+$0x1500] =	vst v3  }
0x19f: {  	s19 =	sor.u32 s13, s6;
	s14 =	simm.s32 $0x800;
	v3 =	vsel vm8, v52, v53;
	[tilespmem:s1+$0x1500] =	vst v57  }
0x1a0: {  	v58 =	vsel vm9, v52, v53;
	s20 =	sor.u32 s13, s12;
	v59 =	vld [tilespmem:s14+$0x0];
	[tilespmem:s19+$0x0] =	vst v3  }
0x1a1: {  	s21 =	sor.u32 s13, s8;
	v4 =	vsel vm10, v52, v53;
	v3 =	vld [tilespmem:s15+$0x0];
	[tilespmem:s20+$0x0] =	vst v58  }
0x1a2: {  	s22 =	sor.u32 s13, s9;
	v5 =	vsel vm11, v52, v53;
	[tilespmem:s21+$0x0] =	vst v4  }
0x1a3: {  	s23 =	sor.u32 s13, s7;
	v4 =	vsel vm12, v52, v53;
	[tilespmem:s22+$0x0] =	vst v5  }
0x1a4: {  	s24 =	sor.u32 s13, s10;
	v5 =	vsel vm13, v52, v53;
	[tilespmem:s23+$0x0] =	vst v4  }
0x1a5: {  	s26 =	sor.u32 s13, s3;
	v4 =	vsel vm14, v52, v53;
	[tilespmem:s24+$0x0] =	vst v5  }
0x1a6: {  	s29 =	sor.u32 s25, s0;
	v60 =	vsel vm0, v3, v59;
	[tilespmem:s26+$0x0] =	vst v4  }
0x1a7: {  	v61 =	vsel vm1, v3, v59;
	[tilespmem:s29+$0x0] =	vst v60  }
0x1a8: {  	s5 =	sor.u32 s25, s4;
	v62 =	vsel vm2, v3, v59;
	[tilespmem:s29+$0x80] =	vst v61  }
0x1a9: {  	v0 =	vsel vm15, v52, v53;
	s10 =	sor.u32 s25, s10;
	s28 =	sor.u32 s13, s4;
	s0 =	sor.u32 $0x380, s2;
	v63 =	vsel vm4, v3, v59;
	[tilespmem:s29+$0x100] =	vst v62  }
0x1aa: {  	s30 =	sor.u32 $0x200, s2;
	s11 =	sor.u32 s25, s3;
	s31 =	sor.u32 $0x280, s2;
	v14 =	vsel vm5, v3, v59;
	v13 =	vsel vm6, v3, v59;
	v4 =	vsel vm3, v3, v59;
	[tilespmem:s28+$0x0] =	vst v0  }
0x1ab: {  	s17 =	sor.u32 s25, s12;
	s12 =	sor.u32 s25, s9;
	s1 =	sor.u32 $0x300, s2;
	v7 =	vsel vm7, v3, v59;
	v6 =	vsel vm9, v3, v59;
	v12 =	vsel vm10, v3, v59;
	[tilespmem:s29+$0x180] =	vst v4  }
0x1ac: {  	s2 =	sor.u32 s25, s6;
	s6 =	sor.u32 s25, s8;
	s8 =	sor.u32 s25, s7;
	v10 =	vsel vm11, v3, v59;
	v11 =	vsel vm12, v3, v59;
	v5 =	vsel vm13, v3, v59;
	[tilespmem:s30+$0x1500] =	vst v63  }
0x1ad: {  	s25 =	simm.s32 $0x40;
	s24 =	simm.s32 $0x0;
	v9 =	vsel vm14, v3, v59;
	v8 =	vsel vm15, v3, v59;
	s26 =	simm.s32 $0x0;
	v4 =	vsel vm8, v3, v59;
	[tilespmem:s31+$0x1500] =	vst v14  }
.LBB2_7:
0x1ae: {  	s16 =	sand.u32 $0x40, s25;
	s15 =	sadd.s32 $0x40, s15;
	s14 =	sadd.s32 $0x40, s14;
	[tilespmem:s1+$0x1500] =	vst v13  }
0x1af: {  	s4 =	sand.u32 $0x780, s25;
	[dreg:$0x5] =	wrdreg s15;
	v2 =	vld [tilespmem:s15+$0x0];
	s15 =	sor.u32 $0x30, s16;
	[tilespmem:s0+$0x1500] =	vst v7  }
0x1b0: {  	v3 =	vld [tilespmem:s14+$0x0];
	s3 =	sor.u32 s4, s15;
	[tilespmem:s2+$0x0] =	vst v4  }
0x1b1: {  	v7 =	vld [tilespmem:s3+$0x0];
	[tilespmem:s17+$0x0] =	vst v6  }
0x1b2: {  	v13 =	vld [tilespmem:s3+$0x800];
	[tilespmem:s6+$0x0] =	vst v12  }
0x1b3: {  	[tilespmem:s12+$0x0] =	vst v10  }
0x1b4: {  	s26 =	sadd.s32 $0x200, s26;
	s29 =	sor.u32 $0x20, s16;
	[tilespmem:s8+$0x0] =	vst v11  }
0x1b5: {  	s9 =	sor.u32 $0x10, s16;
	s1 =	sor.u32 s4, s29;
	s2 =	sand.u32 $0x3C00, s26;
	[tilespmem:s10+$0x0] =	vst v5  }
0x1b6: {  	s7 =	sor.u32 s4, s9;
	v4 =	vld [tilespmem:s1+$0x0];
	s10 =	sadd.s32 $0x1500, s2;
	[tilespmem:s11+$0x0] =	vst v9  }
0x1b7: {  	v6 =	vld [tilespmem:s7+$0x0];
	v9 =	vsel vm0, v7, v13;
	s4 =	sor.u32 s15, s10;
	[tilespmem:s5+$0x0] =	vst v8  }
0x1b8: {  	v10 =	vld [tilespmem:s7+$0x800];
	[tilespmem:s4+$0x0] =	vst v9;
	v8 =	vsel vm1, v7, v13  }
0x1b9: {  	p0 =	por !p0, !p0;
	v5 =	vld [tilespmem:s1+$0x800];
	s1 =	simm.s32 $0x1;
	v0 =	vsel vm0, v2, v3;
	s28 =	sor.u32 s16, s10;
	[tilespmem:s4+$0x80] =	vst v8  }
0x1ba: {  	v1 =	vsel vm1, v2, v3;
	s1 =	simm.s32 @!p0 $0x0;
	[tilespmem:s28+$0x0] =	vst v0  }
0x1bb: {  	v40 =	vsel vm2, v2, v3;
	s1 =	sshll.u32 s1, $0x6;
	[tilespmem:s28+$0x80] =	vst v1  }
0x1bc: {  	s13 =	sadd.s32 $0x5580, s2;
	s17 =	sadd.s32 $0x5680, s2;
	s0 =	sadd.s32 s1, s26;
	v8 =	vsel vm2, v7, v13;
	[tilespmem:s28+$0x100] =	vst v40  }
0x1bd: {  	s21 =	sor.u32 s9, s10;
	s30 =	sor.u32 s29, s10;
	v9 =	vsel vm0, v6, v10;
	s1 =	sadd.s32 $0x10, s0;
	[tilespmem:s4+$0x100] =	vst v8  }
0x1be: {  	s10 =	sor.u32 s15, s13;
	s5 =	sadd.s32 $0x5880, s2;
	v11 =	vsel vm1, v6, v10;
	[tilespmem:s21+$0x0] =	vst v9;
	s7 =	sor.u32 $0x280, s1  }
0x1bf: {  	v12 =	vsel vm2, v6, v10;
	s12 =	sadd.s32 $0x20, s0;
	[tilespmem:s21+$0x80] =	vst v11;
	s20 =	sor.u32 $0x300, s1;
	[smem:$0x7DE] =	sst s7  }
0x1c0: {  	v14 =	vsel vm3, v6, v10;
	[tilespmem:s21+$0x100] =	vst v12;
	s3 =	sor.u32 $0x200, s1;
	s1 =	sor.u32 $0x380, s1;
	[smem:$0x7DF] =	sst s20  }
0x1c1: {  	v8 =	vsel vm3, v7, v13;
	s18 =	sadd.s32 $0x30, s0;
	[tilespmem:s21+$0x180] =	vst v14;
	s23 =	sor.u32 $0x200, s12;
	[dreg:$0x1f] =	wrdreg s1  }
0x1c2: {  	[tilespmem:s4+$0x180] =	vst v8;
	v8 =	vsel vm4, v7, v13;
	s19 =	sor.u32 $0x200, s18;
	s31 =	sor.u32 $0x280, s12;
	[dreg:$0xd] =	wrdreg s23  }
0x1c3: {  	s22 =	sor.u32 $0x280, s18;
	s8 =	sor.u32 $0x300, s12;
	v27 =	vsel vm0, v4, v5;
	[tilespmem:s19+$0x1500] =	vst v8;
	[dreg:$0xb] =	wrdreg s31  }
0x1c4: {  	s4 =	sor.u32 $0x300, s18;
	s11 =	sor.u32 $0x380, s12;
	v28 =	vsel vm1, v4, v5;
	[dreg:$0x17] =	wrdreg s8;
	[tilespmem:s30+$0x0] =	vst v27  }
0x1c5: {  	s6 =	sor.u32 $0x380, s18;
	s18 =	sor.u32 $0x200, s0;
	v29 =	vsel vm2, v4, v5;
	[dreg:$0x1d] =	wrdreg s11;
	[tilespmem:s30+$0x80] =	vst v28  }
0x1c6: {  	v8 =	vsel vm5, v7, v13;
	s19 =	sadd.s32 $0x5600, s2;
	[dreg:$0xf] =	wrdreg s18;
	s20 =	sor.u32 s15, s17;
	[tilespmem:s30+$0x100] =	vst v29  }
0x1c7: {  	v30 =	vsel vm3, v4, v5;
	s23 =	sor.u32 $0x280, s0;
	s18 =	sadd.s32 $0x5800, s2;
	[tilespmem:s22+$0x1500] =	vst v8;
	s22 =	sadd.s32 $0x5500, s2  }
0x1c8: {  	[tilespmem:s30+$0x180] =	vst v30;
	v8 =	vsel vm6, v7, v13;
	s12 =	sor.u32 s15, s19;
	[dreg:$0x11] =	wrdreg s23;
	s21 =	sor.u32 s9, s18  }
0x1c9: {  	s30 =	rddreg [dreg:$0xf];
	[tilespmem:s4+$0x1500] =	vst v8;
	v8 =	vsel vm7, v7, v13;
	s7 =	sor.u32 s15, s22;
	s4 =	sadd.s32 $0x5780, s2  }
0x1ca: {  	s11 =	sor.u32 s16, s22;
	[tilespmem:s6+$0x1500] =	vst v8;
	v8 =	vsel vm8, v7, v13;
	s6 =	sor.u32 $0x300, s0;
	s8 =	sor.u32 s15, s4  }
0x1cb: {  	s0 =	sor.u32 $0x380, s0;
	[smem:$0x7E2] =	sst s11;
	s11 =	sor.u32 s16, s18;
	[tilespmem:s7+$0x0] =	vst v8;
	v8 =	vsel vm9, v7, v13  }
0x1cc: {  	s1 =	sor.u32 s9, s4;
	s7 =	sadd.s32 $0x5700, s2;
	[smem:$0x7E1] =	sst s6;
	[tilespmem:s10+$0x0] =	vst v8;
	v8 =	vsel vm10, v7, v13  }
0x1cd: {  	[smem:$0x7E0] =	sst s0;
	s6 =	sor.u32 s16, s19;
	s0 =	sor.u32 s9, s17;
	[tilespmem:s12+$0x0] =	vst v8;
	v8 =	vsel vm11, v7, v13  }
0x1ce: {  	s2 =	smov.u32 s14;
	s14 =	sor.u32 s9, s5;
	s31 =	sor.u32 s15, s7;
	[tilespmem:s20+$0x0] =	vst v8;
	v8 =	vsel vm12, v7, v13  }
0x1cf: {  	s10 =	sor.u32 s15, s18;
	s15 =	sor.u32 s15, s5;
	s12 =	sor.u32 s16, s13;
	[tilespmem:s31+$0x0] =	vst v8;
	v8 =	vsel vm13, v7, v13  }
0x1d0: {  	s23 =	sor.u32 s9, s7;
	[smem:$0x7E3] =	sst s12;
	s12 =	sor.u32 s16, s17;
	[tilespmem:s8+$0x0] =	vst v8;
	v8 =	vsel vm14, v7, v13  }
0x1d1: {  	v42 =	vsel vm3, v2, v3;
	s8 =	sor.u32 s16, s7;
	[tilespmem:s10+$0x0] =	vst v8;
	s10 =	sor.u32 s16, s4;
	s16 =	sor.u32 s16, s5  }
0x1d2: {  	[tilespmem:s28+$0x180] =	vst v42;
	s20 =	sor.u32 s9, s13;
	s31 =	sor.u32 s9, s19;
	v7 =	vsel vm15, v7, v13;
	[smem:$0x7E4] =	sst s16  }
0x1d3: {  	v15 =	vsel vm4, v6, v10;
	[tilespmem:s15+$0x0] =	vst v7;
	s15 =	sor.u32 s29, s13;
	s13 =	sor.u32 s29, s19;
	s19 =	sld [smem:$0x7DE]  }
0x1d4: {  	v43 =	vsel vm4, v2, v3;
	[tilespmem:s3+$0x1500] =	vst v15;
	s16 =	sor.u32 s9, s22;
	s9 =	sor.u32 s29, s22;
	s22 =	sld [smem:$0x7DF]  }
0x1d5: {  	v16 =	vsel vm5, v6, v10;
	[tilespmem:s30+$0x1500] =	vst v43  }
0x1d6: {  	v17 =	vsel vm6, v6, v10;
	[tilespmem:s19+$0x1500] =	vst v16  }
0x1d7: {  	v18 =	vsel vm7, v6, v10;
	s19 =	rddreg [dreg:$0x1f];
	[tilespmem:s22+$0x1500] =	vst v17  }
0x1d8: {  	v19 =	vsel vm8, v6, v10;
	[tilespmem:s19+$0x1500] =	vst v18  }
0x1d9: {  	v20 =	vsel vm9, v6, v10;
	[tilespmem:s16+$0x0] =	vst v19  }
0x1da: {  	v21 =	vsel vm10, v6, v10;
	[tilespmem:s20+$0x0] =	vst v20  }
0x1db: {  	v22 =	vsel vm11, v6, v10;
	[tilespmem:s31+$0x0] =	vst v21  }
0x1dc: {  	v44 =	vsel vm5, v2, v3;
	s31 =	rddreg [dreg:$0x11];
	[tilespmem:s0+$0x0] =	vst v22  }
0x1dd: {  	v23 =	vsel vm12, v6, v10;
	[tilespmem:s31+$0x1500] =	vst v44  }
0x1de: {  	v24 =	vsel vm13, v6, v10;
	[tilespmem:s23+$0x0] =	vst v23  }
0x1df: {  	v25 =	vsel vm14, v6, v10;
	[tilespmem:s1+$0x0] =	vst v24  }
0x1e0: {  	v26 =	vsel vm15, v6, v10;
	[tilespmem:s21+$0x0] =	vst v25  }
0x1e1: {  	v31 =	vsel vm4, v4, v5;
	s21 =	rddreg [dreg:$0xd];
	[tilespmem:s14+$0x0] =	vst v26  }
0x1e2: {  	v32 =	vsel vm5, v4, v5;
	s3 =	sor.u32 s29, s17;
	s22 =	rddreg [dreg:$0xb];
	[tilespmem:s21+$0x1500] =	vst v31  }
0x1e3: {  	v33 =	vsel vm6, v4, v5;
	s17 =	sor.u32 s29, s18;
	s7 =	sor.u32 s29, s7;
	s23 =	rddreg [dreg:$0x17];
	[tilespmem:s22+$0x1500] =	vst v32  }
0x1e4: {  	v34 =	vsel vm7, v4, v5;
	s4 =	sor.u32 s29, s4;
	s5 =	sor.u32 s29, s5;
	s29 =	rddreg [dreg:$0x1d];
	[tilespmem:s23+$0x1500] =	vst v33  }
0x1e5: {  	v35 =	vsel vm8, v4, v5;
	[tilespmem:s29+$0x1500] =	vst v34  }
0x1e6: {  	v36 =	vsel vm9, v4, v5;
	[tilespmem:s9+$0x0] =	vst v35  }
0x1e7: {  	s24 =	sadd.s32 $0x4, s24;
	v37 =	vsel vm10, v4, v5;
	[tilespmem:s15+$0x0] =	vst v36  }
0x1e8: {  	p1 =	slt.u32 s24, $0x7C;
	v14 =	vsel vm11, v4, v5;
	s0 =	sld [smem:$0x7E0];
	[tilespmem:s13+$0x0] =	vst v37  }
.Ltmp2:
0x1e9: {  	v6 =	vsel vm9, v2, v3;
	v38 =	vsel vm12, v4, v5;
	s1 =	sld [smem:$0x7E1];
	[tilespmem:s3+$0x0] =	vst v14;
	(pc) =	sbr.rel @p1 .LBB2_7-.Ltmp2, $4  }
0x1ea: {  	v10 =	vsel vm11, v2, v3;
	v12 =	vsel vm10, v2, v3;
	v39 =	vsel vm13, v4, v5;
	s14 =	smov.u32 s2;
	s2 =	sld [smem:$0x7E2];
	[tilespmem:s7+$0x0] =	vst v38  }
0x1eb: {  	v11 =	vsel vm12, v2, v3;
	v9 =	vsel vm14, v2, v3;
	v15 =	vsel vm14, v4, v5;
	s15 =	rddreg [dreg:$0x5];
	[tilespmem:s4+$0x0] =	vst v39  }
0x1ec: {  	v41 =	vsel vm15, v4, v5;
	v4 =	vsel vm8, v2, v3;
	v5 =	vsel vm13, v2, v3;
	[tilespmem:s17+$0x0] =	vst v15;
	s17 =	sld [smem:$0x7E3]  }
0x1ed: {  	s25 =	sadd.s32 $0x40, s25;
	v13 =	vsel vm6, v2, v3;
	v8 =	vsel vm15, v2, v3;
	v7 =	vsel vm7, v2, v3;
	[tilespmem:s5+$0x0] =	vst v41;
	s5 =	sld [smem:$0x7E4]  }
0x1ee: {  	[tilespmem:s1+$0x1500] =	vst v13  }
0x1ef: {  	[tilespmem:s0+$0x1500] =	vst v7  }
0x1f0: {  	[tilespmem:s2+$0x0] =	vst v4  }
0x1f1: {  	[tilespmem:s17+$0x0] =	vst v6  }
0x1f2: {  	[tilespmem:s6+$0x0] =	vst v12  }
0x1f3: {  	[tilespmem:s12+$0x0] =	vst v10  }
0x1f4: {  	[tilespmem:s8+$0x0] =	vst v11  }
0x1f5: {  	[tilespmem:s10+$0x0] =	vst v5  }
0x1f6: {  	s0 =	sld [smem:$0x7F8]  }
0x1f7: {  	s14 =	sld [smem:$0x7E6];
	_ =	sdelay $0x2  }
0x1f8: {  	s0 =	sadd.s32 s0, s14  }
0x1f9: {  	s28 =	rddreg [dreg:$0x2];
	s29 =	simm.s32 $0x1500;
	[tilespmem:s11+$0x0] =	vst v9;
	s0 =	sshll.u32 s0, $0x8  }
0x1fa: {  	s30 =	simm.s32 $0x2;
	s17 =	simm.s32 $0x0;
	[tilespmem:s5+$0x0] =	vst v8;
	s0 =	sadd.s32 s28, s0  }
0x1fb: {  	[hbm4b:s0+s17] =	stream.linear.scatter [tilespmem:s29], [sflag:$0x1], $0x8000, $0x38;
	[tilespmem:$0x11500] =	vst v63  }
0x1fc: {  	_ =	swait.ge [sflag:s30], $0x8000  }
0x1fd: {  	[sflag:s30] =	ssyncset.done $0x0  }
0x1fe: {  	[sflag:s30] =	ssyncadd.s32 $0xFFFF8000  }
0x1ff: {  	v0 =	vld [tilespmem:s14+$0x1010];
	_ =	sdelay $0x4  }
0x200: {  	v1 =	vbroadcast v0, $0x0  }
0x201: {  	v2 =	vbroadcast v0, $0x1  }
0x202: {  	v3 =	vbroadcast v0, $0x2;
	[tilespmem:$0x1400] =	vst v1  }
0x203: {  	v4 =	vbroadcast v0, $0x3;
	[tilespmem:$0x1410] =	vst v2  }
0x204: {  	v5 =	vbroadcast v0, $0x4;
	[tilespmem:$0x1420] =	vst v3  }
0x205: {  	v6 =	vbroadcast v0, $0x5;
	[tilespmem:$0x1430] =	vst v4  }
0x206: {  	v7 =	vbroadcast v0, $0x6;
	[tilespmem:$0x1440] =	vst v5  }
0x207: {  	v8 =	vbroadcast v0, $0x7;
	[tilespmem:$0x1450] =	vst v6  }
0x208: {  	v9 =	vbroadcast v0, $0x8;
	[tilespmem:$0x1460] =	vst v7  }
0x209: {  	v10 =	vbroadcast v0, $0x9;
	[tilespmem:$0x1470] =	vst v8  }
0x20a: {  	v11 =	vbroadcast v0, $0xA;
	[tilespmem:$0x1480] =	vst v9  }
0x20b: {  	v12 =	vbroadcast v0, $0xB;
	[tilespmem:$0x1490] =	vst v10  }
0x20c: {  	v13 =	vbroadcast v0, $0xC;
	[tilespmem:$0x14A0] =	vst v11  }
0x20d: {  	v14 =	vbroadcast v0, $0xD;
	[tilespmem:$0x14B0] =	vst v12  }
0x20e: {  	v15 =	vbroadcast v0, $0xE;
	[tilespmem:$0x14C0] =	vst v13  }
0x20f: {  	s25 =	sand.u32 $0x40, s17;
	v0 =	vbroadcast v0, $0xF;
	[tilespmem:$0x14D0] =	vst v14  }
0x210: {  	s31 =	sor.u32 $0x30, s25;
	s5 =	sand.u32 $0x780, s17;
	[tilespmem:$0x14E0] =	vst v15  }
0x211: {  	s13 =	sor.u32 s5, s31;
	[tilespmem:$0x14F0] =	vst v0  }
0x212: {  	v16 =	vld [tilespmem:s13+$0x0]  }
0x213: {  	v17 =	vld [tilespmem:s13+$0x800]  }
0x214: {  	s10 =	sor.u32 $0x10, s25  }
0x215: {  	s7 =	sor.u32 s5, s10  }
0x216: {  	s4 =	sand.u32 $0x3C00, s17;
	v35 =	vld [tilespmem:s7+$0x0]  }
0x217: {  	s1 =	sadd.s32 $0x9500, s4;
	vm0 =	veq.s32 v1, $0x0;
	vm2 =	veq.s32 v3, $0x0;
	v3 =	vld [tilespmem:s7+$0x800]  }
0x218: {  	s15 =	sor.u32 s31, s1;
	vm1 =	veq.s32 v2, $0x0;
	v1 =	vsel vm0, v16, v17  }
0x219: {  	v26 =	vsel vm1, v16, v17;
	[tilespmem:s15+$0x0] =	vst v1  }
0x21a: {  	vm3 =	veq.s32 v4, $0x0;
	v27 =	vsel vm2, v16, v17;
	[tilespmem:s15+$0x80] =	vst v26  }
0x21b: {  	p0 =	por $0x0, $0x0;
	s0 =	simm.s32 $0x1;
	v28 =	vsel vm3, v16, v17;
	[tilespmem:s15+$0x100] =	vst v27  }
0x21c: {  	s29 =	sor.u32 s10, s1;
	s0 =	simm.s32 @!p0 $0x0;
	v42 =	vsel vm0, v35, v3;
	[tilespmem:s15+$0x180] =	vst v28  }
0x21d: {  	s0 =	sshll.u32 s0, $0x6;
	v43 =	vsel vm1, v35, v3;
	[tilespmem:s29+$0x0] =	vst v42  }
0x21e: {  	s0 =	sadd.s32 $0x0, s0;
	v44 =	vsel vm2, v35, v3;
	[tilespmem:s29+$0x80] =	vst v43  }
0x21f: {  	s2 =	sadd.s32 $0xD500, s4;
	s3 =	sadd.s32 $0x30, s0;
	vm4 =	veq.s32 v5, $0x0;
	v45 =	vsel vm3, v35, v3;
	[tilespmem:s29+$0x100] =	vst v44  }
0x220: {  	s6 =	sadd.s32 $0xD580, s4;
	s9 =	sadd.s32 $0xD700, s4;
	s16 =	sor.u32 $0x200, s3;
	vm5 =	veq.s32 v6, $0x0;
	v29 =	vsel vm4, v16, v17;
	[tilespmem:s29+$0x180] =	vst v45  }
0x221: {  	s20 =	sor.u32 s31, s2;
	s21 =	sor.u32 s31, s6;
	s18 =	sor.u32 $0x280, s3;
	vm6 =	veq.s32 v7, $0x0;
	v30 =	vsel vm5, v16, v17;
	[tilespmem:s16+$0x9500] =	vst v29  }
0x222: {  	s8 =	sadd.s32 $0xD680, s4;
	s11 =	sadd.s32 $0xD600, s4;
	s19 =	sor.u32 $0x300, s3;
	vm7 =	veq.s32 v8, $0x0;
	v31 =	vsel vm6, v16, v17;
	[tilespmem:s18+$0x9500] =	vst v30  }
0x223: {  	s23 =	sor.u32 s31, s8;
	s22 =	sor.u32 s31, s11;
	s3 =	sor.u32 $0x380, s3;
	vm8 =	veq.s32 v9, $0x0;
	v32 =	vsel vm7, v16, v17;
	[tilespmem:s19+$0x9500] =	vst v31  }
0x224: {  	s30 =	sadd.s32 $0x10, s0;
	vm9 =	veq.s32 v10, $0x0;
	s7 =	sadd.s32 $0xD780, s4;
	s13 =	sor.u32 s31, s9;
	v33 =	vsel vm8, v16, v17;
	[tilespmem:s3+$0x9500] =	vst v32  }
0x225: {  	s24 =	sor.u32 s31, s7;
	v34 =	vsel vm9, v16, v17;
	s15 =	sadd.s32 $0xD880, s4;
	s3 =	sadd.s32 $0xD800, s4;
	[tilespmem:s20+$0x0] =	vst v33  }
0x226: {  	vm10 =	veq.s32 v11, $0x0;
	v46 =	vsel vm4, v35, v3;
	s28 =	sor.u32 s31, s15;
	s26 =	sor.u32 s31, s3;
	s31 =	sor.u32 $0x200, s30;
	[tilespmem:s21+$0x0] =	vst v34  }
0x227: {  	v36 =	vsel vm10, v16, v17;
	[tilespmem:s31+$0x9500] =	vst v46  }
0x228: {  	vm11 =	veq.s32 v12, $0x0;
	v47 =	vsel vm5, v35, v3;
	s16 =	sor.u32 $0x280, s30;
	[tilespmem:s22+$0x0] =	vst v36  }
0x229: {  	v37 =	vsel vm11, v16, v17;
	[tilespmem:s16+$0x9500] =	vst v47  }
0x22a: {  	vm12 =	veq.s32 v13, $0x0;
	v48 =	vsel vm6, v35, v3;
	s18 =	sor.u32 $0x300, s30;
	[tilespmem:s23+$0x0] =	vst v37  }
0x22b: {  	v38 =	vsel vm12, v16, v17;
	s4 =	sor.u32 $0x20, s25;
	[tilespmem:s18+$0x9500] =	vst v48  }
0x22c: {  	vm13 =	veq.s32 v14, $0x0;
	v49 =	vsel vm7, v35, v3;
	s19 =	sor.u32 $0x380, s30;
	s5 =	sor.u32 s5, s4;
	[tilespmem:s13+$0x0] =	vst v38  }
0x22d: {  	v39 =	vsel vm13, v16, v17;
	v52 =	vld [tilespmem:s5+$0x0];
	[tilespmem:s19+$0x9500] =	vst v49  }
0x22e: {  	vm14 =	veq.s32 v15, $0x0;
	v50 =	vsel vm8, v35, v3;
	s20 =	sor.u32 s10, s2;
	v53 =	vld [tilespmem:s5+$0x800];
	[tilespmem:s24+$0x0] =	vst v39  }
0x22f: {  	v40 =	vsel vm14, v16, v17;
	[tilespmem:s20+$0x0] =	vst v50  }
0x230: {  	vm15 =	veq.s32 v0, $0x0;
	v51 =	vsel vm9, v35, v3;
	s21 =	sor.u32 s10, s6;
	[tilespmem:s26+$0x0] =	vst v40  }
0x231: {  	v41 =	vsel vm15, v16, v17;
	[tilespmem:s21+$0x0] =	vst v51  }
0x232: {  	v4 =	vsel vm10, v35, v3;
	s22 =	sor.u32 s10, s11;
	[tilespmem:s28+$0x0] =	vst v41  }
0x233: {  	s30 =	sor.u32 s4, s1;
	v54 =	vsel vm1, v52, v53;
	[tilespmem:s22+$0x0] =	vst v4  }
0x234: {  	v55 =	vsel vm3, v52, v53;
	[tilespmem:s30+$0x80] =	vst v54  }
0x235: {  	v5 =	vsel vm11, v35, v3;
	s23 =	sor.u32 s10, s8;
	[tilespmem:s30+$0x180] =	vst v55  }
0x236: {  	s24 =	sor.u32 s10, s9;
	v4 =	vsel vm12, v35, v3;
	[tilespmem:s23+$0x0] =	vst v5  }
0x237: {  	s26 =	sor.u32 s10, s7;
	v5 =	vsel vm13, v35, v3;
	[tilespmem:s24+$0x0] =	vst v4  }
0x238: {  	v2 =	vsel vm15, v35, v3;
	v4 =	vsel vm14, v35, v3;
	v3 =	vsel vm0, v52, v53;
	[tilespmem:s26+$0x0] =	vst v5  }
0x239: {  	s28 =	sor.u32 s10, s3;
	[tilespmem:s30+$0x0] =	vst v3  }
0x23a: {  	v3 =	vsel vm2, v52, v53;
	[tilespmem:s28+$0x0] =	vst v4  }
0x23b: {  	s29 =	sor.u32 s10, s15;
	s31 =	sadd.s32 $0x20, s0;
	[tilespmem:s30+$0x100] =	vst v3  }
0x23c: {  	s13 =	sor.u32 $0x200, s31;
	v3 =	vsel vm4, v52, v53;
	[tilespmem:s29+$0x0] =	vst v2  }
0x23d: {  	s16 =	sor.u32 $0x280, s31;
	v56 =	vsel vm5, v52, v53;
	[tilespmem:s13+$0x9500] =	vst v3  }
0x23e: {  	s18 =	sor.u32 $0x300, s31;
	v3 =	vsel vm6, v52, v53;
	[tilespmem:s16+$0x9500] =	vst v56  }
0x23f: {  	s5 =	sor.u32 $0x380, s31;
	v57 =	vsel vm7, v52, v53;
	[tilespmem:s18+$0x9500] =	vst v3  }
0x240: {  	s19 =	sor.u32 s4, s2;
	v3 =	vsel vm8, v52, v53;
	[tilespmem:s5+$0x9500] =	vst v57  }
0x241: {  	s20 =	sor.u32 s4, s6;
	v58 =	vsel vm9, v52, v53;
	[tilespmem:s19+$0x0] =	vst v3  }
0x242: {  	s21 =	sor.u32 s4, s11;
	v4 =	vsel vm10, v52, v53;
	s18 =	simm.s32 $0x800;
	[tilespmem:s20+$0x0] =	vst v58  }
0x243: {  	s22 =	sor.u32 s4, s8;
	v5 =	vsel vm11, v52, v53;
	v59 =	vld [tilespmem:s18+$0x0];
	[tilespmem:s21+$0x0] =	vst v4  }
0x244: {  	s23 =	sor.u32 s4, s9;
	v3 =	vld [tilespmem:s17+$0x0];
	v4 =	vsel vm12, v52, v53;
	[tilespmem:s22+$0x0] =	vst v5  }
0x245: {  	s24 =	sor.u32 s4, s7;
	v5 =	vsel vm13, v52, v53;
	[tilespmem:s23+$0x0] =	vst v4  }
0x246: {  	s26 =	sor.u32 s4, s3;
	v4 =	vsel vm14, v52, v53;
	[tilespmem:s24+$0x0] =	vst v5  }
0x247: {  	v0 =	vsel vm15, v52, v53;
	s4 =	sor.u32 s4, s15;
	[tilespmem:s26+$0x0] =	vst v4  }
0x248: {  	s29 =	sor.u32 $0x10, s14;
	[tilespmem:s4+$0x0] =	vst v0  }
0x249: {  	s28 =	sor.u32 s25, s1;
	v60 =	vsel vm0, v3, v59;
	[smem:$0x7DD] =	sst s29  }
0x24a: {  	v61 =	vsel vm1, v3, v59;
	[tilespmem:s28+$0x0] =	vst v60  }
0x24b: {  	s12 =	sor.u32 s25, s8;
	s31 =	sor.u32 $0x280, s0;
	s2 =	sor.u32 s25, s2;
	v62 =	vsel vm2, v3, v59;
	v63 =	vsel vm4, v3, v59;
	[tilespmem:s28+$0x80] =	vst v61  }
0x24c: {  	s8 =	sor.u32 s25, s9;
	s10 =	sor.u32 s25, s7;
	s30 =	sor.u32 $0x200, s0;
	v14 =	vsel vm5, v3, v59;
	v13 =	vsel vm6, v3, v59;
	v4 =	vsel vm3, v3, v59;
	[tilespmem:s28+$0x100] =	vst v62  }
0x24d: {  	s1 =	sor.u32 $0x300, s0;
	s0 =	sor.u32 $0x380, s0;
	s14 =	sor.u32 s25, s6;
	v7 =	vsel vm7, v3, v59;
	v6 =	vsel vm9, v3, v59;
	v12 =	vsel vm10, v3, v59;
	[tilespmem:s28+$0x180] =	vst v4  }
0x24e: {  	s6 =	sor.u32 s25, s11;
	s11 =	sor.u32 s25, s3;
	s5 =	sor.u32 s25, s15;
	v10 =	vsel vm11, v3, v59;
	v11 =	vsel vm12, v3, v59;
	v5 =	vsel vm13, v3, v59;
	[tilespmem:s30+$0x9500] =	vst v63  }
0x24f: {  	s25 =	simm.s32 $0x40;
	s24 =	simm.s32 $0x0;
	v9 =	vsel vm14, v3, v59;
	v8 =	vsel vm15, v3, v59;
	s26 =	simm.s32 $0x0;
	v4 =	vsel vm8, v3, v59;
	[tilespmem:s31+$0x9500] =	vst v14  }
.LBB2_9:
0x250: {  	s16 =	sand.u32 $0x40, s25;
	s17 =	sadd.s32 $0x40, s17;
	[tilespmem:s1+$0x9500] =	vst v13  }
0x251: {  	s18 =	sadd.s32 $0x40, s18;
	s7 =	sand.u32 $0x780, s25;
	s15 =	sor.u32 $0x30, s16;
	v2 =	vld [tilespmem:s17+$0x0];
	[tilespmem:s0+$0x9500] =	vst v7  }
0x252: {  	s3 =	sor.u32 s7, s15;
	v3 =	vld [tilespmem:s18+$0x0];
	[tilespmem:s2+$0x0] =	vst v4  }
0x253: {  	v7 =	vld [tilespmem:s3+$0x0];
	[tilespmem:s14+$0x0] =	vst v6  }
0x254: {  	v13 =	vld [tilespmem:s3+$0x800];
	[tilespmem:s6+$0x0] =	vst v12  }
0x255: {  	[tilespmem:s12+$0x0] =	vst v10  }
0x256: {  	s26 =	sadd.s32 $0x200, s26;
	[tilespmem:s8+$0x0] =	vst v11  }
0x257: {  	s9 =	sor.u32 $0x10, s16;
	s2 =	sand.u32 $0x3C00, s26;
	[tilespmem:s10+$0x0] =	vst v5  }
0x258: {  	[dreg:$0x4] =	wrdreg s17;
	s13 =	sor.u32 s7, s9;
	s17 =	sadd.s32 $0x9500, s2;
	[tilespmem:s11+$0x0] =	vst v9  }
0x259: {  	s29 =	sor.u32 $0x20, s16;
	v6 =	vld [tilespmem:s13+$0x0];
	s4 =	sor.u32 s15, s17;
	v9 =	vsel vm0, v7, v13;
	[tilespmem:s5+$0x0] =	vst v8  }
0x25a: {  	s1 =	sor.u32 s7, s29;
	v10 =	vld [tilespmem:s13+$0x800];
	[tilespmem:s4+$0x0] =	vst v9;
	v8 =	vsel vm1, v7, v13  }
0x25b: {  	v4 =	vld [tilespmem:s1+$0x0];
	s28 =	sor.u32 s16, s17;
	v0 =	vsel vm0, v2, v3;
	[tilespmem:s4+$0x80] =	vst v8  }
0x25c: {  	p0 =	por !p0, !p0;
	v5 =	vld [tilespmem:s1+$0x800];
	s1 =	simm.s32 $0x1;
	v1 =	vsel vm1, v2, v3;
	[tilespmem:s28+$0x0] =	vst v0  }
0x25d: {  	[dreg:$0x6] =	wrdreg s18;
	v40 =	vsel vm2, v2, v3;
	s1 =	simm.s32 @!p0 $0x0;
	[tilespmem:s28+$0x80] =	vst v1  }
0x25e: {  	s20 =	sor.u32 s9, s17;
	s30 =	sor.u32 s29, s17;
	s1 =	sshll.u32 s1, $0x6;
	v8 =	vsel vm2, v7, v13;
	[tilespmem:s28+$0x100] =	vst v40  }
0x25f: {  	s17 =	sadd.s32 $0xD680, s2;
	s13 =	sadd.s32 $0xD580, s2;
	s0 =	sadd.s32 s1, s26;
	v9 =	vsel vm0, v6, v10;
	[tilespmem:s4+$0x100] =	vst v8  }
0x260: {  	s14 =	sor.u32 s15, s13;
	v11 =	vsel vm1, v6, v10;
	s1 =	sadd.s32 $0x10, s0;
	s18 =	sadd.s32 $0x20, s0;
	[tilespmem:s20+$0x0] =	vst v9  }
0x261: {  	v12 =	vsel vm2, v6, v10;
	s19 =	sadd.s32 $0x30, s0;
	s5 =	sor.u32 $0x280, s0;
	[tilespmem:s20+$0x80] =	vst v11;
	s3 =	sor.u32 $0x200, s1  }
0x262: {  	v14 =	vsel vm3, v6, v10;
	[tilespmem:s20+$0x100] =	vst v12;
	s7 =	sor.u32 $0x280, s1;
	s21 =	sor.u32 $0x200, s19;
	s22 =	sor.u32 $0x300, s1  }
0x263: {  	v8 =	vsel vm3, v7, v13;
	[tilespmem:s20+$0x180] =	vst v14;
	s1 =	sor.u32 $0x380, s1;
	s23 =	sor.u32 $0x280, s19;
	[dreg:$0x12] =	wrdreg s5  }
0x264: {  	[tilespmem:s4+$0x180] =	vst v8;
	v8 =	vsel vm4, v7, v13;
	s31 =	sor.u32 $0x200, s18;
	s8 =	sor.u32 $0x300, s19;
	[smem:$0x7D6] =	sst s7  }
0x265: {  	v15 =	vsel vm4, v6, v10;
	s10 =	sor.u32 $0x380, s19;
	s19 =	sadd.s32 $0xD600, s2;
	[smem:$0x7D7] =	sst s22;
	[tilespmem:s21+$0x9500] =	vst v8  }
0x266: {  	s12 =	sor.u32 $0x300, s18;
	s4 =	sadd.s32 $0xD780, s2;
	v27 =	vsel vm0, v4, v5;
	[smem:$0x7D8] =	sst s1;
	[tilespmem:s3+$0x9500] =	vst v15  }
0x267: {  	v28 =	vsel vm1, v4, v5;
	s5 =	sor.u32 s9, s13;
	[dreg:$0xe] =	wrdreg s31;
	s7 =	sor.u32 $0x280, s18;
	[tilespmem:s30+$0x0] =	vst v27  }
0x268: {  	v29 =	vsel vm2, v4, v5;
	s22 =	sadd.s32 $0xD500, s2;
	[dreg:$0x18] =	wrdreg s12;
	s18 =	sor.u32 $0x380, s18;
	[tilespmem:s30+$0x80] =	vst v28  }
0x269: {  	v30 =	vsel vm3, v4, v5;
	s21 =	sor.u32 s15, s19;
	s31 =	sor.u32 s15, s17;
	s1 =	sor.u32 s9, s4;
	[tilespmem:s30+$0x100] =	vst v29  }
0x26a: {  	v8 =	vsel vm5, v7, v13;
	s3 =	sor.u32 s29, s17;
	[tilespmem:s30+$0x180] =	vst v30;
	[dreg:$0xc] =	wrdreg s7;
	s11 =	sor.u32 s15, s22  }
0x26b: {  	[tilespmem:s23+$0x9500] =	vst v8;
	v8 =	vsel vm6, v7, v13;
	[dreg:$0x1e] =	wrdreg s18;
	s23 =	sor.u32 $0x200, s0;
	s7 =	sadd.s32 $0xD700, s2  }
0x26c: {  	s18 =	sadd.s32 $0xD800, s2;
	s12 =	sor.u32 s16, s22;
	[tilespmem:s8+$0x9500] =	vst v8;
	v8 =	vsel vm7, v7, v13;
	[dreg:$0x10] =	wrdreg s23  }
0x26d: {  	s6 =	sor.u32 s15, s7;
	s8 =	sor.u32 $0x300, s0;
	s0 =	sor.u32 $0x380, s0;
	[tilespmem:s10+$0x9500] =	vst v8;
	v8 =	vsel vm8, v7, v13  }
0x26e: {  	[smem:$0x7D9] =	sst s12;
	s12 =	sor.u32 s16, s17;
	s23 =	sor.u32 s9, s17;
	[tilespmem:s11+$0x0] =	vst v8;
	v8 =	vsel vm9, v7, v13  }
0x26f: {  	s20 =	sor.u32 s9, s18;
	[smem:$0x7DB] =	sst s8;
	s10 =	sor.u32 s15, s4;
	[tilespmem:s14+$0x0] =	vst v8;
	v8 =	vsel vm10, v7, v13  }
0x270: {  	[smem:$0x7DA] =	sst s0;
	s8 =	sor.u32 s16, s7;
	s0 =	sor.u32 s9, s7;
	[tilespmem:s21+$0x0] =	vst v8;
	v8 =	vsel vm11, v7, v13  }
0x271: {  	s30 =	rddreg [dreg:$0x10];
	s11 =	sor.u32 s15, s18;
	s14 =	sor.u32 s16, s13;
	[tilespmem:s31+$0x0] =	vst v8;
	v8 =	vsel vm12, v7, v13  }
0x272: {  	[smem:$0x7DC] =	sst s14;
	s21 =	sor.u32 s9, s19;
	s31 =	sadd.s32 $0xD880, s2;
	[tilespmem:s6+$0x0] =	vst v8;
	v8 =	vsel vm13, v7, v13  }
0x273: {  	s15 =	sor.u32 s15, s31;
	s6 =	sor.u32 s16, s19;
	s2 =	sor.u32 s16, s31;
	[tilespmem:s10+$0x0] =	vst v8;
	v8 =	vsel vm14, v7, v13  }
0x274: {  	s14 =	sor.u32 s9, s31;
	v7 =	vsel vm15, v7, v13;
	s10 =	sor.u32 s16, s4;
	[tilespmem:s11+$0x0] =	vst v8;
	s11 =	sor.u32 s16, s18  }
0x275: {  	v42 =	vsel vm3, v2, v3;
	[tilespmem:s15+$0x0] =	vst v7;
	s15 =	sor.u32 s29, s13;
	s13 =	sor.u32 s29, s19;
	s19 =	sld [smem:$0x7D6]  }
0x276: {  	v43 =	vsel vm4, v2, v3;
	[tilespmem:s28+$0x180] =	vst v42;
	s16 =	sor.u32 s9, s22;
	s9 =	sor.u32 s29, s22;
	s22 =	sld [smem:$0x7D7]  }
0x277: {  	v16 =	vsel vm5, v6, v10;
	s17 =	sor.u32 s29, s18;
	[tilespmem:s30+$0x9500] =	vst v43;
	s18 =	sor.u32 s29, s31;
	s31 =	sld [smem:$0x7D8]  }
0x278: {  	v17 =	vsel vm6, v6, v10;
	[tilespmem:s19+$0x9500] =	vst v16  }
0x279: {  	v18 =	vsel vm7, v6, v10;
	[tilespmem:s22+$0x9500] =	vst v17  }
0x27a: {  	v19 =	vsel vm8, v6, v10;
	[tilespmem:s31+$0x9500] =	vst v18  }
0x27b: {  	v44 =	vsel vm5, v2, v3;
	s31 =	rddreg [dreg:$0x12];
	[tilespmem:s16+$0x0] =	vst v19  }
0x27c: {  	v20 =	vsel vm9, v6, v10;
	[tilespmem:s31+$0x9500] =	vst v44  }
0x27d: {  	v21 =	vsel vm10, v6, v10;
	[tilespmem:s5+$0x0] =	vst v20  }
0x27e: {  	v22 =	vsel vm11, v6, v10;
	[tilespmem:s21+$0x0] =	vst v21  }
0x27f: {  	v31 =	vsel vm4, v4, v5;
	s21 =	rddreg [dreg:$0xe];
	[tilespmem:s23+$0x0] =	vst v22  }
0x280: {  	v23 =	vsel vm12, v6, v10;
	[tilespmem:s21+$0x9500] =	vst v31  }
0x281: {  	v32 =	vsel vm5, v4, v5;
	s22 =	rddreg [dreg:$0xc];
	[tilespmem:s0+$0x0] =	vst v23  }
0x282: {  	v24 =	vsel vm13, v6, v10;
	[tilespmem:s22+$0x9500] =	vst v32  }
0x283: {  	v33 =	vsel vm6, v4, v5;
	s23 =	rddreg [dreg:$0x18];
	[tilespmem:s1+$0x0] =	vst v24  }
0x284: {  	v25 =	vsel vm14, v6, v10;
	[tilespmem:s23+$0x9500] =	vst v33  }
0x285: {  	v34 =	vsel vm7, v4, v5;
	s7 =	sor.u32 s29, s7;
	s4 =	sor.u32 s29, s4;
	s29 =	rddreg [dreg:$0x1e];
	[tilespmem:s20+$0x0] =	vst v25  }
0x286: {  	v26 =	vsel vm15, v6, v10;
	[tilespmem:s29+$0x9500] =	vst v34  }
0x287: {  	v35 =	vsel vm8, v4, v5;
	[tilespmem:s14+$0x0] =	vst v26  }
0x288: {  	v36 =	vsel vm9, v4, v5;
	[tilespmem:s9+$0x0] =	vst v35  }
0x289: {  	s24 =	sadd.s32 $0x4, s24;
	v37 =	vsel vm10, v4, v5;
	[tilespmem:s15+$0x0] =	vst v36  }
0x28a: {  	p1 =	slt.u32 s24, $0x7C;
	v14 =	vsel vm11, v4, v5;
	s5 =	smov.u32 s2;
	s2 =	sld [smem:$0x7D9];
	[tilespmem:s13+$0x0] =	vst v37  }
.Ltmp3:
0x28b: {  	v6 =	vsel vm9, v2, v3;
	v38 =	vsel vm12, v4, v5;
	s0 =	sld [smem:$0x7DA];
	[tilespmem:s3+$0x0] =	vst v14;
	(pc) =	sbr.rel @p1 .LBB2_9-.Ltmp3, $4  }
0x28c: {  	v10 =	vsel vm11, v2, v3;
	v12 =	vsel vm10, v2, v3;
	v39 =	vsel vm13, v4, v5;
	s1 =	sld [smem:$0x7DB];
	[tilespmem:s7+$0x0] =	vst v38  }
0x28d: {  	v11 =	vsel vm12, v2, v3;
	v9 =	vsel vm14, v2, v3;
	v15 =	vsel vm14, v4, v5;
	s14 =	sld [smem:$0x7DC];
	[tilespmem:s4+$0x0] =	vst v39  }
0x28e: {  	v41 =	vsel vm15, v4, v5;
	v4 =	vsel vm8, v2, v3;
	v5 =	vsel vm13, v2, v3;
	[tilespmem:s17+$0x0] =	vst v15;
	s17 =	rddreg [dreg:$0x4]  }
0x28f: {  	s25 =	sadd.s32 $0x40, s25;
	v13 =	vsel vm6, v2, v3;
	v8 =	vsel vm15, v2, v3;
	v7 =	vsel vm7, v2, v3;
	[tilespmem:s18+$0x0] =	vst v41;
	s18 =	rddreg [dreg:$0x6]  }
0x290: {  	[tilespmem:s1+$0x9500] =	vst v13  }
0x291: {  	[tilespmem:s0+$0x9500] =	vst v7  }
0x292: {  	[tilespmem:s2+$0x0] =	vst v4  }
0x293: {  	[tilespmem:s14+$0x0] =	vst v6  }
0x294: {  	[tilespmem:s6+$0x0] =	vst v12  }
0x295: {  	[tilespmem:s12+$0x0] =	vst v10  }
0x296: {  	[tilespmem:s8+$0x0] =	vst v11  }
0x297: {  	[tilespmem:s10+$0x0] =	vst v5  }
0x298: {  	s0 =	sld [smem:$0x7F8]  }
0x299: {  	s1 =	sld [smem:$0x7DD];
	[tilespmem:s11+$0x0] =	vst v9  }
0x29a: {  	[tilespmem:s5+$0x0] =	vst v8  }
0x29b: {  	s31 =	sld [smem:$0x7E5];
	_ =	sdelay $0x2  }
0x29c: {  	s0 =	sadd.s32 s0, s1;
	s1 =	sadd.s32 $0x1, s31  }
0x29d: {  	p0 =	sne.s32 s1, $0x20  }
.Ltmp4:
0x29e: {  	_ = 	snop;
	(pc) =	sbr.rel @p0 .LBB2_6-.Ltmp4, $4  }
0x29f: {  	_ = 	snop  }
0x2a0: {  	s28 =	rddreg [dreg:$0x2];
	s0 =	sshll.u32 s0, $0x8  }
0x2a1: {  	s29 =	simm.s32 $0x0;
	s30 =	simm.s32 $0x9500;
	s0 =	sadd.s32 s28, s0  }
0x2a2: {  	[hbm4b:s0+s29] =	stream.linear.scatter [tilespmem:s30], [sflag:$0x2], $0x8000, $0x38;
	[tilespmem:$0x11500] =	vst v63  }
0x2a3: {  	s0 =	simm.s32 $0x1  }
0x2a4: {  	_ =	swait.ge [sflag:s0], $0x8000  }
0x2a5: {  	[sflag:s0] =	ssyncset.done $0x0  }
0x2a6: {  	s1 =	simm.s32 $0x2;
	[sflag:s0] =	ssyncadd.s32 $0xFFFF8000  }
0x2a7: {  	_ =	swait.ge [sflag:s1], $0x8000  }
0x2a8: {  	s2 =	sld [smem:$0x7F7]  }
0x2a9: {  	s31 =	sld [smem:$0x7FD];
	_ =	sdelay $0x1  }
0x2aa: {  	s2 =	sadd.s32 $0x1, s2  }
0x2ab: {  	p0 =	sne.s32 s2, s31  }
.Ltmp5:
0x2ac: {  	_ = 	snop;
	(pc) =	sbr.rel @p0 .LBB2_1-.Ltmp5, $3  }
0x2ad: {  	_ =	sdelay $0x1  }
0x2ae: {  	[sflag:s1] =	ssyncset.done $0x0  }
0x2af: {  	[sflag:s1] =	ssyncadd.s32 $0xFFFF8000  }
0x2b0: {  	_ =	sfence.sel $0x180000  }
0x2b1: {  	[bflag:$0x0] =	sbarrier.arrive $0xFFFF  }
0x2b2: {  	_ =	strace $0x90000047  }
0x2b3: {  	s0 =	stileid.u32;
	[bflag:$0x2] =	sbarrier.arrive $0xFFFF  }
0x2b4: {  	p0 =	sne.s32 s0, $0x0;
	s0 =	rddreg [dreg:$0x3]  }
0x2b5: {  	s0 =	sadd.s32 @!p0 $0x100000, s0  }
0x2b6: {  	[sflag:s0] =	ssyncadd.tile.s32 @!p0 $0x1;
	_ =	shalt  }
.Lfunc_end2:
_tile_overlayer_lowered:
.L_overlay_start_2:
0x2b7: {  	(tag) =	ssettag $0x2  }
0x2b8: {  	s0 =	rddreg [dreg:$0x0];
	s2 =	stileid.u32  }
0x2b9: {  	s1 =	rddreg [dreg:$0x1];
	p0 =	sne.s32 s2, $0x0  }
0x2ba: {  	s3 =	rddreg [dreg:$0x2];
	[bflag:$0x3] =	sbarrier.arrive $0xFFFF;
	s2 =	simm.s32 @!p0 $0x1C03  }
0x2bb: {  	[timem:s3], [sflag:s2] =	dma.local @!p0 [hbm:s0], s1  }
0x2bc: {  	s0 =	simm.s32 @!p0 $0x3  }
0x2bd: {  	_ =	swait.ge @!p0 [sflag:s0], s1  }
0x2be: {  	s1 =	ssub.s32 @!p0 $0x0, s1;
	[sflag:s0] =	ssyncset.done @!p0 $0x0  }
0x2bf: {  	[sflag:s0] =	ssyncadd.s32 @!p0 s1  }
0x2c0: {  	[bflag:$0x3] =	sbarrier.arrive $0xFFFF  }
0x2c1: {  	_ =	shalt  }

</sc_bundles>
